<compile_context>
chip_gen: v7x
topology: tpu7x:2x2x1
jax: 0.10.2.dev20260603
libtpu: 0.0.44.dev20260713+nightly
codegen_flags: <defaults>
</compile_context>

<pallas_src>
import functools

import jax
import jax.numpy as jnp
from jax import lax
from jax.experimental import pallas as pl
from jax.experimental.pallas import tpu as pltpu
from jax.experimental.pallas import tpu_sc as plsc



def _sort_body(s_ref, idx_ref, fidx_ref):
    B, N = s_ref.shape
    K = N // 2
    s = s_ref[...]
    idx = lax.broadcasted_iota(jnp.int32, (B, N), 1)
    pos = lax.broadcasted_iota(jnp.int32, (B, N), 1)

    k = 2
    while k <= N:
        j = k // 2
        while j >= 1:
            s_m = pltpu.roll(s, j, 1)
            s_p = pltpu.roll(s, N - j, 1)
            i_m = pltpu.roll(idx, j, 1)
            i_p = pltpu.roll(idx, N - j, 1)
            hi = (pos & j) != 0
            s_part = jnp.where(hi, s_m, s_p)
            i_part = jnp.where(hi, i_m, i_p)
            first = (s > s_part) | ((s == s_part) & (idx < i_part))
            dirf = (pos & k) == 0
            want_first = jnp.logical_not(hi) == dirf
            take = jnp.logical_xor(first, want_first)
            s = jnp.where(take, s_part, s)
            idx = jnp.where(take, i_part, idx)
            j //= 2
        k *= 2

    top = idx[:, :K]
    idx_ref[...] = top
    off = lax.broadcasted_iota(jnp.int32, (B, K), 0) * N
    fidx_ref[...] = top + off


def _topk(scores):
    B, N = scores.shape
    K = N // 2
    return pl.pallas_call(
        _sort_body,
        out_shape=(
            jax.ShapeDtypeStruct((B, K), jnp.int32),
            jax.ShapeDtypeStruct((B, K), jnp.int32),
        ),
    )(scores)



_INFO = plsc.get_sparse_core_info()
_NC = _INFO.num_cores
_NS = _INFO.num_subcores
_NW = _NC * _NS


def _make_gather(R, D, CHUNK):
    rpw = R // _NW
    n_chunks = rpw // CHUNK
    mesh = plsc.VectorSubcoreMesh(core_axis_name="c", subcore_axis_name="s")

    @functools.partial(
        pl.kernel,
        mesh=mesh,
        out_type=jax.ShapeDtypeStruct((R, D), jnp.float32),
        scratch_types=[
            pltpu.VMEM((rpw,), jnp.int32),
            pltpu.VMEM((CHUNK, D), jnp.float32),
            pltpu.VMEM((CHUNK, D), jnp.float32),
            pltpu.SemaphoreType.DMA,
            pltpu.SemaphoreType.DMA,
        ],
    )
    def gather(x_hbm, fidx_hbm, out_hbm, idx_v, buf0, buf1, sem0, sem1):
        wid = lax.axis_index("s") * _NC + lax.axis_index("c")
        base = wid * rpw
        pltpu.sync_copy(fidx_hbm.at[pl.ds(base, rpw)], idx_v)

        bufs = (buf0, buf1)
        sems = (sem0, sem1)

        def start(g):
            return pltpu.async_copy(
                x_hbm.at[idx_v.at[pl.ds(g * CHUNK, CHUNK)]],
                bufs[g % 2], sems[g % 2])

        pend = start(0)
        for g in range(n_chunks):
            nxt = start(g + 1) if g + 1 < n_chunks else None
            pend.wait()
            pltpu.sync_copy(bufs[g % 2], out_hbm.at[pl.ds(base + g * CHUNK, CHUNK)])
            pend = nxt

    return gather



def kernel(x, W1, b1, W2, b2):
    B, N, D = x.shape
    K = N // 2
    h = jax.nn.gelu(jnp.einsum('bnd,dh->bnh', x, W1) + b1, approximate=False)
    scores = (jnp.einsum('bnh,ho->bno', h, W2) + b2)[..., 0]
    idx, fidx = _topk(scores)
    xf = x.reshape(B * N, D)
    out = _make_gather(B * K, D, 32)(xf, fidx.reshape(B * K))
    return out.reshape(B, K, D), idx

# --- scband reference (transcript-rebuilt; emitter-appended) ---
"""Pipeline reference for scband-token-compression-19481971654913 (READ-ONLY COPY).

The authoritative reference and input builder live on the scoring server;
editing this copy changes nothing except your own understanding.
"""

import jax, jax.numpy as jnp
import numpy as np

EMBED_DIM = 1024
COMPRESSION_RATIO = 0.5

def setup_inputs(seed: int = 0) -> dict:
    key = jax.random.key(seed)
    k1, k2, k3, k4, k5 = jax.random.split(key, 5)
    B, N, D = 4, 4096, EMBED_DIM
    H = D // 4
    x = jax.random.normal(k1, (B, N, D), dtype=jnp.float32)
    W1 = jax.random.normal(k2, (D, H), dtype=jnp.float32) * (1.0 / np.sqrt(D))
    b1 = jnp.zeros((H,), dtype=jnp.float32)
    W2 = jax.random.normal(k3, (H, 1), dtype=jnp.float32) * (1.0 / np.sqrt(H))
    b2 = jnp.zeros((1,), dtype=jnp.float32)
    return {"x": x, "W1": W1, "b1": b1, "W2": W2, "b2": b2}

def reference(x, W1, b1, W2, b2):
    B, N, D = x.shape
    h = jax.nn.gelu(jnp.einsum('bnd,dh->bnh', x, W1) + b1, approximate=False)
    scores = (jnp.einsum('bnh,ho->bno', h, W2) + b2)[..., 0]  # (B, N)
    n_keep = int(N * COMPRESSION_RATIO)
    _, indices = jax.lax.top_k(scores, n_keep)  # sorted descending by score, like torch.topk
    compressed_x = jnp.take_along_axis(x, indices[..., None], axis=1)  # (B, n_keep, D)
    return (compressed_x, indices)

if __name__ == "__main__":
    import jax
    _d = setup_inputs()
    print(jax.jit(kernel)(*tuple(_d.values())))

</pallas_src>

<mosaic_0001>
#map = affine_map<(d0, d1) -> (0, 0)>
#map1 = affine_map<(d0, d1) -> (0)>
module attributes {stable_mosaic.version = 14 : i64} {
  func.func @gather(%arg0: i32, %arg1: i32, %arg2: memref<16384x1024xf32, #tpu.memory_space<hbm>>, %arg3: memref<8192xi32, #tpu.memory_space<hbm>>, %arg4: memref<8192x1024xf32, #tpu.memory_space<hbm>>, %arg5: memref<256xi32, #tpu.memory_space<vmem>>, %arg6: memref<32x1024xf32, #tpu.memory_space<vmem>>, %arg7: memref<32x1024xf32, #tpu.memory_space<vmem>>, %arg8: memref<!tpu.dma_semaphore, #tpu.memory_space<semaphore_mem>>, %arg9: memref<!tpu.dma_semaphore, #tpu.memory_space<semaphore_mem>>) attributes {dimension_semantics = [#tpu.dimension_semantics<core_parallel>, #tpu.dimension_semantics<subcore_parallel>], iteration_bounds = array<i64: 2, 16>, scalar_prefetch = 0 : i64, scratch_operands = 5 : i64, tpu.core_type = #tpu.core_type<sc_vector_subcore>, window_params = [{transform_indices = #map}, {transform_indices = #map1}, {transform_indices = #map}]} {
    %mul3A = arith.constant 2 : i32
    %mul3A_0 = arith.muli %arg1, %mul3A : i32
    %add3A = arith.addi %mul3A_0, %arg0 : i32
    %mul3A_1 = arith.constant 256 : i32
    %mul3A_2 = arith.muli %add3A, %mul3A_1 : i32
    "tpu.region"() ({
      %run_scoped3A = tpu.sem_alloc : memref<!tpu.dma_semaphore, #tpu.memory_space<semaphore_mem>>
      %dma_start3A_97 = tpu.memref_slice %arg3[%mul3A_2] : memref<8192xi32, #tpu.memory_space<hbm>> -> memref<256xi32, #tpu.memory_space<hbm>>
      %dma_start3A_98 = tpu.memref_slice %arg3[%mul3A_2] : memref<8192xi32, #tpu.memory_space<hbm>> -> memref<256xi32, #tpu.memory_space<hbm>>
      tpu.enqueue_dma source(%dma_start3A_98 : memref<256xi32, #tpu.memory_space<hbm>>) target(%arg5 : memref<256xi32, #tpu.memory_space<vmem>>) target_semaphore(%run_scoped3A : memref<!tpu.dma_semaphore, #tpu.memory_space<semaphore_mem>>)
      %dma_wait3A_99 = tpu.memref_slice %arg3[%mul3A_2] : memref<8192xi32, #tpu.memory_space<hbm>> -> memref<256xi32, #tpu.memory_space<hbm>>
      %dma_wait3A_100 = tpu.memref_slice %arg3[%mul3A_2] : memref<8192xi32, #tpu.memory_space<hbm>> -> memref<256xi32, #tpu.memory_space<hbm>>
      tpu.wait_dma2 semaphore(%run_scoped3A : memref<!tpu.dma_semaphore, #tpu.memory_space<semaphore_mem>>) src(%dma_wait3A_100 : memref<256xi32, #tpu.memory_space<hbm>>) dst(%arg5 : memref<256xi32, #tpu.memory_space<vmem>>)
      tpu.yield
    }) : () -> ()
    %dma_start3A = arith.constant 0 : i32
    %dma_start3A_3 = tpu.memref_slice %arg5[%dma_start3A] : memref<256xi32, #tpu.memory_space<vmem>> -> memref<32xi32, #tpu.memory_space<vmem>>
    %dma_start3A_4 = arith.constant 0 : i32
    %dma_start3A_5 = arith.constant 0 : i32
    %dma_start3A_6 = tpu.memref_slice %arg2[%dma_start3A_4, %dma_start3A_5] : memref<16384x1024xf32, #tpu.memory_space<hbm>> -> memref<16384x1024xf32, #tpu.memory_space<hbm>>
    tpu.enqueue_indirect_dma source(%dma_start3A_6 : memref<16384x1024xf32, #tpu.memory_space<hbm>>) target(%arg6 : memref<32x1024xf32, #tpu.memory_space<vmem>>) offsets(%dma_start3A_3 : memref<32xi32, #tpu.memory_space<vmem>>) semaphore(%arg8 : memref<!tpu.dma_semaphore, #tpu.memory_space<semaphore_mem>>)
    %dma_start3A_7 = arith.constant 32 : i32
    %dma_start3A_8 = tpu.memref_slice %arg5[%dma_start3A_7] : memref<256xi32, #tpu.memory_space<vmem>> -> memref<32xi32, #tpu.memory_space<vmem>>
    %dma_start3A_9 = arith.constant 0 : i32
    %dma_start3A_10 = arith.constant 0 : i32
    %dma_start3A_11 = tpu.memref_slice %arg2[%dma_start3A_9, %dma_start3A_10] : memref<16384x1024xf32, #tpu.memory_space<hbm>> -> memref<16384x1024xf32, #tpu.memory_space<hbm>>
    tpu.enqueue_indirect_dma source(%dma_start3A_11 : memref<16384x1024xf32, #tpu.memory_space<hbm>>) target(%arg7 : memref<32x1024xf32, #tpu.memory_space<vmem>>) offsets(%dma_start3A_8 : memref<32xi32, #tpu.memory_space<vmem>>) semaphore(%arg9 : memref<!tpu.dma_semaphore, #tpu.memory_space<semaphore_mem>>)
    %dma_wait3A = arith.constant 0 : i32
    %dma_wait3A_12 = tpu.memref_slice %arg5[%dma_wait3A] : memref<256xi32, #tpu.memory_space<vmem>> -> memref<32xi32, #tpu.memory_space<vmem>>
    %dma_wait3A_13 = arith.constant 0 : i32
    %dma_wait3A_14 = arith.constant 0 : i32
    %dma_wait3A_15 = tpu.memref_slice %arg2[%dma_wait3A_13, %dma_wait3A_14] : memref<16384x1024xf32, #tpu.memory_space<hbm>> -> memref<16384x1024xf32, #tpu.memory_space<hbm>>
    tpu.wait_indirect_dma semaphore(%arg8 : memref<!tpu.dma_semaphore, #tpu.memory_space<semaphore_mem>>) src(%dma_wait3A_15 : memref<16384x1024xf32, #tpu.memory_space<hbm>>) dst(%arg6 : memref<32x1024xf32, #tpu.memory_space<vmem>>)
    %add3A_16 = arith.constant 0 : i32
    %add3A_17 = arith.addi %mul3A_2, %add3A_16 : i32
    "tpu.region"() ({
      %run_scoped3A = tpu.sem_alloc : memref<!tpu.dma_semaphore, #tpu.memory_space<semaphore_mem>>
      %dma_start3A_97 = arith.constant 0 : i32
      %dma_start3A_98 = tpu.memref_slice %arg4[%add3A_17, %dma_start3A_97] : memref<8192x1024xf32, #tpu.memory_space<hbm>> -> memref<32x1024xf32, #tpu.memory_space<hbm>>
      %dma_start3A_99 = arith.constant 0 : i32
      %dma_start3A_100 = tpu.memref_slice %arg4[%add3A_17, %dma_start3A_99] : memref<8192x1024xf32, #tpu.memory_space<hbm>> -> memref<32x1024xf32, #tpu.memory_space<hbm>>
      tpu.enqueue_dma source(%arg6 : memref<32x1024xf32, #tpu.memory_space<vmem>>) target(%dma_start3A_100 : memref<32x1024xf32, #tpu.memory_space<hbm>>) target_semaphore(%run_scoped3A : memref<!tpu.dma_semaphore, #tpu.memory_space<semaphore_mem>>)
      %dma_wait3A_101 = arith.constant 0 : i32
      %dma_wait3A_102 = tpu.memref_slice %arg4[%add3A_17, %dma_wait3A_101] : memref<8192x1024xf32, #tpu.memory_space<hbm>> -> memref<32x1024xf32, #tpu.memory_space<hbm>>
      %dma_wait3A_103 = arith.constant 0 : i32
      %dma_wait3A_104 = tpu.memref_slice %arg4[%add3A_17, %dma_wait3A_103] : memref<8192x1024xf32, #tpu.memory_space<hbm>> -> memref<32x1024xf32, #tpu.memory_space<hbm>>
      tpu.wait_dma2 semaphore(%run_scoped3A : memref<!tpu.dma_semaphore, #tpu.memory_space<semaphore_mem>>) src(%arg6 : memref<32x1024xf32, #tpu.memory_space<vmem>>) dst(%dma_wait3A_104 : memref<32x1024xf32, #tpu.memory_space<hbm>>)
      tpu.yield
    }) : () -> ()
    %dma_start3A_18 = arith.constant 64 : i32
    %dma_start3A_19 = tpu.memref_slice %arg5[%dma_start3A_18] : memref<256xi32, #tpu.memory_space<vmem>> -> memref<32xi32, #tpu.memory_space<vmem>>
    %dma_start3A_20 = arith.constant 0 : i32
    %dma_start3A_21 = arith.constant 0 : i32
    %dma_start3A_22 = tpu.memref_slice %arg2[%dma_start3A_20, %dma_start3A_21] : memref<16384x1024xf32, #tpu.memory_space<hbm>> -> memref<16384x1024xf32, #tpu.memory_space<hbm>>
    tpu.enqueue_indirect_dma source(%dma_start3A_22 : memref<16384x1024xf32, #tpu.memory_space<hbm>>) target(%arg6 : memref<32x1024xf32, #tpu.memory_space<vmem>>) offsets(%dma_start3A_19 : memref<32xi32, #tpu.memory_space<vmem>>) semaphore(%arg8 : memref<!tpu.dma_semaphore, #tpu.memory_space<semaphore_mem>>)
    %dma_wait3A_23 = arith.constant 32 : i32
    %dma_wait3A_24 = tpu.memref_slice %arg5[%dma_wait3A_23] : memref<256xi32, #tpu.memory_space<vmem>> -> memref<32xi32, #tpu.memory_space<vmem>>
    %dma_wait3A_25 = arith.constant 0 : i32
    %dma_wait3A_26 = arith.constant 0 : i32
    %dma_wait3A_27 = tpu.memref_slice %arg2[%dma_wait3A_25, %dma_wait3A_26] : memref<16384x1024xf32, #tpu.memory_space<hbm>> -> memref<16384x1024xf32, #tpu.memory_space<hbm>>
    tpu.wait_indirect_dma semaphore(%arg9 : memref<!tpu.dma_semaphore, #tpu.memory_space<semaphore_mem>>) src(%dma_wait3A_27 : memref<16384x1024xf32, #tpu.memory_space<hbm>>) dst(%arg7 : memref<32x1024xf32, #tpu.memory_space<vmem>>)
    %add3A_28 = arith.constant 32 : i32
    %add3A_29 = arith.addi %mul3A_2, %add3A_28 : i32
    "tpu.region"() ({
      %run_scoped3A = tpu.sem_alloc : memref<!tpu.dma_semaphore, #tpu.memory_space<semaphore_mem>>
      %dma_start3A_97 = arith.constant 0 : i32
      %dma_start3A_98 = tpu.memref_slice %arg4[%add3A_29, %dma_start3A_97] : memref<8192x1024xf32, #tpu.memory_space<hbm>> -> memref<32x1024xf32, #tpu.memory_space<hbm>>
      %dma_start3A_99 = arith.constant 0 : i32
      %dma_start3A_100 = tpu.memref_slice %arg4[%add3A_29, %dma_start3A_99] : memref<8192x1024xf32, #tpu.memory_space<hbm>> -> memref<32x1024xf32, #tpu.memory_space<hbm>>
      tpu.enqueue_dma source(%arg7 : memref<32x1024xf32, #tpu.memory_space<vmem>>) target(%dma_start3A_100 : memref<32x1024xf32, #tpu.memory_space<hbm>>) target_semaphore(%run_scoped3A : memref<!tpu.dma_semaphore, #tpu.memory_space<semaphore_mem>>)
      %dma_wait3A_101 = arith.constant 0 : i32
      %dma_wait3A_102 = tpu.memref_slice %arg4[%add3A_29, %dma_wait3A_101] : memref<8192x1024xf32, #tpu.memory_space<hbm>> -> memref<32x1024xf32, #tpu.memory_space<hbm>>
      %dma_wait3A_103 = arith.constant 0 : i32
      %dma_wait3A_104 = tpu.memref_slice %arg4[%add3A_29, %dma_wait3A_103] : memref<8192x1024xf32, #tpu.memory_space<hbm>> -> memref<32x1024xf32, #tpu.memory_space<hbm>>
      tpu.wait_dma2 semaphore(%run_scoped3A : memref<!tpu.dma_semaphore, #tpu.memory_space<semaphore_mem>>) src(%arg7 : memref<32x1024xf32, #tpu.memory_space<vmem>>) dst(%dma_wait3A_104 : memref<32x1024xf32, #tpu.memory_space<hbm>>)
      tpu.yield
    }) : () -> ()
    %dma_start3A_30 = arith.constant 96 : i32
    %dma_start3A_31 = tpu.memref_slice %arg5[%dma_start3A_30] : memref<256xi32, #tpu.memory_space<vmem>> -> memref<32xi32, #tpu.memory_space<vmem>>
    %dma_start3A_32 = arith.constant 0 : i32
    %dma_start3A_33 = arith.constant 0 : i32
    %dma_start3A_34 = tpu.memref_slice %arg2[%dma_start3A_32, %dma_start3A_33] : memref<16384x1024xf32, #tpu.memory_space<hbm>> -> memref<16384x1024xf32, #tpu.memory_space<hbm>>
    tpu.enqueue_indirect_dma source(%dma_start3A_34 : memref<16384x1024xf32, #tpu.memory_space<hbm>>) target(%arg7 : memref<32x1024xf32, #tpu.memory_space<vmem>>) offsets(%dma_start3A_31 : memref<32xi32, #tpu.memory_space<vmem>>) semaphore(%arg9 : memref<!tpu.dma_semaphore, #tpu.memory_space<semaphore_mem>>)
    %dma_wait3A_35 = arith.constant 64 : i32
    %dma_wait3A_36 = tpu.memref_slice %arg5[%dma_wait3A_35] : memref<256xi32, #tpu.memory_space<vmem>> -> memref<32xi32, #tpu.memory_space<vmem>>
    %dma_wait3A_37 = arith.constant 0 : i32
    %dma_wait3A_38 = arith.constant 0 : i32
    %dma_wait3A_39 = tpu.memref_slice %arg2[%dma_wait3A_37, %dma_wait3A_38] : memref<16384x1024xf32, #tpu.memory_space<hbm>> -> memref<16384x1024xf32, #tpu.memory_space<hbm>>
    tpu.wait_indirect_dma semaphore(%arg8 : memref<!tpu.dma_semaphore, #tpu.memory_space<semaphore_mem>>) src(%dma_wait3A_39 : memref<16384x1024xf32, #tpu.memory_space<hbm>>) dst(%arg6 : memref<32x1024xf32, #tpu.memory_space<vmem>>)
    %add3A_40 = arith.constant 64 : i32
    %add3A_41 = arith.addi %mul3A_2, %add3A_40 : i32
    "tpu.region"() ({
      %run_scoped3A = tpu.sem_alloc : memref<!tpu.dma_semaphore, #tpu.memory_space<semaphore_mem>>
      %dma_start3A_97 = arith.constant 0 : i32
      %dma_start3A_98 = tpu.memref_slice %arg4[%add3A_41, %dma_start3A_97] : memref<8192x1024xf32, #tpu.memory_space<hbm>> -> memref<32x1024xf32, #tpu.memory_space<hbm>>
      %dma_start3A_99 = arith.constant 0 : i32
      %dma_start3A_100 = tpu.memref_slice %arg4[%add3A_41, %dma_start3A_99] : memref<8192x1024xf32, #tpu.memory_space<hbm>> -> memref<32x1024xf32, #tpu.memory_space<hbm>>
      tpu.enqueue_dma source(%arg6 : memref<32x1024xf32, #tpu.memory_space<vmem>>) target(%dma_start3A_100 : memref<32x1024xf32, #tpu.memory_space<hbm>>) target_semaphore(%run_scoped3A : memref<!tpu.dma_semaphore, #tpu.memory_space<semaphore_mem>>)
      %dma_wait3A_101 = arith.constant 0 : i32
      %dma_wait3A_102 = tpu.memref_slice %arg4[%add3A_41, %dma_wait3A_101] : memref<8192x1024xf32, #tpu.memory_space<hbm>> -> memref<32x1024xf32, #tpu.memory_space<hbm>>
      %dma_wait3A_103 = arith.constant 0 : i32
      %dma_wait3A_104 = tpu.memref_slice %arg4[%add3A_41, %dma_wait3A_103] : memref<8192x1024xf32, #tpu.memory_space<hbm>> -> memref<32x1024xf32, #tpu.memory_space<hbm>>
      tpu.wait_dma2 semaphore(%run_scoped3A : memref<!tpu.dma_semaphore, #tpu.memory_space<semaphore_mem>>) src(%arg6 : memref<32x1024xf32, #tpu.memory_space<vmem>>) dst(%dma_wait3A_104 : memref<32x1024xf32, #tpu.memory_space<hbm>>)
      tpu.yield
    }) : () -> ()
    %dma_start3A_42 = arith.constant 128 : i32
    %dma_start3A_43 = tpu.memref_slice %arg5[%dma_start3A_42] : memref<256xi32, #tpu.memory_space<vmem>> -> memref<32xi32, #tpu.memory_space<vmem>>
    %dma_start3A_44 = arith.constant 0 : i32
    %dma_start3A_45 = arith.constant 0 : i32
    %dma_start3A_46 = tpu.memref_slice %arg2[%dma_start3A_44, %dma_start3A_45] : memref<16384x1024xf32, #tpu.memory_space<hbm>> -> memref<16384x1024xf32, #tpu.memory_space<hbm>>
    tpu.enqueue_indirect_dma source(%dma_start3A_46 : memref<16384x1024xf32, #tpu.memory_space<hbm>>) target(%arg6 : memref<32x1024xf32, #tpu.memory_space<vmem>>) offsets(%dma_start3A_43 : memref<32xi32, #tpu.memory_space<vmem>>) semaphore(%arg8 : memref<!tpu.dma_semaphore, #tpu.memory_space<semaphore_mem>>)
    %dma_wait3A_47 = arith.constant 96 : i32
    %dma_wait3A_48 = tpu.memref_slice %arg5[%dma_wait3A_47] : memref<256xi32, #tpu.memory_space<vmem>> -> memref<32xi32, #tpu.memory_space<vmem>>
    %dma_wait3A_49 = arith.constant 0 : i32
    %dma_wait3A_50 = arith.constant 0 : i32
    %dma_wait3A_51 = tpu.memref_slice %arg2[%dma_wait3A_49, %dma_wait3A_50] : memref<16384x1024xf32, #tpu.memory_space<hbm>> -> memref<16384x1024xf32, #tpu.memory_space<hbm>>
    tpu.wait_indirect_dma semaphore(%arg9 : memref<!tpu.dma_semaphore, #tpu.memory_space<semaphore_mem>>) src(%dma_wait3A_51 : memref<16384x1024xf32, #tpu.memory_space<hbm>>) dst(%arg7 : memref<32x1024xf32, #tpu.memory_space<vmem>>)
    %add3A_52 = arith.constant 96 : i32
    %add3A_53 = arith.addi %mul3A_2, %add3A_52 : i32
    "tpu.region"() ({
      %run_scoped3A = tpu.sem_alloc : memref<!tpu.dma_semaphore, #tpu.memory_space<semaphore_mem>>
      %dma_start3A_97 = arith.constant 0 : i32
      %dma_start3A_98 = tpu.memref_slice %arg4[%add3A_53, %dma_start3A_97] : memref<8192x1024xf32, #tpu.memory_space<hbm>> -> memref<32x1024xf32, #tpu.memory_space<hbm>>
      %dma_start3A_99 = arith.constant 0 : i32
      %dma_start3A_100 = tpu.memref_slice %arg4[%add3A_53, %dma_start3A_99] : memref<8192x1024xf32, #tpu.memory_space<hbm>> -> memref<32x1024xf32, #tpu.memory_space<hbm>>
      tpu.enqueue_dma source(%arg7 : memref<32x1024xf32, #tpu.memory_space<vmem>>) target(%dma_start3A_100 : memref<32x1024xf32, #tpu.memory_space<hbm>>) target_semaphore(%run_scoped3A : memref<!tpu.dma_semaphore, #tpu.memory_space<semaphore_mem>>)
      %dma_wait3A_101 = arith.constant 0 : i32
      %dma_wait3A_102 = tpu.memref_slice %arg4[%add3A_53, %dma_wait3A_101] : memref<8192x1024xf32, #tpu.memory_space<hbm>> -> memref<32x1024xf32, #tpu.memory_space<hbm>>
      %dma_wait3A_103 = arith.constant 0 : i32
      %dma_wait3A_104 = tpu.memref_slice %arg4[%add3A_53, %dma_wait3A_103] : memref<8192x1024xf32, #tpu.memory_space<hbm>> -> memref<32x1024xf32, #tpu.memory_space<hbm>>
      tpu.wait_dma2 semaphore(%run_scoped3A : memref<!tpu.dma_semaphore, #tpu.memory_space<semaphore_mem>>) src(%arg7 : memref<32x1024xf32, #tpu.memory_space<vmem>>) dst(%dma_wait3A_104 : memref<32x1024xf32, #tpu.memory_space<hbm>>)
      tpu.yield
    }) : () -> ()
    %dma_start3A_54 = arith.constant 160 : i32
    %dma_start3A_55 = tpu.memref_slice %arg5[%dma_start3A_54] : memref<256xi32, #tpu.memory_space<vmem>> -> memref<32xi32, #tpu.memory_space<vmem>>
    %dma_start3A_56 = arith.constant 0 : i32
    %dma_start3A_57 = arith.constant 0 : i32
    %dma_start3A_58 = tpu.memref_slice %arg2[%dma_start3A_56, %dma_start3A_57] : memref<16384x1024xf32, #tpu.memory_space<hbm>> -> memref<16384x1024xf32, #tpu.memory_space<hbm>>
    tpu.enqueue_indirect_dma source(%dma_start3A_58 : memref<16384x1024xf32, #tpu.memory_space<hbm>>) target(%arg7 : memref<32x1024xf32, #tpu.memory_space<vmem>>) offsets(%dma_start3A_55 : memref<32xi32, #tpu.memory_space<vmem>>) semaphore(%arg9 : memref<!tpu.dma_semaphore, #tpu.memory_space<semaphore_mem>>)
    %dma_wait3A_59 = arith.constant 128 : i32
    %dma_wait3A_60 = tpu.memref_slice %arg5[%dma_wait3A_59] : memref<256xi32, #tpu.memory_space<vmem>> -> memref<32xi32, #tpu.memory_space<vmem>>
    %dma_wait3A_61 = arith.constant 0 : i32
    %dma_wait3A_62 = arith.constant 0 : i32
    %dma_wait3A_63 = tpu.memref_slice %arg2[%dma_wait3A_61, %dma_wait3A_62] : memref<16384x1024xf32, #tpu.memory_space<hbm>> -> memref<16384x1024xf32, #tpu.memory_space<hbm>>
    tpu.wait_indirect_dma semaphore(%arg8 : memref<!tpu.dma_semaphore, #tpu.memory_space<semaphore_mem>>) src(%dma_wait3A_63 : memref<16384x1024xf32, #tpu.memory_space<hbm>>) dst(%arg6 : memref<32x1024xf32, #tpu.memory_space<vmem>>)
    %add3A_64 = arith.constant 128 : i32
    %add3A_65 = arith.addi %mul3A_2, %add3A_64 : i32
    "tpu.region"() ({
      %run_scoped3A = tpu.sem_alloc : memref<!tpu.dma_semaphore, #tpu.memory_space<semaphore_mem>>
      %dma_start3A_97 = arith.constant 0 : i32
      %dma_start3A_98 = tpu.memref_slice %arg4[%add3A_65, %dma_start3A_97] : memref<8192x1024xf32, #tpu.memory_space<hbm>> -> memref<32x1024xf32, #tpu.memory_space<hbm>>
      %dma_start3A_99 = arith.constant 0 : i32
      %dma_start3A_100 = tpu.memref_slice %arg4[%add3A_65, %dma_start3A_99] : memref<8192x1024xf32, #tpu.memory_space<hbm>> -> memref<32x1024xf32, #tpu.memory_space<hbm>>
      tpu.enqueue_dma source(%arg6 : memref<32x1024xf32, #tpu.memory_space<vmem>>) target(%dma_start3A_100 : memref<32x1024xf32, #tpu.memory_space<hbm>>) target_semaphore(%run_scoped3A : memref<!tpu.dma_semaphore, #tpu.memory_space<semaphore_mem>>)
      %dma_wait3A_101 = arith.constant 0 : i32
      %dma_wait3A_102 = tpu.memref_slice %arg4[%add3A_65, %dma_wait3A_101] : memref<8192x1024xf32, #tpu.memory_space<hbm>> -> memref<32x1024xf32, #tpu.memory_space<hbm>>
      %dma_wait3A_103 = arith.constant 0 : i32
      %dma_wait3A_104 = tpu.memref_slice %arg4[%add3A_65, %dma_wait3A_103] : memref<8192x1024xf32, #tpu.memory_space<hbm>> -> memref<32x1024xf32, #tpu.memory_space<hbm>>
      tpu.wait_dma2 semaphore(%run_scoped3A : memref<!tpu.dma_semaphore, #tpu.memory_space<semaphore_mem>>) src(%arg6 : memref<32x1024xf32, #tpu.memory_space<vmem>>) dst(%dma_wait3A_104 : memref<32x1024xf32, #tpu.memory_space<hbm>>)
      tpu.yield
    }) : () -> ()
    %dma_start3A_66 = arith.constant 192 : i32
    %dma_start3A_67 = tpu.memref_slice %arg5[%dma_start3A_66] : memref<256xi32, #tpu.memory_space<vmem>> -> memref<32xi32, #tpu.memory_space<vmem>>
    %dma_start3A_68 = arith.constant 0 : i32
    %dma_start3A_69 = arith.constant 0 : i32
    %dma_start3A_70 = tpu.memref_slice %arg2[%dma_start3A_68, %dma_start3A_69] : memref<16384x1024xf32, #tpu.memory_space<hbm>> -> memref<16384x1024xf32, #tpu.memory_space<hbm>>
    tpu.enqueue_indirect_dma source(%dma_start3A_70 : memref<16384x1024xf32, #tpu.memory_space<hbm>>) target(%arg6 : memref<32x1024xf32, #tpu.memory_space<vmem>>) offsets(%dma_start3A_67 : memref<32xi32, #tpu.memory_space<vmem>>) semaphore(%arg8 : memref<!tpu.dma_semaphore, #tpu.memory_space<semaphore_mem>>)
    %dma_wait3A_71 = arith.constant 160 : i32
    %dma_wait3A_72 = tpu.memref_slice %arg5[%dma_wait3A_71] : memref<256xi32, #tpu.memory_space<vmem>> -> memref<32xi32, #tpu.memory_space<vmem>>
    %dma_wait3A_73 = arith.constant 0 : i32
    %dma_wait3A_74 = arith.constant 0 : i32
    %dma_wait3A_75 = tpu.memref_slice %arg2[%dma_wait3A_73, %dma_wait3A_74] : memref<16384x1024xf32, #tpu.memory_space<hbm>> -> memref<16384x1024xf32, #tpu.memory_space<hbm>>
    tpu.wait_indirect_dma semaphore(%arg9 : memref<!tpu.dma_semaphore, #tpu.memory_space<semaphore_mem>>) src(%dma_wait3A_75 : memref<16384x1024xf32, #tpu.memory_space<hbm>>) dst(%arg7 : memref<32x1024xf32, #tpu.memory_space<vmem>>)
    %add3A_76 = arith.constant 160 : i32
    %add3A_77 = arith.addi %mul3A_2, %add3A_76 : i32
    "tpu.region"() ({
      %run_scoped3A = tpu.sem_alloc : memref<!tpu.dma_semaphore, #tpu.memory_space<semaphore_mem>>
      %dma_start3A_97 = arith.constant 0 : i32
      %dma_start3A_98 = tpu.memref_slice %arg4[%add3A_77, %dma_start3A_97] : memref<8192x1024xf32, #tpu.memory_space<hbm>> -> memref<32x1024xf32, #tpu.memory_space<hbm>>
      %dma_start3A_99 = arith.constant 0 : i32
      %dma_start3A_100 = tpu.memref_slice %arg4[%add3A_77, %dma_start3A_99] : memref<8192x1024xf32, #tpu.memory_space<hbm>> -> memref<32x1024xf32, #tpu.memory_space<hbm>>
      tpu.enqueue_dma source(%arg7 : memref<32x1024xf32, #tpu.memory_space<vmem>>) target(%dma_start3A_100 : memref<32x1024xf32, #tpu.memory_space<hbm>>) target_semaphore(%run_scoped3A : memref<!tpu.dma_semaphore, #tpu.memory_space<semaphore_mem>>)
      %dma_wait3A_101 = arith.constant 0 : i32
      %dma_wait3A_102 = tpu.memref_slice %arg4[%add3A_77, %dma_wait3A_101] : memref<8192x1024xf32, #tpu.memory_space<hbm>> -> memref<32x1024xf32, #tpu.memory_space<hbm>>
      %dma_wait3A_103 = arith.constant 0 : i32
      %dma_wait3A_104 = tpu.memref_slice %arg4[%add3A_77, %dma_wait3A_103] : memref<8192x1024xf32, #tpu.memory_space<hbm>> -> memref<32x1024xf32, #tpu.memory_space<hbm>>
      tpu.wait_dma2 semaphore(%run_scoped3A : memref<!tpu.dma_semaphore, #tpu.memory_space<semaphore_mem>>) src(%arg7 : memref<32x1024xf32, #tpu.memory_space<vmem>>) dst(%dma_wait3A_104 : memref<32x1024xf32, #tpu.memory_space<hbm>>)
      tpu.yield
    }) : () -> ()
    %dma_start3A_78 = arith.constant 224 : i32
    %dma_start3A_79 = tpu.memref_slice %arg5[%dma_start3A_78] : memref<256xi32, #tpu.memory_space<vmem>> -> memref<32xi32, #tpu.memory_space<vmem>>
    %dma_start3A_80 = arith.constant 0 : i32
    %dma_start3A_81 = arith.constant 0 : i32
    %dma_start3A_82 = tpu.memref_slice %arg2[%dma_start3A_80, %dma_start3A_81] : memref<16384x1024xf32, #tpu.memory_space<hbm>> -> memref<16384x1024xf32, #tpu.memory_space<hbm>>
    tpu.enqueue_indirect_dma source(%dma_start3A_82 : memref<16384x1024xf32, #tpu.memory_space<hbm>>) target(%arg7 : memref<32x1024xf32, #tpu.memory_space<vmem>>) offsets(%dma_start3A_79 : memref<32xi32, #tpu.memory_space<vmem>>) semaphore(%arg9 : memref<!tpu.dma_semaphore, #tpu.memory_space<semaphore_mem>>)
    %dma_wait3A_83 = arith.constant 192 : i32
    %dma_wait3A_84 = tpu.memref_slice %arg5[%dma_wait3A_83] : memref<256xi32, #tpu.memory_space<vmem>> -> memref<32xi32, #tpu.memory_space<vmem>>
    %dma_wait3A_85 = arith.constant 0 : i32
    %dma_wait3A_86 = arith.constant 0 : i32
    %dma_wait3A_87 = tpu.memref_slice %arg2[%dma_wait3A_85, %dma_wait3A_86] : memref<16384x1024xf32, #tpu.memory_space<hbm>> -> memref<16384x1024xf32, #tpu.memory_space<hbm>>
    tpu.wait_indirect_dma semaphore(%arg8 : memref<!tpu.dma_semaphore, #tpu.memory_space<semaphore_mem>>) src(%dma_wait3A_87 : memref<16384x1024xf32, #tpu.memory_space<hbm>>) dst(%arg6 : memref<32x1024xf32, #tpu.memory_space<vmem>>)
    %add3A_88 = arith.constant 192 : i32
    %add3A_89 = arith.addi %mul3A_2, %add3A_88 : i32
    "tpu.region"() ({
      %run_scoped3A = tpu.sem_alloc : memref<!tpu.dma_semaphore, #tpu.memory_space<semaphore_mem>>
      %dma_start3A_97 = arith.constant 0 : i32
      %dma_start3A_98 = tpu.memref_slice %arg4[%add3A_89, %dma_start3A_97] : memref<8192x1024xf32, #tpu.memory_space<hbm>> -> memref<32x1024xf32, #tpu.memory_space<hbm>>
      %dma_start3A_99 = arith.constant 0 : i32
      %dma_start3A_100 = tpu.memref_slice %arg4[%add3A_89, %dma_start3A_99] : memref<8192x1024xf32, #tpu.memory_space<hbm>> -> memref<32x1024xf32, #tpu.memory_space<hbm>>
      tpu.enqueue_dma source(%arg6 : memref<32x1024xf32, #tpu.memory_space<vmem>>) target(%dma_start3A_100 : memref<32x1024xf32, #tpu.memory_space<hbm>>) target_semaphore(%run_scoped3A : memref<!tpu.dma_semaphore, #tpu.memory_space<semaphore_mem>>)
      %dma_wait3A_101 = arith.constant 0 : i32
      %dma_wait3A_102 = tpu.memref_slice %arg4[%add3A_89, %dma_wait3A_101] : memref<8192x1024xf32, #tpu.memory_space<hbm>> -> memref<32x1024xf32, #tpu.memory_space<hbm>>
      %dma_wait3A_103 = arith.constant 0 : i32
      %dma_wait3A_104 = tpu.memref_slice %arg4[%add3A_89, %dma_wait3A_103] : memref<8192x1024xf32, #tpu.memory_space<hbm>> -> memref<32x1024xf32, #tpu.memory_space<hbm>>
      tpu.wait_dma2 semaphore(%run_scoped3A : memref<!tpu.dma_semaphore, #tpu.memory_space<semaphore_mem>>) src(%arg6 : memref<32x1024xf32, #tpu.memory_space<vmem>>) dst(%dma_wait3A_104 : memref<32x1024xf32, #tpu.memory_space<hbm>>)
      tpu.yield
    }) : () -> ()
    %dma_wait3A_90 = arith.constant 224 : i32
    %dma_wait3A_91 = tpu.memref_slice %arg5[%dma_wait3A_90] : memref<256xi32, #tpu.memory_space<vmem>> -> memref<32xi32, #tpu.memory_space<vmem>>
    %dma_wait3A_92 = arith.constant 0 : i32
    %dma_wait3A_93 = arith.constant 0 : i32
    %dma_wait3A_94 = tpu.memref_slice %arg2[%dma_wait3A_92, %dma_wait3A_93] : memref<16384x1024xf32, #tpu.memory_space<hbm>> -> memref<16384x1024xf32, #tpu.memory_space<hbm>>
    tpu.wait_indirect_dma semaphore(%arg9 : memref<!tpu.dma_semaphore, #tpu.memory_space<semaphore_mem>>) src(%dma_wait3A_94 : memref<16384x1024xf32, #tpu.memory_space<hbm>>) dst(%arg7 : memref<32x1024xf32, #tpu.memory_space<vmem>>)
    %add3A_95 = arith.constant 224 : i32
    %add3A_96 = arith.addi %mul3A_2, %add3A_95 : i32
    "tpu.region"() ({
      %run_scoped3A = tpu.sem_alloc : memref<!tpu.dma_semaphore, #tpu.memory_space<semaphore_mem>>
      %dma_start3A_97 = arith.constant 0 : i32
      %dma_start3A_98 = tpu.memref_slice %arg4[%add3A_96, %dma_start3A_97] : memref<8192x1024xf32, #tpu.memory_space<hbm>> -> memref<32x1024xf32, #tpu.memory_space<hbm>>
      %dma_start3A_99 = arith.constant 0 : i32
      %dma_start3A_100 = tpu.memref_slice %arg4[%add3A_96, %dma_start3A_99] : memref<8192x1024xf32, #tpu.memory_space<hbm>> -> memref<32x1024xf32, #tpu.memory_space<hbm>>
      tpu.enqueue_dma source(%arg7 : memref<32x1024xf32, #tpu.memory_space<vmem>>) target(%dma_start3A_100 : memref<32x1024xf32, #tpu.memory_space<hbm>>) target_semaphore(%run_scoped3A : memref<!tpu.dma_semaphore, #tpu.memory_space<semaphore_mem>>)
      %dma_wait3A_101 = arith.constant 0 : i32
      %dma_wait3A_102 = tpu.memref_slice %arg4[%add3A_96, %dma_wait3A_101] : memref<8192x1024xf32, #tpu.memory_space<hbm>> -> memref<32x1024xf32, #tpu.memory_space<hbm>>
      %dma_wait3A_103 = arith.constant 0 : i32
      %dma_wait3A_104 = tpu.memref_slice %arg4[%add3A_96, %dma_wait3A_103] : memref<8192x1024xf32, #tpu.memory_space<hbm>> -> memref<32x1024xf32, #tpu.memory_space<hbm>>
      tpu.wait_dma2 semaphore(%run_scoped3A : memref<!tpu.dma_semaphore, #tpu.memory_space<semaphore_mem>>) src(%arg7 : memref<32x1024xf32, #tpu.memory_space<vmem>>) dst(%dma_wait3A_104 : memref<32x1024xf32, #tpu.memory_space<hbm>>)
      tpu.yield
    }) : () -> ()
    return
  }
}

module attributes {stable_mosaic.version = 14 : i64} {
  func.func @_sort_body(%arg0: memref<4x4096xf32, #tpu.memory_space<vmem>>, %arg1: memref<4x2048xi32, #tpu.memory_space<vmem>>, %arg2: memref<4x2048xi32, #tpu.memory_space<vmem>>) attributes {dimension_semantics = [], scalar_prefetch = 0 : i64, scratch_operands = 0 : i64, tpu.core_type = #tpu.core_type<tc>} {
    %get3A = arith.constant 0 : index
    %get3A_0 = arith.constant 0 : index
    %get3A_1 = vector.load %arg0[%get3A, %get3A_0] : memref<4x4096xf32, #tpu.memory_space<vmem>>, vector<4x4096xf32>
    %iota3A = tpu.iota {dimensions = array<i32: 1>} : vector<4x4096xi32>
    %iota3A_2 = tpu.iota {dimensions = array<i32: 1>} : vector<4x4096xi32>
    %roll3A = arith.constant 1 : i32
    %roll3A_3 = tpu.dynamic_rotate %get3A_1 by %roll3A dim 1 : vector<4x4096xf32>, i32 -> vector<4x4096xf32>
    %roll3A_4 = arith.constant 4095 : i32
    %roll3A_5 = tpu.dynamic_rotate %get3A_1 by %roll3A_4 dim 1 : vector<4x4096xf32>, i32 -> vector<4x4096xf32>
    %roll3A_6 = arith.constant 1 : i32
    %roll3A_7 = tpu.dynamic_rotate %iota3A by %roll3A_6 dim 1 : vector<4x4096xi32>, i32 -> vector<4x4096xi32>
    %roll3A_8 = arith.constant 4095 : i32
    %roll3A_9 = tpu.dynamic_rotate %iota3A by %roll3A_8 dim 1 : vector<4x4096xi32>, i32 -> vector<4x4096xi32>
    %and3A = arith.constant 1 : i32
    %and3A_10 = vector.broadcast %and3A : i32 to vector<4x4096xi32>
    %and3A_11 = arith.andi %iota3A_2, %and3A_10 : vector<4x4096xi32>
    %ne3A = arith.constant 0 : i32
    %ne3A_12 = vector.broadcast %ne3A : i32 to vector<4x4096xi32>
    %ne3A_13 = arith.cmpi ne, %and3A_11, %ne3A_12 : vector<4x4096xi32>
    %select_n3A = arith.select %ne3A_13, %roll3A_3, %roll3A_5 : vector<4x4096xi1>, vector<4x4096xf32>
    %select_n3A_14 = arith.select %ne3A_13, %roll3A_7, %roll3A_9 : vector<4x4096xi1>, vector<4x4096xi32>
    %gt3A = arith.cmpf ogt, %get3A_1, %select_n3A : vector<4x4096xf32>
    %eq3A = arith.cmpf oeq, %get3A_1, %select_n3A : vector<4x4096xf32>
    %lt3A = arith.cmpi slt, %iota3A, %select_n3A_14 : vector<4x4096xi32>
    %and3A_15 = arith.andi %eq3A, %lt3A : vector<4x4096xi1>
    %or3A = arith.ori %gt3A, %and3A_15 : vector<4x4096xi1>
    %and3A_16 = arith.constant 2 : i32
    %and3A_17 = vector.broadcast %and3A_16 : i32 to vector<4x4096xi32>
    %and3A_18 = arith.andi %iota3A_2, %and3A_17 : vector<4x4096xi32>
    %eq3A_19 = arith.constant 0 : i32
    %eq3A_20 = vector.broadcast %eq3A_19 : i32 to vector<4x4096xi32>
    %eq3A_21 = arith.cmpi eq, %and3A_18, %eq3A_20 : vector<4x4096xi32>
    %not3A = arith.constant dense<true> : vector<4x4096xi1>
    %not3A_22 = arith.xori %ne3A_13, %not3A : vector<4x4096xi1>
    %eq3A_23 = arith.xori %not3A_22, %eq3A_21 : vector<4x4096xi1>
    %eq3A_24 = arith.constant dense<true> : vector<4x4096xi1>
    %eq3A_25 = arith.xori %eq3A_23, %eq3A_24 : vector<4x4096xi1>
    %xor3A = arith.xori %or3A, %eq3A_25 : vector<4x4096xi1>
    %select_n3A_26 = arith.select %xor3A, %select_n3A, %get3A_1 : vector<4x4096xi1>, vector<4x4096xf32>
    %select_n3A_27 = arith.select %xor3A, %select_n3A_14, %iota3A : vector<4x4096xi1>, vector<4x4096xi32>
    %roll3A_28 = arith.constant 2 : i32
    %roll3A_29 = tpu.dynamic_rotate %select_n3A_26 by %roll3A_28 dim 1 : vector<4x4096xf32>, i32 -> vector<4x4096xf32>
    %roll3A_30 = arith.constant 4094 : i32
    %roll3A_31 = tpu.dynamic_rotate %select_n3A_26 by %roll3A_30 dim 1 : vector<4x4096xf32>, i32 -> vector<4x4096xf32>
    %roll3A_32 = arith.constant 2 : i32
    %roll3A_33 = tpu.dynamic_rotate %select_n3A_27 by %roll3A_32 dim 1 : vector<4x4096xi32>, i32 -> vector<4x4096xi32>
    %roll3A_34 = arith.constant 4094 : i32
    %roll3A_35 = tpu.dynamic_rotate %select_n3A_27 by %roll3A_34 dim 1 : vector<4x4096xi32>, i32 -> vector<4x4096xi32>
    %and3A_36 = arith.constant 2 : i32
    %and3A_37 = vector.broadcast %and3A_36 : i32 to vector<4x4096xi32>
    %and3A_38 = arith.andi %iota3A_2, %and3A_37 : vector<4x4096xi32>
    %ne3A_39 = arith.constant 0 : i32
    %ne3A_40 = vector.broadcast %ne3A_39 : i32 to vector<4x4096xi32>
    %ne3A_41 = arith.cmpi ne, %and3A_38, %ne3A_40 : vector<4x4096xi32>
    %select_n3A_42 = arith.select %ne3A_41, %roll3A_29, %roll3A_31 : vector<4x4096xi1>, vector<4x4096xf32>
    %select_n3A_43 = arith.select %ne3A_41, %roll3A_33, %roll3A_35 : vector<4x4096xi1>, vector<4x4096xi32>
    %gt3A_44 = arith.cmpf ogt, %select_n3A_26, %select_n3A_42 : vector<4x4096xf32>
    %eq3A_45 = arith.cmpf oeq, %select_n3A_26, %select_n3A_42 : vector<4x4096xf32>
    %lt3A_46 = arith.cmpi slt, %select_n3A_27, %select_n3A_43 : vector<4x4096xi32>
    %and3A_47 = arith.andi %eq3A_45, %lt3A_46 : vector<4x4096xi1>
    %or3A_48 = arith.ori %gt3A_44, %and3A_47 : vector<4x4096xi1>
    %and3A_49 = arith.constant 4 : i32
    %and3A_50 = vector.broadcast %and3A_49 : i32 to vector<4x4096xi32>
    %and3A_51 = arith.andi %iota3A_2, %and3A_50 : vector<4x4096xi32>
    %eq3A_52 = arith.constant 0 : i32
    %eq3A_53 = vector.broadcast %eq3A_52 : i32 to vector<4x4096xi32>
    %eq3A_54 = arith.cmpi eq, %and3A_51, %eq3A_53 : vector<4x4096xi32>
    %not3A_55 = arith.constant dense<true> : vector<4x4096xi1>
    %not3A_56 = arith.xori %ne3A_41, %not3A_55 : vector<4x4096xi1>
    %eq3A_57 = arith.xori %not3A_56, %eq3A_54 : vector<4x4096xi1>
    %eq3A_58 = arith.constant dense<true> : vector<4x4096xi1>
    %eq3A_59 = arith.xori %eq3A_57, %eq3A_58 : vector<4x4096xi1>
    %xor3A_60 = arith.xori %or3A_48, %eq3A_59 : vector<4x4096xi1>
    %select_n3A_61 = arith.select %xor3A_60, %select_n3A_42, %select_n3A_26 : vector<4x4096xi1>, vector<4x4096xf32>
    %select_n3A_62 = arith.select %xor3A_60, %select_n3A_43, %select_n3A_27 : vector<4x4096xi1>, vector<4x4096xi32>
    %roll3A_63 = arith.constant 1 : i32
    %roll3A_64 = tpu.dynamic_rotate %select_n3A_61 by %roll3A_63 dim 1 : vector<4x4096xf32>, i32 -> vector<4x4096xf32>
    %roll3A_65 = arith.constant 4095 : i32
    %roll3A_66 = tpu.dynamic_rotate %select_n3A_61 by %roll3A_65 dim 1 : vector<4x4096xf32>, i32 -> vector<4x4096xf32>
    %roll3A_67 = arith.constant 1 : i32
    %roll3A_68 = tpu.dynamic_rotate %select_n3A_62 by %roll3A_67 dim 1 : vector<4x4096xi32>, i32 -> vector<4x4096xi32>
    %roll3A_69 = arith.constant 4095 : i32
    %roll3A_70 = tpu.dynamic_rotate %select_n3A_62 by %roll3A_69 dim 1 : vector<4x4096xi32>, i32 -> vector<4x4096xi32>
    %and3A_71 = arith.constant 1 : i32
    %and3A_72 = vector.broadcast %and3A_71 : i32 to vector<4x4096xi32>
    %and3A_73 = arith.andi %iota3A_2, %and3A_72 : vector<4x4096xi32>
    %ne3A_74 = arith.constant 0 : i32
    %ne3A_75 = vector.broadcast %ne3A_74 : i32 to vector<4x4096xi32>
    %ne3A_76 = arith.cmpi ne, %and3A_73, %ne3A_75 : vector<4x4096xi32>
    %select_n3A_77 = arith.select %ne3A_76, %roll3A_64, %roll3A_66 : vector<4x4096xi1>, vector<4x4096xf32>
    %select_n3A_78 = arith.select %ne3A_76, %roll3A_68, %roll3A_70 : vector<4x4096xi1>, vector<4x4096xi32>
    %gt3A_79 = arith.cmpf ogt, %select_n3A_61, %select_n3A_77 : vector<4x4096xf32>
    %eq3A_80 = arith.cmpf oeq, %select_n3A_61, %select_n3A_77 : vector<4x4096xf32>
    %lt3A_81 = arith.cmpi slt, %select_n3A_62, %select_n3A_78 : vector<4x4096xi32>
    %and3A_82 = arith.andi %eq3A_80, %lt3A_81 : vector<4x4096xi1>
    %or3A_83 = arith.ori %gt3A_79, %and3A_82 : vector<4x4096xi1>
    %and3A_84 = arith.constant 4 : i32
    %and3A_85 = vector.broadcast %and3A_84 : i32 to vector<4x4096xi32>
    %and3A_86 = arith.andi %iota3A_2, %and3A_85 : vector<4x4096xi32>
    %eq3A_87 = arith.constant 0 : i32
    %eq3A_88 = vector.broadcast %eq3A_87 : i32 to vector<4x4096xi32>
    %eq3A_89 = arith.cmpi eq, %and3A_86, %eq3A_88 : vector<4x4096xi32>
    %not3A_90 = arith.constant dense<true> : vector<4x4096xi1>
    %not3A_91 = arith.xori %ne3A_76, %not3A_90 : vector<4x4096xi1>
    %eq3A_92 = arith.xori %not3A_91, %eq3A_89 : vector<4x4096xi1>
    %eq3A_93 = arith.constant dense<true> : vector<4x4096xi1>
    %eq3A_94 = arith.xori %eq3A_92, %eq3A_93 : vector<4x4096xi1>
    %xor3A_95 = arith.xori %or3A_83, %eq3A_94 : vector<4x4096xi1>
    %select_n3A_96 = arith.select %xor3A_95, %select_n3A_77, %select_n3A_61 : vector<4x4096xi1>, vector<4x4096xf32>
    %select_n3A_97 = arith.select %xor3A_95, %select_n3A_78, %select_n3A_62 : vector<4x4096xi1>, vector<4x4096xi32>
    %roll3A_98 = arith.constant 4 : i32
    %roll3A_99 = tpu.dynamic_rotate %select_n3A_96 by %roll3A_98 dim 1 : vector<4x4096xf32>, i32 -> vector<4x4096xf32>
    %roll3A_100 = arith.constant 4092 : i32
    %roll3A_101 = tpu.dynamic_rotate %select_n3A_96 by %roll3A_100 dim 1 : vector<4x4096xf32>, i32 -> vector<4x4096xf32>
    %roll3A_102 = arith.constant 4 : i32
    %roll3A_103 = tpu.dynamic_rotate %select_n3A_97 by %roll3A_102 dim 1 : vector<4x4096xi32>, i32 -> vector<4x4096xi32>
    %roll3A_104 = arith.constant 4092 : i32
    %roll3A_105 = tpu.dynamic_rotate %select_n3A_97 by %roll3A_104 dim 1 : vector<4x4096xi32>, i32 -> vector<4x4096xi32>
    %and3A_106 = arith.constant 4 : i32
    %and3A_107 = vector.broadcast %and3A_106 : i32 to vector<4x4096xi32>
    %and3A_108 = arith.andi %iota3A_2, %and3A_107 : vector<4x4096xi32>
    %ne3A_109 = arith.constant 0 : i32
    %ne3A_110 = vector.broadcast %ne3A_109 : i32 to vector<4x4096xi32>
    %ne3A_111 = arith.cmpi ne, %and3A_108, %ne3A_110 : vector<4x4096xi32>
    %select_n3A_112 = arith.select %ne3A_111, %roll3A_99, %roll3A_101 : vector<4x4096xi1>, vector<4x4096xf32>
    %select_n3A_113 = arith.select %ne3A_111, %roll3A_103, %roll3A_105 : vector<4x4096xi1>, vector<4x4096xi32>
    %gt3A_114 = arith.cmpf ogt, %select_n3A_96, %select_n3A_112 : vector<4x4096xf32>
    %eq3A_115 = arith.cmpf oeq, %select_n3A_96, %select_n3A_112 : vector<4x4096xf32>
    %lt3A_116 = arith.cmpi slt, %select_n3A_97, %select_n3A_113 : vector<4x4096xi32>
    %and3A_117 = arith.andi %eq3A_115, %lt3A_116 : vector<4x4096xi1>
    %or3A_118 = arith.ori %gt3A_114, %and3A_117 : vector<4x4096xi1>
    %and3A_119 = arith.constant 8 : i32
    %and3A_120 = vector.broadcast %and3A_119 : i32 to vector<4x4096xi32>
    %and3A_121 = arith.andi %iota3A_2, %and3A_120 : vector<4x4096xi32>
    %eq3A_122 = arith.constant 0 : i32
    %eq3A_123 = vector.broadcast %eq3A_122 : i32 to vector<4x4096xi32>
    %eq3A_124 = arith.cmpi eq, %and3A_121, %eq3A_123 : vector<4x4096xi32>
    %not3A_125 = arith.constant dense<true> : vector<4x4096xi1>
    %not3A_126 = arith.xori %ne3A_111, %not3A_125 : vector<4x4096xi1>
    %eq3A_127 = arith.xori %not3A_126, %eq3A_124 : vector<4x4096xi1>
    %eq3A_128 = arith.constant dense<true> : vector<4x4096xi1>
    %eq3A_129 = arith.xori %eq3A_127, %eq3A_128 : vector<4x4096xi1>
    %xor3A_130 = arith.xori %or3A_118, %eq3A_129 : vector<4x4096xi1>
    %select_n3A_131 = arith.select %xor3A_130, %select_n3A_112, %select_n3A_96 : vector<4x4096xi1>, vector<4x4096xf32>
    %select_n3A_132 = arith.select %xor3A_130, %select_n3A_113, %select_n3A_97 : vector<4x4096xi1>, vector<4x4096xi32>
    %roll3A_133 = arith.constant 2 : i32
    %roll3A_134 = tpu.dynamic_rotate %select_n3A_131 by %roll3A_133 dim 1 : vector<4x4096xf32>, i32 -> vector<4x4096xf32>
    %roll3A_135 = arith.constant 4094 : i32
    %roll3A_136 = tpu.dynamic_rotate %select_n3A_131 by %roll3A_135 dim 1 : vector<4x4096xf32>, i32 -> vector<4x4096xf32>
    %roll3A_137 = arith.constant 2 : i32
    %roll3A_138 = tpu.dynamic_rotate %select_n3A_132 by %roll3A_137 dim 1 : vector<4x4096xi32>, i32 -> vector<4x4096xi32>
    %roll3A_139 = arith.constant 4094 : i32
    %roll3A_140 = tpu.dynamic_rotate %select_n3A_132 by %roll3A_139 dim 1 : vector<4x4096xi32>, i32 -> vector<4x4096xi32>
    %and3A_141 = arith.constant 2 : i32
    %and3A_142 = vector.broadcast %and3A_141 : i32 to vector<4x4096xi32>
    %and3A_143 = arith.andi %iota3A_2, %and3A_142 : vector<4x4096xi32>
    %ne3A_144 = arith.constant 0 : i32
    %ne3A_145 = vector.broadcast %ne3A_144 : i32 to vector<4x4096xi32>
    %ne3A_146 = arith.cmpi ne, %and3A_143, %ne3A_145 : vector<4x4096xi32>
    %select_n3A_147 = arith.select %ne3A_146, %roll3A_134, %roll3A_136 : vector<4x4096xi1>, vector<4x4096xf32>
    %select_n3A_148 = arith.select %ne3A_146, %roll3A_138, %roll3A_140 : vector<4x4096xi1>, vector<4x4096xi32>
    %gt3A_149 = arith.cmpf ogt, %select_n3A_131, %select_n3A_147 : vector<4x4096xf32>
    %eq3A_150 = arith.cmpf oeq, %select_n3A_131, %select_n3A_147 : vector<4x4096xf32>
    %lt3A_151 = arith.cmpi slt, %select_n3A_132, %select_n3A_148 : vector<4x4096xi32>
    %and3A_152 = arith.andi %eq3A_150, %lt3A_151 : vector<4x4096xi1>
    %or3A_153 = arith.ori %gt3A_149, %and3A_152 : vector<4x4096xi1>
    %and3A_154 = arith.constant 8 : i32
    %and3A_155 = vector.broadcast %and3A_154 : i32 to vector<4x4096xi32>
    %and3A_156 = arith.andi %iota3A_2, %and3A_155 : vector<4x4096xi32>
    %eq3A_157 = arith.constant 0 : i32
    %eq3A_158 = vector.broadcast %eq3A_157 : i32 to vector<4x4096xi32>
    %eq3A_159 = arith.cmpi eq, %and3A_156, %eq3A_158 : vector<4x4096xi32>
    %not3A_160 = arith.constant dense<true> : vector<4x4096xi1>
    %not3A_161 = arith.xori %ne3A_146, %not3A_160 : vector<4x4096xi1>
    %eq3A_162 = arith.xori %not3A_161, %eq3A_159 : vector<4x4096xi1>
    %eq3A_163 = arith.constant dense<true> : vector<4x4096xi1>
    %eq3A_164 = arith.xori %eq3A_162, %eq3A_163 : vector<4x4096xi1>
    %xor3A_165 = arith.xori %or3A_153, %eq3A_164 : vector<4x4096xi1>
    %select_n3A_166 = arith.select %xor3A_165, %select_n3A_147, %select_n3A_131 : vector<4x4096xi1>, vector<4x4096xf32>
    %select_n3A_167 = arith.select %xor3A_165, %select_n3A_148, %select_n3A_132 : vector<4x4096xi1>, vector<4x4096xi32>
    %roll3A_168 = arith.constant 1 : i32
    %roll3A_169 = tpu.dynamic_rotate %select_n3A_166 by %roll3A_168 dim 1 : vector<4x4096xf32>, i32 -> vector<4x4096xf32>
    %roll3A_170 = arith.constant 4095 : i32
    %roll3A_171 = tpu.dynamic_rotate %select_n3A_166 by %roll3A_170 dim 1 : vector<4x4096xf32>, i32 -> vector<4x4096xf32>
    %roll3A_172 = arith.constant 1 : i32
    %roll3A_173 = tpu.dynamic_rotate %select_n3A_167 by %roll3A_172 dim 1 : vector<4x4096xi32>, i32 -> vector<4x4096xi32>
    %roll3A_174 = arith.constant 4095 : i32
    %roll3A_175 = tpu.dynamic_rotate %select_n3A_167 by %roll3A_174 dim 1 : vector<4x4096xi32>, i32 -> vector<4x4096xi32>
    %and3A_176 = arith.constant 1 : i32
    %and3A_177 = vector.broadcast %and3A_176 : i32 to vector<4x4096xi32>
    %and3A_178 = arith.andi %iota3A_2, %and3A_177 : vector<4x4096xi32>
    %ne3A_179 = arith.constant 0 : i32
    %ne3A_180 = vector.broadcast %ne3A_179 : i32 to vector<4x4096xi32>
    %ne3A_181 = arith.cmpi ne, %and3A_178, %ne3A_180 : vector<4x4096xi32>
    %select_n3A_182 = arith.select %ne3A_181, %roll3A_169, %roll3A_171 : vector<4x4096xi1>, vector<4x4096xf32>
    %select_n3A_183 = arith.select %ne3A_181, %roll3A_173, %roll3A_175 : vector<4x4096xi1>, vector<4x4096xi32>
    %gt3A_184 = arith.cmpf ogt, %select_n3A_166, %select_n3A_182 : vector<4x4096xf32>
    %eq3A_185 = arith.cmpf oeq, %select_n3A_166, %select_n3A_182 : vector<4x4096xf32>
    %lt3A_186 = arith.cmpi slt, %select_n3A_167, %select_n3A_183 : vector<4x4096xi32>
    %and3A_187 = arith.andi %eq3A_185, %lt3A_186 : vector<4x4096xi1>
    %or3A_188 = arith.ori %gt3A_184, %and3A_187 : vector<4x4096xi1>
    %and3A_189 = arith.constant 8 : i32
    %and3A_190 = vector.broadcast %and3A_189 : i32 to vector<4x4096xi32>
    %and3A_191 = arith.andi %iota3A_2, %and3A_190 : vector<4x4096xi32>
    %eq3A_192 = arith.constant 0 : i32
    %eq3A_193 = vector.broadcast %eq3A_192 : i32 to vector<4x4096xi32>
    %eq3A_194 = arith.cmpi eq, %and3A_191, %eq3A_193 : vector<4x4096xi32>
    %not3A_195 = arith.constant dense<true> : vector<4x4096xi1>
    %not3A_196 = arith.xori %ne3A_181, %not3A_195 : vector<4x4096xi1>
    %eq3A_197 = arith.xori %not3A_196, %eq3A_194 : vector<4x4096xi1>
    %eq3A_198 = arith.constant dense<true> : vector<4x4096xi1>
    %eq3A_199 = arith.xori %eq3A_197, %eq3A_198 : vector<4x4096xi1>
    %xor3A_200 = arith.xori %or3A_188, %eq3A_199 : vector<4x4096xi1>
    %select_n3A_201 = arith.select %xor3A_200, %select_n3A_182, %select_n3A_166 : vector<4x4096xi1>, vector<4x4096xf32>
    %select_n3A_202 = arith.select %xor3A_200, %select_n3A_183, %select_n3A_167 : vector<4x4096xi1>, vector<4x4096xi32>
    %roll3A_203 = arith.constant 8 : i32
    %roll3A_204 = tpu.dynamic_rotate %select_n3A_201 by %roll3A_203 dim 1 : vector<4x4096xf32>, i32 -> vector<4x4096xf32>
    %roll3A_205 = arith.constant 4088 : i32
    %roll3A_206 = tpu.dynamic_rotate %select_n3A_201 by %roll3A_205 dim 1 : vector<4x4096xf32>, i32 -> vector<4x4096xf32>
    %roll3A_207 = arith.constant 8 : i32
    %roll3A_208 = tpu.dynamic_rotate %select_n3A_202 by %roll3A_207 dim 1 : vector<4x4096xi32>, i32 -> vector<4x4096xi32>
    %roll3A_209 = arith.constant 4088 : i32
    %roll3A_210 = tpu.dynamic_rotate %select_n3A_202 by %roll3A_209 dim 1 : vector<4x4096xi32>, i32 -> vector<4x4096xi32>
    %and3A_211 = arith.constant 8 : i32
    %and3A_212 = vector.broadcast %and3A_211 : i32 to vector<4x4096xi32>
    %and3A_213 = arith.andi %iota3A_2, %and3A_212 : vector<4x4096xi32>
    %ne3A_214 = arith.constant 0 : i32
    %ne3A_215 = vector.broadcast %ne3A_214 : i32 to vector<4x4096xi32>
    %ne3A_216 = arith.cmpi ne, %and3A_213, %ne3A_215 : vector<4x4096xi32>
    %select_n3A_217 = arith.select %ne3A_216, %roll3A_204, %roll3A_206 : vector<4x4096xi1>, vector<4x4096xf32>
    %select_n3A_218 = arith.select %ne3A_216, %roll3A_208, %roll3A_210 : vector<4x4096xi1>, vector<4x4096xi32>
    %gt3A_219 = arith.cmpf ogt, %select_n3A_201, %select_n3A_217 : vector<4x4096xf32>
    %eq3A_220 = arith.cmpf oeq, %select_n3A_201, %select_n3A_217 : vector<4x4096xf32>
    %lt3A_221 = arith.cmpi slt, %select_n3A_202, %select_n3A_218 : vector<4x4096xi32>
    %and3A_222 = arith.andi %eq3A_220, %lt3A_221 : vector<4x4096xi1>
    %or3A_223 = arith.ori %gt3A_219, %and3A_222 : vector<4x4096xi1>
    %and3A_224 = arith.constant 16 : i32
    %and3A_225 = vector.broadcast %and3A_224 : i32 to vector<4x4096xi32>
    %and3A_226 = arith.andi %iota3A_2, %and3A_225 : vector<4x4096xi32>
    %eq3A_227 = arith.constant 0 : i32
    %eq3A_228 = vector.broadcast %eq3A_227 : i32 to vector<4x4096xi32>
    %eq3A_229 = arith.cmpi eq, %and3A_226, %eq3A_228 : vector<4x4096xi32>
    %not3A_230 = arith.constant dense<true> : vector<4x4096xi1>
    %not3A_231 = arith.xori %ne3A_216, %not3A_230 : vector<4x4096xi1>
    %eq3A_232 = arith.xori %not3A_231, %eq3A_229 : vector<4x4096xi1>
    %eq3A_233 = arith.constant dense<true> : vector<4x4096xi1>
    %eq3A_234 = arith.xori %eq3A_232, %eq3A_233 : vector<4x4096xi1>
    %xor3A_235 = arith.xori %or3A_223, %eq3A_234 : vector<4x4096xi1>
    %select_n3A_236 = arith.select %xor3A_235, %select_n3A_217, %select_n3A_201 : vector<4x4096xi1>, vector<4x4096xf32>
    %select_n3A_237 = arith.select %xor3A_235, %select_n3A_218, %select_n3A_202 : vector<4x4096xi1>, vector<4x4096xi32>
    %roll3A_238 = arith.constant 4 : i32
    %roll3A_239 = tpu.dynamic_rotate %select_n3A_236 by %roll3A_238 dim 1 : vector<4x4096xf32>, i32 -> vector<4x4096xf32>
    %roll3A_240 = arith.constant 4092 : i32
    %roll3A_241 = tpu.dynamic_rotate %select_n3A_236 by %roll3A_240 dim 1 : vector<4x4096xf32>, i32 -> vector<4x4096xf32>
    %roll3A_242 = arith.constant 4 : i32
    %roll3A_243 = tpu.dynamic_rotate %select_n3A_237 by %roll3A_242 dim 1 : vector<4x4096xi32>, i32 -> vector<4x4096xi32>
    %roll3A_244 = arith.constant 4092 : i32
    %roll3A_245 = tpu.dynamic_rotate %select_n3A_237 by %roll3A_244 dim 1 : vector<4x4096xi32>, i32 -> vector<4x4096xi32>
    %and3A_246 = arith.constant 4 : i32
    %and3A_247 = vector.broadcast %and3A_246 : i32 to vector<4x4096xi32>
    %and3A_248 = arith.andi %iota3A_2, %and3A_247 : vector<4x4096xi32>
    %ne3A_249 = arith.constant 0 : i32
    %ne3A_250 = vector.broadcast %ne3A_249 : i32 to vector<4x4096xi32>
    %ne3A_251 = arith.cmpi ne, %and3A_248, %ne3A_250 : vector<4x4096xi32>
    %select_n3A_252 = arith.select %ne3A_251, %roll3A_239, %roll3A_241 : vector<4x4096xi1>, vector<4x4096xf32>
    %select_n3A_253 = arith.select %ne3A_251, %roll3A_243, %roll3A_245 : vector<4x4096xi1>, vector<4x4096xi32>
    %gt3A_254 = arith.cmpf ogt, %select_n3A_236, %select_n3A_252 : vector<4x4096xf32>
    %eq3A_255 = arith.cmpf oeq, %select_n3A_236, %select_n3A_252 : vector<4x4096xf32>
    %lt3A_256 = arith.cmpi slt, %select_n3A_237, %select_n3A_253 : vector<4x4096xi32>
    %and3A_257 = arith.andi %eq3A_255, %lt3A_256 : vector<4x4096xi1>
    %or3A_258 = arith.ori %gt3A_254, %and3A_257 : vector<4x4096xi1>
    %and3A_259 = arith.constant 16 : i32
    %and3A_260 = vector.broadcast %and3A_259 : i32 to vector<4x4096xi32>
    %and3A_261 = arith.andi %iota3A_2, %and3A_260 : vector<4x4096xi32>
    %eq3A_262 = arith.constant 0 : i32
    %eq3A_263 = vector.broadcast %eq3A_262 : i32 to vector<4x4096xi32>
    %eq3A_264 = arith.cmpi eq, %and3A_261, %eq3A_263 : vector<4x4096xi32>
    %not3A_265 = arith.constant dense<true> : vector<4x4096xi1>
    %not3A_266 = arith.xori %ne3A_251, %not3A_265 : vector<4x4096xi1>
    %eq3A_267 = arith.xori %not3A_266, %eq3A_264 : vector<4x4096xi1>
    %eq3A_268 = arith.constant dense<true> : vector<4x4096xi1>
    %eq3A_269 = arith.xori %eq3A_267, %eq3A_268 : vector<4x4096xi1>
    %xor3A_270 = arith.xori %or3A_258, %eq3A_269 : vector<4x4096xi1>
    %select_n3A_271 = arith.select %xor3A_270, %select_n3A_252, %select_n3A_236 : vector<4x4096xi1>, vector<4x4096xf32>
    %select_n3A_272 = arith.select %xor3A_270, %select_n3A_253, %select_n3A_237 : vector<4x4096xi1>, vector<4x4096xi32>
    %roll3A_273 = arith.constant 2 : i32
    %roll3A_274 = tpu.dynamic_rotate %select_n3A_271 by %roll3A_273 dim 1 : vector<4x4096xf32>, i32 -> vector<4x4096xf32>
    %roll3A_275 = arith.constant 4094 : i32
    %roll3A_276 = tpu.dynamic_rotate %select_n3A_271 by %roll3A_275 dim 1 : vector<4x4096xf32>, i32 -> vector<4x4096xf32>
    %roll3A_277 = arith.constant 2 : i32
    %roll3A_278 = tpu.dynamic_rotate %select_n3A_272 by %roll3A_277 dim 1 : vector<4x4096xi32>, i32 -> vector<4x4096xi32>
    %roll3A_279 = arith.constant 4094 : i32
    %roll3A_280 = tpu.dynamic_rotate %select_n3A_272 by %roll3A_279 dim 1 : vector<4x4096xi32>, i32 -> vector<4x4096xi32>
    %and3A_281 = arith.constant 2 : i32
    %and3A_282 = vector.broadcast %and3A_281 : i32 to vector<4x4096xi32>
    %and3A_283 = arith.andi %iota3A_2, %and3A_282 : vector<4x4096xi32>
    %ne3A_284 = arith.constant 0 : i32
    %ne3A_285 = vector.broadcast %ne3A_284 : i32 to vector<4x4096xi32>
    %ne3A_286 = arith.cmpi ne, %and3A_283, %ne3A_285 : vector<4x4096xi32>
    %select_n3A_287 = arith.select %ne3A_286, %roll3A_274, %roll3A_276 : vector<4x4096xi1>, vector<4x4096xf32>
    %select_n3A_288 = arith.select %ne3A_286, %roll3A_278, %roll3A_280 : vector<4x4096xi1>, vector<4x4096xi32>
    %gt3A_289 = arith.cmpf ogt, %select_n3A_271, %select_n3A_287 : vector<4x4096xf32>
    %eq3A_290 = arith.cmpf oeq, %select_n3A_271, %select_n3A_287 : vector<4x4096xf32>
    %lt3A_291 = arith.cmpi slt, %select_n3A_272, %select_n3A_288 : vector<4x4096xi32>
    %and3A_292 = arith.andi %eq3A_290, %lt3A_291 : vector<4x4096xi1>
    %or3A_293 = arith.ori %gt3A_289, %and3A_292 : vector<4x4096xi1>
    %and3A_294 = arith.constant 16 : i32
    %and3A_295 = vector.broadcast %and3A_294 : i32 to vector<4x4096xi32>
    %and3A_296 = arith.andi %iota3A_2, %and3A_295 : vector<4x4096xi32>
    %eq3A_297 = arith.constant 0 : i32
    %eq3A_298 = vector.broadcast %eq3A_297 : i32 to vector<4x4096xi32>
    %eq3A_299 = arith.cmpi eq, %and3A_296, %eq3A_298 : vector<4x4096xi32>
    %not3A_300 = arith.constant dense<true> : vector<4x4096xi1>
    %not3A_301 = arith.xori %ne3A_286, %not3A_300 : vector<4x4096xi1>
    %eq3A_302 = arith.xori %not3A_301, %eq3A_299 : vector<4x4096xi1>
    %eq3A_303 = arith.constant dense<true> : vector<4x4096xi1>
    %eq3A_304 = arith.xori %eq3A_302, %eq3A_303 : vector<4x4096xi1>
    %xor3A_305 = arith.xori %or3A_293, %eq3A_304 : vector<4x4096xi1>
    %select_n3A_306 = arith.select %xor3A_305, %select_n3A_287, %select_n3A_271 : vector<4x4096xi1>, vector<4x4096xf32>
    %select_n3A_307 = arith.select %xor3A_305, %select_n3A_288, %select_n3A_272 : vector<4x4096xi1>, vector<4x4096xi32>
    %roll3A_308 = arith.constant 1 : i32
    %roll3A_309 = tpu.dynamic_rotate %select_n3A_306 by %roll3A_308 dim 1 : vector<4x4096xf32>, i32 -> vector<4x4096xf32>
    %roll3A_310 = arith.constant 4095 : i32
    %roll3A_311 = tpu.dynamic_rotate %select_n3A_306 by %roll3A_310 dim 1 : vector<4x4096xf32>, i32 -> vector<4x4096xf32>
    %roll3A_312 = arith.constant 1 : i32
    %roll3A_313 = tpu.dynamic_rotate %select_n3A_307 by %roll3A_312 dim 1 : vector<4x4096xi32>, i32 -> vector<4x4096xi32>
    %roll3A_314 = arith.constant 4095 : i32
    %roll3A_315 = tpu.dynamic_rotate %select_n3A_307 by %roll3A_314 dim 1 : vector<4x4096xi32>, i32 -> vector<4x4096xi32>
    %and3A_316 = arith.constant 1 : i32
    %and3A_317 = vector.broadcast %and3A_316 : i32 to vector<4x4096xi32>
    %and3A_318 = arith.andi %iota3A_2, %and3A_317 : vector<4x4096xi32>
    %ne3A_319 = arith.constant 0 : i32
    %ne3A_320 = vector.broadcast %ne3A_319 : i32 to vector<4x4096xi32>
    %ne3A_321 = arith.cmpi ne, %and3A_318, %ne3A_320 : vector<4x4096xi32>
    %select_n3A_322 = arith.select %ne3A_321, %roll3A_309, %roll3A_311 : vector<4x4096xi1>, vector<4x4096xf32>
    %select_n3A_323 = arith.select %ne3A_321, %roll3A_313, %roll3A_315 : vector<4x4096xi1>, vector<4x4096xi32>
    %gt3A_324 = arith.cmpf ogt, %select_n3A_306, %select_n3A_322 : vector<4x4096xf32>
    %eq3A_325 = arith.cmpf oeq, %select_n3A_306, %select_n3A_322 : vector<4x4096xf32>
    %lt3A_326 = arith.cmpi slt, %select_n3A_307, %select_n3A_323 : vector<4x4096xi32>
    %and3A_327 = arith.andi %eq3A_325, %lt3A_326 : vector<4x4096xi1>
    %or3A_328 = arith.ori %gt3A_324, %and3A_327 : vector<4x4096xi1>
    %and3A_329 = arith.constant 16 : i32
    %and3A_330 = vector.broadcast %and3A_329 : i32 to vector<4x4096xi32>
    %and3A_331 = arith.andi %iota3A_2, %and3A_330 : vector<4x4096xi32>
    %eq3A_332 = arith.constant 0 : i32
    %eq3A_333 = vector.broadcast %eq3A_332 : i32 to vector<4x4096xi32>
    %eq3A_334 = arith.cmpi eq, %and3A_331, %eq3A_333 : vector<4x4096xi32>
    %not3A_335 = arith.constant dense<true> : vector<4x4096xi1>
    %not3A_336 = arith.xori %ne3A_321, %not3A_335 : vector<4x4096xi1>
    %eq3A_337 = arith.xori %not3A_336, %eq3A_334 : vector<4x4096xi1>
    %eq3A_338 = arith.constant dense<true> : vector<4x4096xi1>
    %eq3A_339 = arith.xori %eq3A_337, %eq3A_338 : vector<4x4096xi1>
    %xor3A_340 = arith.xori %or3A_328, %eq3A_339 : vector<4x4096xi1>
    %select_n3A_341 = arith.select %xor3A_340, %select_n3A_322, %select_n3A_306 : vector<4x4096xi1>, vector<4x4096xf32>
    %select_n3A_342 = arith.select %xor3A_340, %select_n3A_323, %select_n3A_307 : vector<4x4096xi1>, vector<4x4096xi32>
    %roll3A_343 = arith.constant 16 : i32
    %roll3A_344 = tpu.dynamic_rotate %select_n3A_341 by %roll3A_343 dim 1 : vector<4x4096xf32>, i32 -> vector<4x4096xf32>
    %roll3A_345 = arith.constant 4080 : i32
    %roll3A_346 = tpu.dynamic_rotate %select_n3A_341 by %roll3A_345 dim 1 : vector<4x4096xf32>, i32 -> vector<4x4096xf32>
    %roll3A_347 = arith.constant 16 : i32
    %roll3A_348 = tpu.dynamic_rotate %select_n3A_342 by %roll3A_347 dim 1 : vector<4x4096xi32>, i32 -> vector<4x4096xi32>
    %roll3A_349 = arith.constant 4080 : i32
    %roll3A_350 = tpu.dynamic_rotate %select_n3A_342 by %roll3A_349 dim 1 : vector<4x4096xi32>, i32 -> vector<4x4096xi32>
    %and3A_351 = arith.constant 16 : i32
    %and3A_352 = vector.broadcast %and3A_351 : i32 to vector<4x4096xi32>
    %and3A_353 = arith.andi %iota3A_2, %and3A_352 : vector<4x4096xi32>
    %ne3A_354 = arith.constant 0 : i32
    %ne3A_355 = vector.broadcast %ne3A_354 : i32 to vector<4x4096xi32>
    %ne3A_356 = arith.cmpi ne, %and3A_353, %ne3A_355 : vector<4x4096xi32>
    %select_n3A_357 = arith.select %ne3A_356, %roll3A_344, %roll3A_346 : vector<4x4096xi1>, vector<4x4096xf32>
    %select_n3A_358 = arith.select %ne3A_356, %roll3A_348, %roll3A_350 : vector<4x4096xi1>, vector<4x4096xi32>
    %gt3A_359 = arith.cmpf ogt, %select_n3A_341, %select_n3A_357 : vector<4x4096xf32>
    %eq3A_360 = arith.cmpf oeq, %select_n3A_341, %select_n3A_357 : vector<4x4096xf32>
    %lt3A_361 = arith.cmpi slt, %select_n3A_342, %select_n3A_358 : vector<4x4096xi32>
    %and3A_362 = arith.andi %eq3A_360, %lt3A_361 : vector<4x4096xi1>
    %or3A_363 = arith.ori %gt3A_359, %and3A_362 : vector<4x4096xi1>
    %and3A_364 = arith.constant 32 : i32
    %and3A_365 = vector.broadcast %and3A_364 : i32 to vector<4x4096xi32>
    %and3A_366 = arith.andi %iota3A_2, %and3A_365 : vector<4x4096xi32>
    %eq3A_367 = arith.constant 0 : i32
    %eq3A_368 = vector.broadcast %eq3A_367 : i32 to vector<4x4096xi32>
    %eq3A_369 = arith.cmpi eq, %and3A_366, %eq3A_368 : vector<4x4096xi32>
    %not3A_370 = arith.constant dense<true> : vector<4x4096xi1>
    %not3A_371 = arith.xori %ne3A_356, %not3A_370 : vector<4x4096xi1>
    %eq3A_372 = arith.xori %not3A_371, %eq3A_369 : vector<4x4096xi1>
    %eq3A_373 = arith.constant dense<true> : vector<4x4096xi1>
    %eq3A_374 = arith.xori %eq3A_372, %eq3A_373 : vector<4x4096xi1>
    %xor3A_375 = arith.xori %or3A_363, %eq3A_374 : vector<4x4096xi1>
    %select_n3A_376 = arith.select %xor3A_375, %select_n3A_357, %select_n3A_341 : vector<4x4096xi1>, vector<4x4096xf32>
    %select_n3A_377 = arith.select %xor3A_375, %select_n3A_358, %select_n3A_342 : vector<4x4096xi1>, vector<4x4096xi32>
    %roll3A_378 = arith.constant 8 : i32
    %roll3A_379 = tpu.dynamic_rotate %select_n3A_376 by %roll3A_378 dim 1 : vector<4x4096xf32>, i32 -> vector<4x4096xf32>
    %roll3A_380 = arith.constant 4088 : i32
    %roll3A_381 = tpu.dynamic_rotate %select_n3A_376 by %roll3A_380 dim 1 : vector<4x4096xf32>, i32 -> vector<4x4096xf32>
    %roll3A_382 = arith.constant 8 : i32
    %roll3A_383 = tpu.dynamic_rotate %select_n3A_377 by %roll3A_382 dim 1 : vector<4x4096xi32>, i32 -> vector<4x4096xi32>
    %roll3A_384 = arith.constant 4088 : i32
    %roll3A_385 = tpu.dynamic_rotate %select_n3A_377 by %roll3A_384 dim 1 : vector<4x4096xi32>, i32 -> vector<4x4096xi32>
    %and3A_386 = arith.constant 8 : i32
    %and3A_387 = vector.broadcast %and3A_386 : i32 to vector<4x4096xi32>
    %and3A_388 = arith.andi %iota3A_2, %and3A_387 : vector<4x4096xi32>
    %ne3A_389 = arith.constant 0 : i32
    %ne3A_390 = vector.broadcast %ne3A_389 : i32 to vector<4x4096xi32>
    %ne3A_391 = arith.cmpi ne, %and3A_388, %ne3A_390 : vector<4x4096xi32>
    %select_n3A_392 = arith.select %ne3A_391, %roll3A_379, %roll3A_381 : vector<4x4096xi1>, vector<4x4096xf32>
    %select_n3A_393 = arith.select %ne3A_391, %roll3A_383, %roll3A_385 : vector<4x4096xi1>, vector<4x4096xi32>
    %gt3A_394 = arith.cmpf ogt, %select_n3A_376, %select_n3A_392 : vector<4x4096xf32>
    %eq3A_395 = arith.cmpf oeq, %select_n3A_376, %select_n3A_392 : vector<4x4096xf32>
    %lt3A_396 = arith.cmpi slt, %select_n3A_377, %select_n3A_393 : vector<4x4096xi32>
    %and3A_397 = arith.andi %eq3A_395, %lt3A_396 : vector<4x4096xi1>
    %or3A_398 = arith.ori %gt3A_394, %and3A_397 : vector<4x4096xi1>
    %and3A_399 = arith.constant 32 : i32
    %and3A_400 = vector.broadcast %and3A_399 : i32 to vector<4x4096xi32>
    %and3A_401 = arith.andi %iota3A_2, %and3A_400 : vector<4x4096xi32>
    %eq3A_402 = arith.constant 0 : i32
    %eq3A_403 = vector.broadcast %eq3A_402 : i32 to vector<4x4096xi32>
    %eq3A_404 = arith.cmpi eq, %and3A_401, %eq3A_403 : vector<4x4096xi32>
    %not3A_405 = arith.constant dense<true> : vector<4x4096xi1>
    %not3A_406 = arith.xori %ne3A_391, %not3A_405 : vector<4x4096xi1>
    %eq3A_407 = arith.xori %not3A_406, %eq3A_404 : vector<4x4096xi1>
    %eq3A_408 = arith.constant dense<true> : vector<4x4096xi1>
    %eq3A_409 = arith.xori %eq3A_407, %eq3A_408 : vector<4x4096xi1>
    %xor3A_410 = arith.xori %or3A_398, %eq3A_409 : vector<4x4096xi1>
    %select_n3A_411 = arith.select %xor3A_410, %select_n3A_392, %select_n3A_376 : vector<4x4096xi1>, vector<4x4096xf32>
    %select_n3A_412 = arith.select %xor3A_410, %select_n3A_393, %select_n3A_377 : vector<4x4096xi1>, vector<4x4096xi32>
    %roll3A_413 = arith.constant 4 : i32
    %roll3A_414 = tpu.dynamic_rotate %select_n3A_411 by %roll3A_413 dim 1 : vector<4x4096xf32>, i32 -> vector<4x4096xf32>
    %roll3A_415 = arith.constant 4092 : i32
    %roll3A_416 = tpu.dynamic_rotate %select_n3A_411 by %roll3A_415 dim 1 : vector<4x4096xf32>, i32 -> vector<4x4096xf32>
    %roll3A_417 = arith.constant 4 : i32
    %roll3A_418 = tpu.dynamic_rotate %select_n3A_412 by %roll3A_417 dim 1 : vector<4x4096xi32>, i32 -> vector<4x4096xi32>
    %roll3A_419 = arith.constant 4092 : i32
    %roll3A_420 = tpu.dynamic_rotate %select_n3A_412 by %roll3A_419 dim 1 : vector<4x4096xi32>, i32 -> vector<4x4096xi32>
    %and3A_421 = arith.constant 4 : i32
    %and3A_422 = vector.broadcast %and3A_421 : i32 to vector<4x4096xi32>
    %and3A_423 = arith.andi %iota3A_2, %and3A_422 : vector<4x4096xi32>
    %ne3A_424 = arith.constant 0 : i32
    %ne3A_425 = vector.broadcast %ne3A_424 : i32 to vector<4x4096xi32>
    %ne3A_426 = arith.cmpi ne, %and3A_423, %ne3A_425 : vector<4x4096xi32>
    %select_n3A_427 = arith.select %ne3A_426, %roll3A_414, %roll3A_416 : vector<4x4096xi1>, vector<4x4096xf32>
    %select_n3A_428 = arith.select %ne3A_426, %roll3A_418, %roll3A_420 : vector<4x4096xi1>, vector<4x4096xi32>
    %gt3A_429 = arith.cmpf ogt, %select_n3A_411, %select_n3A_427 : vector<4x4096xf32>
    %eq3A_430 = arith.cmpf oeq, %select_n3A_411, %select_n3A_427 : vector<4x4096xf32>
    %lt3A_431 = arith.cmpi slt, %select_n3A_412, %select_n3A_428 : vector<4x4096xi32>
    %and3A_432 = arith.andi %eq3A_430, %lt3A_431 : vector<4x4096xi1>
    %or3A_433 = arith.ori %gt3A_429, %and3A_432 : vector<4x4096xi1>
    %and3A_434 = arith.constant 32 : i32
    %and3A_435 = vector.broadcast %and3A_434 : i32 to vector<4x4096xi32>
    %and3A_436 = arith.andi %iota3A_2, %and3A_435 : vector<4x4096xi32>
    %eq3A_437 = arith.constant 0 : i32
    %eq3A_438 = vector.broadcast %eq3A_437 : i32 to vector<4x4096xi32>
    %eq3A_439 = arith.cmpi eq, %and3A_436, %eq3A_438 : vector<4x4096xi32>
    %not3A_440 = arith.constant dense<true> : vector<4x4096xi1>
    %not3A_441 = arith.xori %ne3A_426, %not3A_440 : vector<4x4096xi1>
    %eq3A_442 = arith.xori %not3A_441, %eq3A_439 : vector<4x4096xi1>
    %eq3A_443 = arith.constant dense<true> : vector<4x4096xi1>
    %eq3A_444 = arith.xori %eq3A_442, %eq3A_443 : vector<4x4096xi1>
    %xor3A_445 = arith.xori %or3A_433, %eq3A_444 : vector<4x4096xi1>
    %select_n3A_446 = arith.select %xor3A_445, %select_n3A_427, %select_n3A_411 : vector<4x4096xi1>, vector<4x4096xf32>
    %select_n3A_447 = arith.select %xor3A_445, %select_n3A_428, %select_n3A_412 : vector<4x4096xi1>, vector<4x4096xi32>
    %roll3A_448 = arith.constant 2 : i32
    %roll3A_449 = tpu.dynamic_rotate %select_n3A_446 by %roll3A_448 dim 1 : vector<4x4096xf32>, i32 -> vector<4x4096xf32>
    %roll3A_450 = arith.constant 4094 : i32
    %roll3A_451 = tpu.dynamic_rotate %select_n3A_446 by %roll3A_450 dim 1 : vector<4x4096xf32>, i32 -> vector<4x4096xf32>
    %roll3A_452 = arith.constant 2 : i32
    %roll3A_453 = tpu.dynamic_rotate %select_n3A_447 by %roll3A_452 dim 1 : vector<4x4096xi32>, i32 -> vector<4x4096xi32>
    %roll3A_454 = arith.constant 4094 : i32
    %roll3A_455 = tpu.dynamic_rotate %select_n3A_447 by %roll3A_454 dim 1 : vector<4x4096xi32>, i32 -> vector<4x4096xi32>
    %and3A_456 = arith.constant 2 : i32
    %and3A_457 = vector.broadcast %and3A_456 : i32 to vector<4x4096xi32>
    %and3A_458 = arith.andi %iota3A_2, %and3A_457 : vector<4x4096xi32>
    %ne3A_459 = arith.constant 0 : i32
    %ne3A_460 = vector.broadcast %ne3A_459 : i32 to vector<4x4096xi32>
    %ne3A_461 = arith.cmpi ne, %and3A_458, %ne3A_460 : vector<4x4096xi32>
    %select_n3A_462 = arith.select %ne3A_461, %roll3A_449, %roll3A_451 : vector<4x4096xi1>, vector<4x4096xf32>
    %select_n3A_463 = arith.select %ne3A_461, %roll3A_453, %roll3A_455 : vector<4x4096xi1>, vector<4x4096xi32>
    %gt3A_464 = arith.cmpf ogt, %select_n3A_446, %select_n3A_462 : vector<4x4096xf32>
    %eq3A_465 = arith.cmpf oeq, %select_n3A_446, %select_n3A_462 : vector<4x4096xf32>
    %lt3A_466 = arith.cmpi slt, %select_n3A_447, %select_n3A_463 : vector<4x4096xi32>
    %and3A_467 = arith.andi %eq3A_465, %lt3A_466 : vector<4x4096xi1>
    %or3A_468 = arith.ori %gt3A_464, %and3A_467 : vector<4x4096xi1>
    %and3A_469 = arith.constant 32 : i32
    %and3A_470 = vector.broadcast %and3A_469 : i32 to vector<4x4096xi32>
    %and3A_471 = arith.andi %iota3A_2, %and3A_470 : vector<4x4096xi32>
    %eq3A_472 = arith.constant 0 : i32
    %eq3A_473 = vector.broadcast %eq3A_472 : i32 to vector<4x4096xi32>
    %eq3A_474 = arith.cmpi eq, %and3A_471, %eq3A_473 : vector<4x4096xi32>
    %not3A_475 = arith.constant dense<true> : vector<4x4096xi1>
    %not3A_476 = arith.xori %ne3A_461, %not3A_475 : vector<4x4096xi1>
    %eq3A_477 = arith.xori %not3A_476, %eq3A_474 : vector<4x4096xi1>
    %eq3A_478 = arith.constant dense<true> : vector<4x4096xi1>
    %eq3A_479 = arith.xori %eq3A_477, %eq3A_478 : vector<4x4096xi1>
    %xor3A_480 = arith.xori %or3A_468, %eq3A_479 : vector<4x4096xi1>
    %select_n3A_481 = arith.select %xor3A_480, %select_n3A_462, %select_n3A_446 : vector<4x4096xi1>, vector<4x4096xf32>
    %select_n3A_482 = arith.select %xor3A_480, %select_n3A_463, %select_n3A_447 : vector<4x4096xi1>, vector<4x4096xi32>
    %roll3A_483 = arith.constant 1 : i32
    %roll3A_484 = tpu.dynamic_rotate %select_n3A_481 by %roll3A_483 dim 1 : vector<4x4096xf32>, i32 -> vector<4x4096xf32>
    %roll3A_485 = arith.constant 4095 : i32
    %roll3A_486 = tpu.dynamic_rotate %select_n3A_481 by %roll3A_485 dim 1 : vector<4x4096xf32>, i32 -> vector<4x4096xf32>
    %roll3A_487 = arith.constant 1 : i32
    %roll3A_488 = tpu.dynamic_rotate %select_n3A_482 by %roll3A_487 dim 1 : vector<4x4096xi32>, i32 -> vector<4x4096xi32>
    %roll3A_489 = arith.constant 4095 : i32
    %roll3A_490 = tpu.dynamic_rotate %select_n3A_482 by %roll3A_489 dim 1 : vector<4x4096xi32>, i32 -> vector<4x4096xi32>
    %and3A_491 = arith.constant 1 : i32
    %and3A_492 = vector.broadcast %and3A_491 : i32 to vector<4x4096xi32>
    %and3A_493 = arith.andi %iota3A_2, %and3A_492 : vector<4x4096xi32>
    %ne3A_494 = arith.constant 0 : i32
    %ne3A_495 = vector.broadcast %ne3A_494 : i32 to vector<4x4096xi32>
    %ne3A_496 = arith.cmpi ne, %and3A_493, %ne3A_495 : vector<4x4096xi32>
    %select_n3A_497 = arith.select %ne3A_496, %roll3A_484, %roll3A_486 : vector<4x4096xi1>, vector<4x4096xf32>
    %select_n3A_498 = arith.select %ne3A_496, %roll3A_488, %roll3A_490 : vector<4x4096xi1>, vector<4x4096xi32>
    %gt3A_499 = arith.cmpf ogt, %select_n3A_481, %select_n3A_497 : vector<4x4096xf32>
    %eq3A_500 = arith.cmpf oeq, %select_n3A_481, %select_n3A_497 : vector<4x4096xf32>
    %lt3A_501 = arith.cmpi slt, %select_n3A_482, %select_n3A_498 : vector<4x4096xi32>
    %and3A_502 = arith.andi %eq3A_500, %lt3A_501 : vector<4x4096xi1>
    %or3A_503 = arith.ori %gt3A_499, %and3A_502 : vector<4x4096xi1>
    %and3A_504 = arith.constant 32 : i32
    %and3A_505 = vector.broadcast %and3A_504 : i32 to vector<4x4096xi32>
    %and3A_506 = arith.andi %iota3A_2, %and3A_505 : vector<4x4096xi32>
    %eq3A_507 = arith.constant 0 : i32
    %eq3A_508 = vector.broadcast %eq3A_507 : i32 to vector<4x4096xi32>
    %eq3A_509 = arith.cmpi eq, %and3A_506, %eq3A_508 : vector<4x4096xi32>
    %not3A_510 = arith.constant dense<true> : vector<4x4096xi1>
    %not3A_511 = arith.xori %ne3A_496, %not3A_510 : vector<4x4096xi1>
    %eq3A_512 = arith.xori %not3A_511, %eq3A_509 : vector<4x4096xi1>
    %eq3A_513 = arith.constant dense<true> : vector<4x4096xi1>
    %eq3A_514 = arith.xori %eq3A_512, %eq3A_513 : vector<4x4096xi1>
    %xor3A_515 = arith.xori %or3A_503, %eq3A_514 : vector<4x4096xi1>
    %select_n3A_516 = arith.select %xor3A_515, %select_n3A_497, %select_n3A_481 : vector<4x4096xi1>, vector<4x4096xf32>
    %select_n3A_517 = arith.select %xor3A_515, %select_n3A_498, %select_n3A_482 : vector<4x4096xi1>, vector<4x4096xi32>
    %roll3A_518 = arith.constant 32 : i32
    %roll3A_519 = tpu.dynamic_rotate %select_n3A_516 by %roll3A_518 dim 1 : vector<4x4096xf32>, i32 -> vector<4x4096xf32>
    %roll3A_520 = arith.constant 4064 : i32
    %roll3A_521 = tpu.dynamic_rotate %select_n3A_516 by %roll3A_520 dim 1 : vector<4x4096xf32>, i32 -> vector<4x4096xf32>
    %roll3A_522 = arith.constant 32 : i32
    %roll3A_523 = tpu.dynamic_rotate %select_n3A_517 by %roll3A_522 dim 1 : vector<4x4096xi32>, i32 -> vector<4x4096xi32>
    %roll3A_524 = arith.constant 4064 : i32
    %roll3A_525 = tpu.dynamic_rotate %select_n3A_517 by %roll3A_524 dim 1 : vector<4x4096xi32>, i32 -> vector<4x4096xi32>
    %and3A_526 = arith.constant 32 : i32
    %and3A_527 = vector.broadcast %and3A_526 : i32 to vector<4x4096xi32>
    %and3A_528 = arith.andi %iota3A_2, %and3A_527 : vector<4x4096xi32>
    %ne3A_529 = arith.constant 0 : i32
    %ne3A_530 = vector.broadcast %ne3A_529 : i32 to vector<4x4096xi32>
    %ne3A_531 = arith.cmpi ne, %and3A_528, %ne3A_530 : vector<4x4096xi32>
    %select_n3A_532 = arith.select %ne3A_531, %roll3A_519, %roll3A_521 : vector<4x4096xi1>, vector<4x4096xf32>
    %select_n3A_533 = arith.select %ne3A_531, %roll3A_523, %roll3A_525 : vector<4x4096xi1>, vector<4x4096xi32>
    %gt3A_534 = arith.cmpf ogt, %select_n3A_516, %select_n3A_532 : vector<4x4096xf32>
    %eq3A_535 = arith.cmpf oeq, %select_n3A_516, %select_n3A_532 : vector<4x4096xf32>
    %lt3A_536 = arith.cmpi slt, %select_n3A_517, %select_n3A_533 : vector<4x4096xi32>
    %and3A_537 = arith.andi %eq3A_535, %lt3A_536 : vector<4x4096xi1>
    %or3A_538 = arith.ori %gt3A_534, %and3A_537 : vector<4x4096xi1>
    %and3A_539 = arith.constant 64 : i32
    %and3A_540 = vector.broadcast %and3A_539 : i32 to vector<4x4096xi32>
    %and3A_541 = arith.andi %iota3A_2, %and3A_540 : vector<4x4096xi32>
    %eq3A_542 = arith.constant 0 : i32
    %eq3A_543 = vector.broadcast %eq3A_542 : i32 to vector<4x4096xi32>
    %eq3A_544 = arith.cmpi eq, %and3A_541, %eq3A_543 : vector<4x4096xi32>
    %not3A_545 = arith.constant dense<true> : vector<4x4096xi1>
    %not3A_546 = arith.xori %ne3A_531, %not3A_545 : vector<4x4096xi1>
    %eq3A_547 = arith.xori %not3A_546, %eq3A_544 : vector<4x4096xi1>
    %eq3A_548 = arith.constant dense<true> : vector<4x4096xi1>
    %eq3A_549 = arith.xori %eq3A_547, %eq3A_548 : vector<4x4096xi1>
    %xor3A_550 = arith.xori %or3A_538, %eq3A_549 : vector<4x4096xi1>
    %select_n3A_551 = arith.select %xor3A_550, %select_n3A_532, %select_n3A_516 : vector<4x4096xi1>, vector<4x4096xf32>
    %select_n3A_552 = arith.select %xor3A_550, %select_n3A_533, %select_n3A_517 : vector<4x4096xi1>, vector<4x4096xi32>
    %roll3A_553 = arith.constant 16 : i32
    %roll3A_554 = tpu.dynamic_rotate %select_n3A_551 by %roll3A_553 dim 1 : vector<4x4096xf32>, i32 -> vector<4x4096xf32>
    %roll3A_555 = arith.constant 4080 : i32
    %roll3A_556 = tpu.dynamic_rotate %select_n3A_551 by %roll3A_555 dim 1 : vector<4x4096xf32>, i32 -> vector<4x4096xf32>
    %roll3A_557 = arith.constant 16 : i32
    %roll3A_558 = tpu.dynamic_rotate %select_n3A_552 by %roll3A_557 dim 1 : vector<4x4096xi32>, i32 -> vector<4x4096xi32>
    %roll3A_559 = arith.constant 4080 : i32
    %roll3A_560 = tpu.dynamic_rotate %select_n3A_552 by %roll3A_559 dim 1 : vector<4x4096xi32>, i32 -> vector<4x4096xi32>
    %and3A_561 = arith.constant 16 : i32
    %and3A_562 = vector.broadcast %and3A_561 : i32 to vector<4x4096xi32>
    %and3A_563 = arith.andi %iota3A_2, %and3A_562 : vector<4x4096xi32>
    %ne3A_564 = arith.constant 0 : i32
    %ne3A_565 = vector.broadcast %ne3A_564 : i32 to vector<4x4096xi32>
    %ne3A_566 = arith.cmpi ne, %and3A_563, %ne3A_565 : vector<4x4096xi32>
    %select_n3A_567 = arith.select %ne3A_566, %roll3A_554, %roll3A_556 : vector<4x4096xi1>, vector<4x4096xf32>
    %select_n3A_568 = arith.select %ne3A_566, %roll3A_558, %roll3A_560 : vector<4x4096xi1>, vector<4x4096xi32>
    %gt3A_569 = arith.cmpf ogt, %select_n3A_551, %select_n3A_567 : vector<4x4096xf32>
    %eq3A_570 = arith.cmpf oeq, %select_n3A_551, %select_n3A_567 : vector<4x4096xf32>
    %lt3A_571 = arith.cmpi slt, %select_n3A_552, %select_n3A_568 : vector<4x4096xi32>
    %and3A_572 = arith.andi %eq3A_570, %lt3A_571 : vector<4x4096xi1>
    %or3A_573 = arith.ori %gt3A_569, %and3A_572 : vector<4x4096xi1>
    %and3A_574 = arith.constant 64 : i32
    %and3A_575 = vector.broadcast %and3A_574 : i32 to vector<4x4096xi32>
    %and3A_576 = arith.andi %iota3A_2, %and3A_575 : vector<4x4096xi32>
    %eq3A_577 = arith.constant 0 : i32
    %eq3A_578 = vector.broadcast %eq3A_577 : i32 to vector<4x4096xi32>
    %eq3A_579 = arith.cmpi eq, %and3A_576, %eq3A_578 : vector<4x4096xi32>
    %not3A_580 = arith.constant dense<true> : vector<4x4096xi1>
    %not3A_581 = arith.xori %ne3A_566, %not3A_580 : vector<4x4096xi1>
    %eq3A_582 = arith.xori %not3A_581, %eq3A_579 : vector<4x4096xi1>
    %eq3A_583 = arith.constant dense<true> : vector<4x4096xi1>
    %eq3A_584 = arith.xori %eq3A_582, %eq3A_583 : vector<4x4096xi1>
    %xor3A_585 = arith.xori %or3A_573, %eq3A_584 : vector<4x4096xi1>
    %select_n3A_586 = arith.select %xor3A_585, %select_n3A_567, %select_n3A_551 : vector<4x4096xi1>, vector<4x4096xf32>
    %select_n3A_587 = arith.select %xor3A_585, %select_n3A_568, %select_n3A_552 : vector<4x4096xi1>, vector<4x4096xi32>
    %roll3A_588 = arith.constant 8 : i32
    %roll3A_589 = tpu.dynamic_rotate %select_n3A_586 by %roll3A_588 dim 1 : vector<4x4096xf32>, i32 -> vector<4x4096xf32>
    %roll3A_590 = arith.constant 4088 : i32
    %roll3A_591 = tpu.dynamic_rotate %select_n3A_586 by %roll3A_590 dim 1 : vector<4x4096xf32>, i32 -> vector<4x4096xf32>
    %roll3A_592 = arith.constant 8 : i32
    %roll3A_593 = tpu.dynamic_rotate %select_n3A_587 by %roll3A_592 dim 1 : vector<4x4096xi32>, i32 -> vector<4x4096xi32>
    %roll3A_594 = arith.constant 4088 : i32
    %roll3A_595 = tpu.dynamic_rotate %select_n3A_587 by %roll3A_594 dim 1 : vector<4x4096xi32>, i32 -> vector<4x4096xi32>
    %and3A_596 = arith.constant 8 : i32
    %and3A_597 = vector.broadcast %and3A_596 : i32 to vector<4x4096xi32>
    %and3A_598 = arith.andi %iota3A_2, %and3A_597 : vector<4x4096xi32>
    %ne3A_599 = arith.constant 0 : i32
    %ne3A_600 = vector.broadcast %ne3A_599 : i32 to vector<4x4096xi32>
    %ne3A_601 = arith.cmpi ne, %and3A_598, %ne3A_600 : vector<4x4096xi32>
    %select_n3A_602 = arith.select %ne3A_601, %roll3A_589, %roll3A_591 : vector<4x4096xi1>, vector<4x4096xf32>
    %select_n3A_603 = arith.select %ne3A_601, %roll3A_593, %roll3A_595 : vector<4x4096xi1>, vector<4x4096xi32>
    %gt3A_604 = arith.cmpf ogt, %select_n3A_586, %select_n3A_602 : vector<4x4096xf32>
    %eq3A_605 = arith.cmpf oeq, %select_n3A_586, %select_n3A_602 : vector<4x4096xf32>
    %lt3A_606 = arith.cmpi slt, %select_n3A_587, %select_n3A_603 : vector<4x4096xi32>
    %and3A_607 = arith.andi %eq3A_605, %lt3A_606 : vector<4x4096xi1>
    %or3A_608 = arith.ori %gt3A_604, %and3A_607 : vector<4x4096xi1>
    %and3A_609 = arith.constant 64 : i32
    %and3A_610 = vector.broadcast %and3A_609 : i32 to vector<4x4096xi32>
    %and3A_611 = arith.andi %iota3A_2, %and3A_610 : vector<4x4096xi32>
    %eq3A_612 = arith.constant 0 : i32
    %eq3A_613 = vector.broadcast %eq3A_612 : i32 to vector<4x4096xi32>
    %eq3A_614 = arith.cmpi eq, %and3A_611, %eq3A_613 : vector<4x4096xi32>
    %not3A_615 = arith.constant dense<true> : vector<4x4096xi1>
    %not3A_616 = arith.xori %ne3A_601, %not3A_615 : vector<4x4096xi1>
    %eq3A_617 = arith.xori %not3A_616, %eq3A_614 : vector<4x4096xi1>
    %eq3A_618 = arith.constant dense<true> : vector<4x4096xi1>
    %eq3A_619 = arith.xori %eq3A_617, %eq3A_618 : vector<4x4096xi1>
    %xor3A_620 = arith.xori %or3A_608, %eq3A_619 : vector<4x4096xi1>
    %select_n3A_621 = arith.select %xor3A_620, %select_n3A_602, %select_n3A_586 : vector<4x4096xi1>, vector<4x4096xf32>
    %select_n3A_622 = arith.select %xor3A_620, %select_n3A_603, %select_n3A_587 : vector<4x4096xi1>, vector<4x4096xi32>
    %roll3A_623 = arith.constant 4 : i32
    %roll3A_624 = tpu.dynamic_rotate %select_n3A_621 by %roll3A_623 dim 1 : vector<4x4096xf32>, i32 -> vector<4x4096xf32>
    %roll3A_625 = arith.constant 4092 : i32
    %roll3A_626 = tpu.dynamic_rotate %select_n3A_621 by %roll3A_625 dim 1 : vector<4x4096xf32>, i32 -> vector<4x4096xf32>
    %roll3A_627 = arith.constant 4 : i32
    %roll3A_628 = tpu.dynamic_rotate %select_n3A_622 by %roll3A_627 dim 1 : vector<4x4096xi32>, i32 -> vector<4x4096xi32>
    %roll3A_629 = arith.constant 4092 : i32
    %roll3A_630 = tpu.dynamic_rotate %select_n3A_622 by %roll3A_629 dim 1 : vector<4x4096xi32>, i32 -> vector<4x4096xi32>
    %and3A_631 = arith.constant 4 : i32
    %and3A_632 = vector.broadcast %and3A_631 : i32 to vector<4x4096xi32>
    %and3A_633 = arith.andi %iota3A_2, %and3A_632 : vector<4x4096xi32>
    %ne3A_634 = arith.constant 0 : i32
    %ne3A_635 = vector.broadcast %ne3A_634 : i32 to vector<4x4096xi32>
    %ne3A_636 = arith.cmpi ne, %and3A_633, %ne3A_635 : vector<4x4096xi32>
    %select_n3A_637 = arith.select %ne3A_636, %roll3A_624, %roll3A_626 : vector<4x4096xi1>, vector<4x4096xf32>
    %select_n3A_638 = arith.select %ne3A_636, %roll3A_628, %roll3A_630 : vector<4x4096xi1>, vector<4x4096xi32>
    %gt3A_639 = arith.cmpf ogt, %select_n3A_621, %select_n3A_637 : vector<4x4096xf32>
    %eq3A_640 = arith.cmpf oeq, %select_n3A_621, %select_n3A_637 : vector<4x4096xf32>
    %lt3A_641 = arith.cmpi slt, %select_n3A_622, %select_n3A_638 : vector<4x4096xi32>
    %and3A_642 = arith.andi %eq3A_640, %lt3A_641 : vector<4x4096xi1>
    %or3A_643 = arith.ori %gt3A_639, %and3A_642 : vector<4x4096xi1>
    %and3A_644 = arith.constant 64 : i32
    %and3A_645 = vector.broadcast %and3A_644 : i32 to vector<4x4096xi32>
    %and3A_646 = arith.andi %iota3A_2, %and3A_645 : vector<4x4096xi32>
    %eq3A_647 = arith.constant 0 : i32
    %eq3A_648 = vector.broadcast %eq3A_647 : i32 to vector<4x4096xi32>
    %eq3A_649 = arith.cmpi eq, %and3A_646, %eq3A_648 : vector<4x4096xi32>
    %not3A_650 = arith.constant dense<true> : vector<4x4096xi1>
    %not3A_651 = arith.xori %ne3A_636, %not3A_650 : vector<4x4096xi1>
    %eq3A_652 = arith.xori %not3A_651, %eq3A_649 : vector<4x4096xi1>
    %eq3A_653 = arith.constant dense<true> : vector<4x4096xi1>
    %eq3A_654 = arith.xori %eq3A_652, %eq3A_653 : vector<4x4096xi1>
    %xor3A_655 = arith.xori %or3A_643, %eq3A_654 : vector<4x4096xi1>
    %select_n3A_656 = arith.select %xor3A_655, %select_n3A_637, %select_n3A_621 : vector<4x4096xi1>, vector<4x4096xf32>
    %select_n3A_657 = arith.select %xor3A_655, %select_n3A_638, %select_n3A_622 : vector<4x4096xi1>, vector<4x4096xi32>
    %roll3A_658 = arith.constant 2 : i32
    %roll3A_659 = tpu.dynamic_rotate %select_n3A_656 by %roll3A_658 dim 1 : vector<4x4096xf32>, i32 -> vector<4x4096xf32>
    %roll3A_660 = arith.constant 4094 : i32
    %roll3A_661 = tpu.dynamic_rotate %select_n3A_656 by %roll3A_660 dim 1 : vector<4x4096xf32>, i32 -> vector<4x4096xf32>
    %roll3A_662 = arith.constant 2 : i32
    %roll3A_663 = tpu.dynamic_rotate %select_n3A_657 by %roll3A_662 dim 1 : vector<4x4096xi32>, i32 -> vector<4x4096xi32>
    %roll3A_664 = arith.constant 4094 : i32
    %roll3A_665 = tpu.dynamic_rotate %select_n3A_657 by %roll3A_664 dim 1 : vector<4x4096xi32>, i32 -> vector<4x4096xi32>
    %and3A_666 = arith.constant 2 : i32
    %and3A_667 = vector.broadcast %and3A_666 : i32 to vector<4x4096xi32>
    %and3A_668 = arith.andi %iota3A_2, %and3A_667 : vector<4x4096xi32>
    %ne3A_669 = arith.constant 0 : i32
    %ne3A_670 = vector.broadcast %ne3A_669 : i32 to vector<4x4096xi32>
    %ne3A_671 = arith.cmpi ne, %and3A_668, %ne3A_670 : vector<4x4096xi32>
    %select_n3A_672 = arith.select %ne3A_671, %roll3A_659, %roll3A_661 : vector<4x4096xi1>, vector<4x4096xf32>
    %select_n3A_673 = arith.select %ne3A_671, %roll3A_663, %roll3A_665 : vector<4x4096xi1>, vector<4x4096xi32>
    %gt3A_674 = arith.cmpf ogt, %select_n3A_656, %select_n3A_672 : vector<4x4096xf32>
    %eq3A_675 = arith.cmpf oeq, %select_n3A_656, %select_n3A_672 : vector<4x4096xf32>
    %lt3A_676 = arith.cmpi slt, %select_n3A_657, %select_n3A_673 : vector<4x4096xi32>
    %and3A_677 = arith.andi %eq3A_675, %lt3A_676 : vector<4x4096xi1>
    %or3A_678 = arith.ori %gt3A_674, %and3A_677 : vector<4x4096xi1>
    %and3A_679 = arith.constant 64 : i32
    %and3A_680 = vector.broadcast %and3A_679 : i32 to vector<4x4096xi32>
    %and3A_681 = arith.andi %iota3A_2, %and3A_680 : vector<4x4096xi32>
    %eq3A_682 = arith.constant 0 : i32
    %eq3A_683 = vector.broadcast %eq3A_682 : i32 to vector<4x4096xi32>
    %eq3A_684 = arith.cmpi eq, %and3A_681, %eq3A_683 : vector<4x4096xi32>
    %not3A_685 = arith.constant dense<true> : vector<4x4096xi1>
    %not3A_686 = arith.xori %ne3A_671, %not3A_685 : vector<4x4096xi1>
    %eq3A_687 = arith.xori %not3A_686, %eq3A_684 : vector<4x4096xi1>
    %eq3A_688 = arith.constant dense<true> : vector<4x4096xi1>
    %eq3A_689 = arith.xori %eq3A_687, %eq3A_688 : vector<4x4096xi1>
    %xor3A_690 = arith.xori %or3A_678, %eq3A_689 : vector<4x4096xi1>
    %select_n3A_691 = arith.select %xor3A_690, %select_n3A_672, %select_n3A_656 : vector<4x4096xi1>, vector<4x4096xf32>
    %select_n3A_692 = arith.select %xor3A_690, %select_n3A_673, %select_n3A_657 : vector<4x4096xi1>, vector<4x4096xi32>
    %roll3A_693 = arith.constant 1 : i32
    %roll3A_694 = tpu.dynamic_rotate %select_n3A_691 by %roll3A_693 dim 1 : vector<4x4096xf32>, i32 -> vector<4x4096xf32>
    %roll3A_695 = arith.constant 4095 : i32
    %roll3A_696 = tpu.dynamic_rotate %select_n3A_691 by %roll3A_695 dim 1 : vector<4x4096xf32>, i32 -> vector<4x4096xf32>
    %roll3A_697 = arith.constant 1 : i32
    %roll3A_698 = tpu.dynamic_rotate %select_n3A_692 by %roll3A_697 dim 1 : vector<4x4096xi32>, i32 -> vector<4x4096xi32>
    %roll3A_699 = arith.constant 4095 : i32
    %roll3A_700 = tpu.dynamic_rotate %select_n3A_692 by %roll3A_699 dim 1 : vector<4x4096xi32>, i32 -> vector<4x4096xi32>
    %and3A_701 = arith.constant 1 : i32
    %and3A_702 = vector.broadcast %and3A_701 : i32 to vector<4x4096xi32>
    %and3A_703 = arith.andi %iota3A_2, %and3A_702 : vector<4x4096xi32>
    %ne3A_704 = arith.constant 0 : i32
    %ne3A_705 = vector.broadcast %ne3A_704 : i32 to vector<4x4096xi32>
    %ne3A_706 = arith.cmpi ne, %and3A_703, %ne3A_705 : vector<4x4096xi32>
    %select_n3A_707 = arith.select %ne3A_706, %roll3A_694, %roll3A_696 : vector<4x4096xi1>, vector<4x4096xf32>
    %select_n3A_708 = arith.select %ne3A_706, %roll3A_698, %roll3A_700 : vector<4x4096xi1>, vector<4x4096xi32>
    %gt3A_709 = arith.cmpf ogt, %select_n3A_691, %select_n3A_707 : vector<4x4096xf32>
    %eq3A_710 = arith.cmpf oeq, %select_n3A_691, %select_n3A_707 : vector<4x4096xf32>
    %lt3A_711 = arith.cmpi slt, %select_n3A_692, %select_n3A_708 : vector<4x4096xi32>
    %and3A_712 = arith.andi %eq3A_710, %lt3A_711 : vector<4x4096xi1>
    %or3A_713 = arith.ori %gt3A_709, %and3A_712 : vector<4x4096xi1>
    %and3A_714 = arith.constant 64 : i32
    %and3A_715 = vector.broadcast %and3A_714 : i32 to vector<4x4096xi32>
    %and3A_716 = arith.andi %iota3A_2, %and3A_715 : vector<4x4096xi32>
    %eq3A_717 = arith.constant 0 : i32
    %eq3A_718 = vector.broadcast %eq3A_717 : i32 to vector<4x4096xi32>
    %eq3A_719 = arith.cmpi eq, %and3A_716, %eq3A_718 : vector<4x4096xi32>
    %not3A_720 = arith.constant dense<true> : vector<4x4096xi1>
    %not3A_721 = arith.xori %ne3A_706, %not3A_720 : vector<4x4096xi1>
    %eq3A_722 = arith.xori %not3A_721, %eq3A_719 : vector<4x4096xi1>
    %eq3A_723 = arith.constant dense<true> : vector<4x4096xi1>
    %eq3A_724 = arith.xori %eq3A_722, %eq3A_723 : vector<4x4096xi1>
    %xor3A_725 = arith.xori %or3A_713, %eq3A_724 : vector<4x4096xi1>
    %select_n3A_726 = arith.select %xor3A_725, %select_n3A_707, %select_n3A_691 : vector<4x4096xi1>, vector<4x4096xf32>
    %select_n3A_727 = arith.select %xor3A_725, %select_n3A_708, %select_n3A_692 : vector<4x4096xi1>, vector<4x4096xi32>
    %roll3A_728 = arith.constant 64 : i32
    %roll3A_729 = tpu.dynamic_rotate %select_n3A_726 by %roll3A_728 dim 1 : vector<4x4096xf32>, i32 -> vector<4x4096xf32>
    %roll3A_730 = arith.constant 4032 : i32
    %roll3A_731 = tpu.dynamic_rotate %select_n3A_726 by %roll3A_730 dim 1 : vector<4x4096xf32>, i32 -> vector<4x4096xf32>
    %roll3A_732 = arith.constant 64 : i32
    %roll3A_733 = tpu.dynamic_rotate %select_n3A_727 by %roll3A_732 dim 1 : vector<4x4096xi32>, i32 -> vector<4x4096xi32>
    %roll3A_734 = arith.constant 4032 : i32
    %roll3A_735 = tpu.dynamic_rotate %select_n3A_727 by %roll3A_734 dim 1 : vector<4x4096xi32>, i32 -> vector<4x4096xi32>
    %and3A_736 = arith.constant 64 : i32
    %and3A_737 = vector.broadcast %and3A_736 : i32 to vector<4x4096xi32>
    %and3A_738 = arith.andi %iota3A_2, %and3A_737 : vector<4x4096xi32>
    %ne3A_739 = arith.constant 0 : i32
    %ne3A_740 = vector.broadcast %ne3A_739 : i32 to vector<4x4096xi32>
    %ne3A_741 = arith.cmpi ne, %and3A_738, %ne3A_740 : vector<4x4096xi32>
    %select_n3A_742 = arith.select %ne3A_741, %roll3A_729, %roll3A_731 : vector<4x4096xi1>, vector<4x4096xf32>
    %select_n3A_743 = arith.select %ne3A_741, %roll3A_733, %roll3A_735 : vector<4x4096xi1>, vector<4x4096xi32>
    %gt3A_744 = arith.cmpf ogt, %select_n3A_726, %select_n3A_742 : vector<4x4096xf32>
    %eq3A_745 = arith.cmpf oeq, %select_n3A_726, %select_n3A_742 : vector<4x4096xf32>
    %lt3A_746 = arith.cmpi slt, %select_n3A_727, %select_n3A_743 : vector<4x4096xi32>
    %and3A_747 = arith.andi %eq3A_745, %lt3A_746 : vector<4x4096xi1>
    %or3A_748 = arith.ori %gt3A_744, %and3A_747 : vector<4x4096xi1>
    %and3A_749 = arith.constant 128 : i32
    %and3A_750 = vector.broadcast %and3A_749 : i32 to vector<4x4096xi32>
    %and3A_751 = arith.andi %iota3A_2, %and3A_750 : vector<4x4096xi32>
    %eq3A_752 = arith.constant 0 : i32
    %eq3A_753 = vector.broadcast %eq3A_752 : i32 to vector<4x4096xi32>
    %eq3A_754 = arith.cmpi eq, %and3A_751, %eq3A_753 : vector<4x4096xi32>
    %not3A_755 = arith.constant dense<true> : vector<4x4096xi1>
    %not3A_756 = arith.xori %ne3A_741, %not3A_755 : vector<4x4096xi1>
    %eq3A_757 = arith.xori %not3A_756, %eq3A_754 : vector<4x4096xi1>
    %eq3A_758 = arith.constant dense<true> : vector<4x4096xi1>
    %eq3A_759 = arith.xori %eq3A_757, %eq3A_758 : vector<4x4096xi1>
    %xor3A_760 = arith.xori %or3A_748, %eq3A_759 : vector<4x4096xi1>
    %select_n3A_761 = arith.select %xor3A_760, %select_n3A_742, %select_n3A_726 : vector<4x4096xi1>, vector<4x4096xf32>
    %select_n3A_762 = arith.select %xor3A_760, %select_n3A_743, %select_n3A_727 : vector<4x4096xi1>, vector<4x4096xi32>
    %roll3A_763 = arith.constant 32 : i32
    %roll3A_764 = tpu.dynamic_rotate %select_n3A_761 by %roll3A_763 dim 1 : vector<4x4096xf32>, i32 -> vector<4x4096xf32>
    %roll3A_765 = arith.constant 4064 : i32
    %roll3A_766 = tpu.dynamic_rotate %select_n3A_761 by %roll3A_765 dim 1 : vector<4x4096xf32>, i32 -> vector<4x4096xf32>
    %roll3A_767 = arith.constant 32 : i32
    %roll3A_768 = tpu.dynamic_rotate %select_n3A_762 by %roll3A_767 dim 1 : vector<4x4096xi32>, i32 -> vector<4x4096xi32>
    %roll3A_769 = arith.constant 4064 : i32
    %roll3A_770 = tpu.dynamic_rotate %select_n3A_762 by %roll3A_769 dim 1 : vector<4x4096xi32>, i32 -> vector<4x4096xi32>
    %and3A_771 = arith.constant 32 : i32
    %and3A_772 = vector.broadcast %and3A_771 : i32 to vector<4x4096xi32>
    %and3A_773 = arith.andi %iota3A_2, %and3A_772 : vector<4x4096xi32>
    %ne3A_774 = arith.constant 0 : i32
    %ne3A_775 = vector.broadcast %ne3A_774 : i32 to vector<4x4096xi32>
    %ne3A_776 = arith.cmpi ne, %and3A_773, %ne3A_775 : vector<4x4096xi32>
    %select_n3A_777 = arith.select %ne3A_776, %roll3A_764, %roll3A_766 : vector<4x4096xi1>, vector<4x4096xf32>
    %select_n3A_778 = arith.select %ne3A_776, %roll3A_768, %roll3A_770 : vector<4x4096xi1>, vector<4x4096xi32>
    %gt3A_779 = arith.cmpf ogt, %select_n3A_761, %select_n3A_777 : vector<4x4096xf32>
    %eq3A_780 = arith.cmpf oeq, %select_n3A_761, %select_n3A_777 : vector<4x4096xf32>
    %lt3A_781 = arith.cmpi slt, %select_n3A_762, %select_n3A_778 : vector<4x4096xi32>
    %and3A_782 = arith.andi %eq3A_780, %lt3A_781 : vector<4x4096xi1>
    %or3A_783 = arith.ori %gt3A_779, %and3A_782 : vector<4x4096xi1>
    %and3A_784 = arith.constant 128 : i32
    %and3A_785 = vector.broadcast %and3A_784 : i32 to vector<4x4096xi32>
    %and3A_786 = arith.andi %iota3A_2, %and3A_785 : vector<4x4096xi32>
    %eq3A_787 = arith.constant 0 : i32
    %eq3A_788 = vector.broadcast %eq3A_787 : i32 to vector<4x4096xi32>
    %eq3A_789 = arith.cmpi eq, %and3A_786, %eq3A_788 : vector<4x4096xi32>
    %not3A_790 = arith.constant dense<true> : vector<4x4096xi1>
    %not3A_791 = arith.xori %ne3A_776, %not3A_790 : vector<4x4096xi1>
    %eq3A_792 = arith.xori %not3A_791, %eq3A_789 : vector<4x4096xi1>
    %eq3A_793 = arith.constant dense<true> : vector<4x4096xi1>
    %eq3A_794 = arith.xori %eq3A_792, %eq3A_793 : vector<4x4096xi1>
    %xor3A_795 = arith.xori %or3A_783, %eq3A_794 : vector<4x4096xi1>
    %select_n3A_796 = arith.select %xor3A_795, %select_n3A_777, %select_n3A_761 : vector<4x4096xi1>, vector<4x4096xf32>
    %select_n3A_797 = arith.select %xor3A_795, %select_n3A_778, %select_n3A_762 : vector<4x4096xi1>, vector<4x4096xi32>
    %roll3A_798 = arith.constant 16 : i32
    %roll3A_799 = tpu.dynamic_rotate %select_n3A_796 by %roll3A_798 dim 1 : vector<4x4096xf32>, i32 -> vector<4x4096xf32>
    %roll3A_800 = arith.constant 4080 : i32
    %roll3A_801 = tpu.dynamic_rotate %select_n3A_796 by %roll3A_800 dim 1 : vector<4x4096xf32>, i32 -> vector<4x4096xf32>
    %roll3A_802 = arith.constant 16 : i32
    %roll3A_803 = tpu.dynamic_rotate %select_n3A_797 by %roll3A_802 dim 1 : vector<4x4096xi32>, i32 -> vector<4x4096xi32>
    %roll3A_804 = arith.constant 4080 : i32
    %roll3A_805 = tpu.dynamic_rotate %select_n3A_797 by %roll3A_804 dim 1 : vector<4x4096xi32>, i32 -> vector<4x4096xi32>
    %and3A_806 = arith.constant 16 : i32
    %and3A_807 = vector.broadcast %and3A_806 : i32 to vector<4x4096xi32>
    %and3A_808 = arith.andi %iota3A_2, %and3A_807 : vector<4x4096xi32>
    %ne3A_809 = arith.constant 0 : i32
    %ne3A_810 = vector.broadcast %ne3A_809 : i32 to vector<4x4096xi32>
    %ne3A_811 = arith.cmpi ne, %and3A_808, %ne3A_810 : vector<4x4096xi32>
    %select_n3A_812 = arith.select %ne3A_811, %roll3A_799, %roll3A_801 : vector<4x4096xi1>, vector<4x4096xf32>
    %select_n3A_813 = arith.select %ne3A_811, %roll3A_803, %roll3A_805 : vector<4x4096xi1>, vector<4x4096xi32>
    %gt3A_814 = arith.cmpf ogt, %select_n3A_796, %select_n3A_812 : vector<4x4096xf32>
    %eq3A_815 = arith.cmpf oeq, %select_n3A_796, %select_n3A_812 : vector<4x4096xf32>
    %lt3A_816 = arith.cmpi slt, %select_n3A_797, %select_n3A_813 : vector<4x4096xi32>
    %and3A_817 = arith.andi %eq3A_815, %lt3A_816 : vector<4x4096xi1>
    %or3A_818 = arith.ori %gt3A_814, %and3A_817 : vector<4x4096xi1>
    %and3A_819 = arith.constant 128 : i32
    %and3A_820 = vector.broadcast %and3A_819 : i32 to vector<4x4096xi32>
    %and3A_821 = arith.andi %iota3A_2, %and3A_820 : vector<4x4096xi32>
    %eq3A_822 = arith.constant 0 : i32
    %eq3A_823 = vector.broadcast %eq3A_822 : i32 to vector<4x4096xi32>
    %eq3A_824 = arith.cmpi eq, %and3A_821, %eq3A_823 : vector<4x4096xi32>
    %not3A_825 = arith.constant dense<true> : vector<4x4096xi1>
    %not3A_826 = arith.xori %ne3A_811, %not3A_825 : vector<4x4096xi1>
    %eq3A_827 = arith.xori %not3A_826, %eq3A_824 : vector<4x4096xi1>
    %eq3A_828 = arith.constant dense<true> : vector<4x4096xi1>
    %eq3A_829 = arith.xori %eq3A_827, %eq3A_828 : vector<4x4096xi1>
    %xor3A_830 = arith.xori %or3A_818, %eq3A_829 : vector<4x4096xi1>
    %select_n3A_831 = arith.select %xor3A_830, %select_n3A_812, %select_n3A_796 : vector<4x4096xi1>, vector<4x4096xf32>
    %select_n3A_832 = arith.select %xor3A_830, %select_n3A_813, %select_n3A_797 : vector<4x4096xi1>, vector<4x4096xi32>
    %roll3A_833 = arith.constant 8 : i32
    %roll3A_834 = tpu.dynamic_rotate %select_n3A_831 by %roll3A_833 dim 1 : vector<4x4096xf32>, i32 -> vector<4x4096xf32>
    %roll3A_835 = arith.constant 4088 : i32
    %roll3A_836 = tpu.dynamic_rotate %select_n3A_831 by %roll3A_835 dim 1 : vector<4x4096xf32>, i32 -> vector<4x4096xf32>
    %roll3A_837 = arith.constant 8 : i32
    %roll3A_838 = tpu.dynamic_rotate %select_n3A_832 by %roll3A_837 dim 1 : vector<4x4096xi32>, i32 -> vector<4x4096xi32>
    %roll3A_839 = arith.constant 4088 : i32
    %roll3A_840 = tpu.dynamic_rotate %select_n3A_832 by %roll3A_839 dim 1 : vector<4x4096xi32>, i32 -> vector<4x4096xi32>
    %and3A_841 = arith.constant 8 : i32
    %and3A_842 = vector.broadcast %and3A_841 : i32 to vector<4x4096xi32>
    %and3A_843 = arith.andi %iota3A_2, %and3A_842 : vector<4x4096xi32>
    %ne3A_844 = arith.constant 0 : i32
    %ne3A_845 = vector.broadcast %ne3A_844 : i32 to vector<4x4096xi32>
    %ne3A_846 = arith.cmpi ne, %and3A_843, %ne3A_845 : vector<4x4096xi32>
    %select_n3A_847 = arith.select %ne3A_846, %roll3A_834, %roll3A_836 : vector<4x4096xi1>, vector<4x4096xf32>
    %select_n3A_848 = arith.select %ne3A_846, %roll3A_838, %roll3A_840 : vector<4x4096xi1>, vector<4x4096xi32>
    %gt3A_849 = arith.cmpf ogt, %select_n3A_831, %select_n3A_847 : vector<4x4096xf32>
    %eq3A_850 = arith.cmpf oeq, %select_n3A_831, %select_n3A_847 : vector<4x4096xf32>
    %lt3A_851 = arith.cmpi slt, %select_n3A_832, %select_n3A_848 : vector<4x4096xi32>
    %and3A_852 = arith.andi %eq3A_850, %lt3A_851 : vector<4x4096xi1>
    %or3A_853 = arith.ori %gt3A_849, %and3A_852 : vector<4x4096xi1>
    %and3A_854 = arith.constant 128 : i32
    %and3A_855 = vector.broadcast %and3A_854 : i32 to vector<4x4096xi32>
    %and3A_856 = arith.andi %iota3A_2, %and3A_855 : vector<4x4096xi32>
    %eq3A_857 = arith.constant 0 : i32
    %eq3A_858 = vector.broadcast %eq3A_857 : i32 to vector<4x4096xi32>
    %eq3A_859 = arith.cmpi eq, %and3A_856, %eq3A_858 : vector<4x4096xi32>
    %not3A_860 = arith.constant dense<true> : vector<4x4096xi1>
    %not3A_861 = arith.xori %ne3A_846, %not3A_860 : vector<4x4096xi1>
    %eq3A_862 = arith.xori %not3A_861, %eq3A_859 : vector<4x4096xi1>
    %eq3A_863 = arith.constant dense<true> : vector<4x4096xi1>
    %eq3A_864 = arith.xori %eq3A_862, %eq3A_863 : vector<4x4096xi1>
    %xor3A_865 = arith.xori %or3A_853, %eq3A_864 : vector<4x4096xi1>
    %select_n3A_866 = arith.select %xor3A_865, %select_n3A_847, %select_n3A_831 : vector<4x4096xi1>, vector<4x4096xf32>
    %select_n3A_867 = arith.select %xor3A_865, %select_n3A_848, %select_n3A_832 : vector<4x4096xi1>, vector<4x4096xi32>
    %roll3A_868 = arith.constant 4 : i32
    %roll3A_869 = tpu.dynamic_rotate %select_n3A_866 by %roll3A_868 dim 1 : vector<4x4096xf32>, i32 -> vector<4x4096xf32>
    %roll3A_870 = arith.constant 4092 : i32
    %roll3A_871 = tpu.dynamic_rotate %select_n3A_866 by %roll3A_870 dim 1 : vector<4x4096xf32>, i32 -> vector<4x4096xf32>
    %roll3A_872 = arith.constant 4 : i32
    %roll3A_873 = tpu.dynamic_rotate %select_n3A_867 by %roll3A_872 dim 1 : vector<4x4096xi32>, i32 -> vector<4x4096xi32>
    %roll3A_874 = arith.constant 4092 : i32
    %roll3A_875 = tpu.dynamic_rotate %select_n3A_867 by %roll3A_874 dim 1 : vector<4x4096xi32>, i32 -> vector<4x4096xi32>
    %and3A_876 = arith.constant 4 : i32
    %and3A_877 = vector.broadcast %and3A_876 : i32 to vector<4x4096xi32>
    %and3A_878 = arith.andi %iota3A_2, %and3A_877 : vector<4x4096xi32>
    %ne3A_879 = arith.constant 0 : i32
    %ne3A_880 = vector.broadcast %ne3A_879 : i32 to vector<4x4096xi32>
    %ne3A_881 = arith.cmpi ne, %and3A_878, %ne3A_880 : vector<4x4096xi32>
    %select_n3A_882 = arith.select %ne3A_881, %roll3A_869, %roll3A_871 : vector<4x4096xi1>, vector<4x4096xf32>
    %select_n3A_883 = arith.select %ne3A_881, %roll3A_873, %roll3A_875 : vector<4x4096xi1>, vector<4x4096xi32>
    %gt3A_884 = arith.cmpf ogt, %select_n3A_866, %select_n3A_882 : vector<4x4096xf32>
    %eq3A_885 = arith.cmpf oeq, %select_n3A_866, %select_n3A_882 : vector<4x4096xf32>
    %lt3A_886 = arith.cmpi slt, %select_n3A_867, %select_n3A_883 : vector<4x4096xi32>
    %and3A_887 = arith.andi %eq3A_885, %lt3A_886 : vector<4x4096xi1>
    %or3A_888 = arith.ori %gt3A_884, %and3A_887 : vector<4x4096xi1>
    %and3A_889 = arith.constant 128 : i32
    %and3A_890 = vector.broadcast %and3A_889 : i32 to vector<4x4096xi32>
    %and3A_891 = arith.andi %iota3A_2, %and3A_890 : vector<4x4096xi32>
    %eq3A_892 = arith.constant 0 : i32
    %eq3A_893 = vector.broadcast %eq3A_892 : i32 to vector<4x4096xi32>
    %eq3A_894 = arith.cmpi eq, %and3A_891, %eq3A_893 : vector<4x4096xi32>
    %not3A_895 = arith.constant dense<true> : vector<4x4096xi1>
    %not3A_896 = arith.xori %ne3A_881, %not3A_895 : vector<4x4096xi1>
    %eq3A_897 = arith.xori %not3A_896, %eq3A_894 : vector<4x4096xi1>
    %eq3A_898 = arith.constant dense<true> : vector<4x4096xi1>
    %eq3A_899 = arith.xori %eq3A_897, %eq3A_898 : vector<4x4096xi1>
    %xor3A_900 = arith.xori %or3A_888, %eq3A_899 : vector<4x4096xi1>
    %select_n3A_901 = arith.select %xor3A_900, %select_n3A_882, %select_n3A_866 : vector<4x4096xi1>, vector<4x4096xf32>
    %select_n3A_902 = arith.select %xor3A_900, %select_n3A_883, %select_n3A_867 : vector<4x4096xi1>, vector<4x4096xi32>
    %roll3A_903 = arith.constant 2 : i32
    %roll3A_904 = tpu.dynamic_rotate %select_n3A_901 by %roll3A_903 dim 1 : vector<4x4096xf32>, i32 -> vector<4x4096xf32>
    %roll3A_905 = arith.constant 4094 : i32
    %roll3A_906 = tpu.dynamic_rotate %select_n3A_901 by %roll3A_905 dim 1 : vector<4x4096xf32>, i32 -> vector<4x4096xf32>
    %roll3A_907 = arith.constant 2 : i32
    %roll3A_908 = tpu.dynamic_rotate %select_n3A_902 by %roll3A_907 dim 1 : vector<4x4096xi32>, i32 -> vector<4x4096xi32>
    %roll3A_909 = arith.constant 4094 : i32
    %roll3A_910 = tpu.dynamic_rotate %select_n3A_902 by %roll3A_909 dim 1 : vector<4x4096xi32>, i32 -> vector<4x4096xi32>
    %and3A_911 = arith.constant 2 : i32
    %and3A_912 = vector.broadcast %and3A_911 : i32 to vector<4x4096xi32>
    %and3A_913 = arith.andi %iota3A_2, %and3A_912 : vector<4x4096xi32>
    %ne3A_914 = arith.constant 0 : i32
    %ne3A_915 = vector.broadcast %ne3A_914 : i32 to vector<4x4096xi32>
    %ne3A_916 = arith.cmpi ne, %and3A_913, %ne3A_915 : vector<4x4096xi32>
    %select_n3A_917 = arith.select %ne3A_916, %roll3A_904, %roll3A_906 : vector<4x4096xi1>, vector<4x4096xf32>
    %select_n3A_918 = arith.select %ne3A_916, %roll3A_908, %roll3A_910 : vector<4x4096xi1>, vector<4x4096xi32>
    %gt3A_919 = arith.cmpf ogt, %select_n3A_901, %select_n3A_917 : vector<4x4096xf32>
    %eq3A_920 = arith.cmpf oeq, %select_n3A_901, %select_n3A_917 : vector<4x4096xf32>
    %lt3A_921 = arith.cmpi slt, %select_n3A_902, %select_n3A_918 : vector<4x4096xi32>
    %and3A_922 = arith.andi %eq3A_920, %lt3A_921 : vector<4x4096xi1>
    %or3A_923 = arith.ori %gt3A_919, %and3A_922 : vector<4x4096xi1>
    %and3A_924 = arith.constant 128 : i32
    %and3A_925 = vector.broadcast %and3A_924 : i32 to vector<4x4096xi32>
    %and3A_926 = arith.andi %iota3A_2, %and3A_925 : vector<4x4096xi32>
    %eq3A_927 = arith.constant 0 : i32
    %eq3A_928 = vector.broadcast %eq3A_927 : i32 to vector<4x4096xi32>
    %eq3A_929 = arith.cmpi eq, %and3A_926, %eq3A_928 : vector<4x4096xi32>
    %not3A_930 = arith.constant dense<true> : vector<4x4096xi1>
    %not3A_931 = arith.xori %ne3A_916, %not3A_930 : vector<4x4096xi1>
    %eq3A_932 = arith.xori %not3A_931, %eq3A_929 : vector<4x4096xi1>
    %eq3A_933 = arith.constant dense<true> : vector<4x4096xi1>
    %eq3A_934 = arith.xori %eq3A_932, %eq3A_933 : vector<4x4096xi1>
    %xor3A_935 = arith.xori %or3A_923, %eq3A_934 : vector<4x4096xi1>
    %select_n3A_936 = arith.select %xor3A_935, %select_n3A_917, %select_n3A_901 : vector<4x4096xi1>, vector<4x4096xf32>
    %select_n3A_937 = arith.select %xor3A_935, %select_n3A_918, %select_n3A_902 : vector<4x4096xi1>, vector<4x4096xi32>
    %roll3A_938 = arith.constant 1 : i32
    %roll3A_939 = tpu.dynamic_rotate %select_n3A_936 by %roll3A_938 dim 1 : vector<4x4096xf32>, i32 -> vector<4x4096xf32>
    %roll3A_940 = arith.constant 4095 : i32
    %roll3A_941 = tpu.dynamic_rotate %select_n3A_936 by %roll3A_940 dim 1 : vector<4x4096xf32>, i32 -> vector<4x4096xf32>
    %roll3A_942 = arith.constant 1 : i32
    %roll3A_943 = tpu.dynamic_rotate %select_n3A_937 by %roll3A_942 dim 1 : vector<4x4096xi32>, i32 -> vector<4x4096xi32>
    %roll3A_944 = arith.constant 4095 : i32
    %roll3A_945 = tpu.dynamic_rotate %select_n3A_937 by %roll3A_944 dim 1 : vector<4x4096xi32>, i32 -> vector<4x4096xi32>
    %and3A_946 = arith.constant 1 : i32
    %and3A_947 = vector.broadcast %and3A_946 : i32 to vector<4x4096xi32>
    %and3A_948 = arith.andi %iota3A_2, %and3A_947 : vector<4x4096xi32>
    %ne3A_949 = arith.constant 0 : i32
    %ne3A_950 = vector.broadcast %ne3A_949 : i32 to vector<4x4096xi32>
    %ne3A_951 = arith.cmpi ne, %and3A_948, %ne3A_950 : vector<4x4096xi32>
    %select_n3A_952 = arith.select %ne3A_951, %roll3A_939, %roll3A_941 : vector<4x4096xi1>, vector<4x4096xf32>
    %select_n3A_953 = arith.select %ne3A_951, %roll3A_943, %roll3A_945 : vector<4x4096xi1>, vector<4x4096xi32>
    %gt3A_954 = arith.cmpf ogt, %select_n3A_936, %select_n3A_952 : vector<4x4096xf32>
    %eq3A_955 = arith.cmpf oeq, %select_n3A_936, %select_n3A_952 : vector<4x4096xf32>
    %lt3A_956 = arith.cmpi slt, %select_n3A_937, %select_n3A_953 : vector<4x4096xi32>
    %and3A_957 = arith.andi %eq3A_955, %lt3A_956 : vector<4x4096xi1>
    %or3A_958 = arith.ori %gt3A_954, %and3A_957 : vector<4x4096xi1>
    %and3A_959 = arith.constant 128 : i32
    %and3A_960 = vector.broadcast %and3A_959 : i32 to vector<4x4096xi32>
    %and3A_961 = arith.andi %iota3A_2, %and3A_960 : vector<4x4096xi32>
    %eq3A_962 = arith.constant 0 : i32
    %eq3A_963 = vector.broadcast %eq3A_962 : i32 to vector<4x4096xi32>
    %eq3A_964 = arith.cmpi eq, %and3A_961, %eq3A_963 : vector<4x4096xi32>
    %not3A_965 = arith.constant dense<true> : vector<4x4096xi1>
    %not3A_966 = arith.xori %ne3A_951, %not3A_965 : vector<4x4096xi1>
    %eq3A_967 = arith.xori %not3A_966, %eq3A_964 : vector<4x4096xi1>
    %eq3A_968 = arith.constant dense<true> : vector<4x4096xi1>
    %eq3A_969 = arith.xori %eq3A_967, %eq3A_968 : vector<4x4096xi1>
    %xor3A_970 = arith.xori %or3A_958, %eq3A_969 : vector<4x4096xi1>
    %select_n3A_971 = arith.select %xor3A_970, %select_n3A_952, %select_n3A_936 : vector<4x4096xi1>, vector<4x4096xf32>
    %select_n3A_972 = arith.select %xor3A_970, %select_n3A_953, %select_n3A_937 : vector<4x4096xi1>, vector<4x4096xi32>
    %roll3A_973 = arith.constant 128 : i32
    %roll3A_974 = tpu.dynamic_rotate %select_n3A_971 by %roll3A_973 dim 1 : vector<4x4096xf32>, i32 -> vector<4x4096xf32>
    %roll3A_975 = arith.constant 3968 : i32
    %roll3A_976 = tpu.dynamic_rotate %select_n3A_971 by %roll3A_975 dim 1 : vector<4x4096xf32>, i32 -> vector<4x4096xf32>
    %roll3A_977 = arith.constant 128 : i32
    %roll3A_978 = tpu.dynamic_rotate %select_n3A_972 by %roll3A_977 dim 1 : vector<4x4096xi32>, i32 -> vector<4x4096xi32>
    %roll3A_979 = arith.constant 3968 : i32
    %roll3A_980 = tpu.dynamic_rotate %select_n3A_972 by %roll3A_979 dim 1 : vector<4x4096xi32>, i32 -> vector<4x4096xi32>
    %and3A_981 = arith.constant 128 : i32
    %and3A_982 = vector.broadcast %and3A_981 : i32 to vector<4x4096xi32>
    %and3A_983 = arith.andi %iota3A_2, %and3A_982 : vector<4x4096xi32>
    %ne3A_984 = arith.constant 0 : i32
    %ne3A_985 = vector.broadcast %ne3A_984 : i32 to vector<4x4096xi32>
    %ne3A_986 = arith.cmpi ne, %and3A_983, %ne3A_985 : vector<4x4096xi32>
    %select_n3A_987 = arith.select %ne3A_986, %roll3A_974, %roll3A_976 : vector<4x4096xi1>, vector<4x4096xf32>
    %select_n3A_988 = arith.select %ne3A_986, %roll3A_978, %roll3A_980 : vector<4x4096xi1>, vector<4x4096xi32>
    %gt3A_989 = arith.cmpf ogt, %select_n3A_971, %select_n3A_987 : vector<4x4096xf32>
    %eq3A_990 = arith.cmpf oeq, %select_n3A_971, %select_n3A_987 : vector<4x4096xf32>
    %lt3A_991 = arith.cmpi slt, %select_n3A_972, %select_n3A_988 : vector<4x4096xi32>
    %and3A_992 = arith.andi %eq3A_990, %lt3A_991 : vector<4x4096xi1>
    %or3A_993 = arith.ori %gt3A_989, %and3A_992 : vector<4x4096xi1>
    %and3A_994 = arith.constant 256 : i32
    %and3A_995 = vector.broadcast %and3A_994 : i32 to vector<4x4096xi32>
    %and3A_996 = arith.andi %iota3A_2, %and3A_995 : vector<4x4096xi32>
    %eq3A_997 = arith.constant 0 : i32
    %eq3A_998 = vector.broadcast %eq3A_997 : i32 to vector<4x4096xi32>
    %eq3A_999 = arith.cmpi eq, %and3A_996, %eq3A_998 : vector<4x4096xi32>
    %not3A_1000 = arith.constant dense<true> : vector<4x4096xi1>
    %not3A_1001 = arith.xori %ne3A_986, %not3A_1000 : vector<4x4096xi1>
    %eq3A_1002 = arith.xori %not3A_1001, %eq3A_999 : vector<4x4096xi1>
    %eq3A_1003 = arith.constant dense<true> : vector<4x4096xi1>
    %eq3A_1004 = arith.xori %eq3A_1002, %eq3A_1003 : vector<4x4096xi1>
    %xor3A_1005 = arith.xori %or3A_993, %eq3A_1004 : vector<4x4096xi1>
    %select_n3A_1006 = arith.select %xor3A_1005, %select_n3A_987, %select_n3A_971 : vector<4x4096xi1>, vector<4x4096xf32>
    %select_n3A_1007 = arith.select %xor3A_1005, %select_n3A_988, %select_n3A_972 : vector<4x4096xi1>, vector<4x4096xi32>
    %roll3A_1008 = arith.constant 64 : i32
    %roll3A_1009 = tpu.dynamic_rotate %select_n3A_1006 by %roll3A_1008 dim 1 : vector<4x4096xf32>, i32 -> vector<4x4096xf32>
    %roll3A_1010 = arith.constant 4032 : i32
    %roll3A_1011 = tpu.dynamic_rotate %select_n3A_1006 by %roll3A_1010 dim 1 : vector<4x4096xf32>, i32 -> vector<4x4096xf32>
    %roll3A_1012 = arith.constant 64 : i32
    %roll3A_1013 = tpu.dynamic_rotate %select_n3A_1007 by %roll3A_1012 dim 1 : vector<4x4096xi32>, i32 -> vector<4x4096xi32>
    %roll3A_1014 = arith.constant 4032 : i32
    %roll3A_1015 = tpu.dynamic_rotate %select_n3A_1007 by %roll3A_1014 dim 1 : vector<4x4096xi32>, i32 -> vector<4x4096xi32>
    %and3A_1016 = arith.constant 64 : i32
    %and3A_1017 = vector.broadcast %and3A_1016 : i32 to vector<4x4096xi32>
    %and3A_1018 = arith.andi %iota3A_2, %and3A_1017 : vector<4x4096xi32>
    %ne3A_1019 = arith.constant 0 : i32
    %ne3A_1020 = vector.broadcast %ne3A_1019 : i32 to vector<4x4096xi32>
    %ne3A_1021 = arith.cmpi ne, %and3A_1018, %ne3A_1020 : vector<4x4096xi32>
    %select_n3A_1022 = arith.select %ne3A_1021, %roll3A_1009, %roll3A_1011 : vector<4x4096xi1>, vector<4x4096xf32>
    %select_n3A_1023 = arith.select %ne3A_1021, %roll3A_1013, %roll3A_1015 : vector<4x4096xi1>, vector<4x4096xi32>
    %gt3A_1024 = arith.cmpf ogt, %select_n3A_1006, %select_n3A_1022 : vector<4x4096xf32>
    %eq3A_1025 = arith.cmpf oeq, %select_n3A_1006, %select_n3A_1022 : vector<4x4096xf32>
    %lt3A_1026 = arith.cmpi slt, %select_n3A_1007, %select_n3A_1023 : vector<4x4096xi32>
    %and3A_1027 = arith.andi %eq3A_1025, %lt3A_1026 : vector<4x4096xi1>
    %or3A_1028 = arith.ori %gt3A_1024, %and3A_1027 : vector<4x4096xi1>
    %and3A_1029 = arith.constant 256 : i32
    %and3A_1030 = vector.broadcast %and3A_1029 : i32 to vector<4x4096xi32>
    %and3A_1031 = arith.andi %iota3A_2, %and3A_1030 : vector<4x4096xi32>
    %eq3A_1032 = arith.constant 0 : i32
    %eq3A_1033 = vector.broadcast %eq3A_1032 : i32 to vector<4x4096xi32>
    %eq3A_1034 = arith.cmpi eq, %and3A_1031, %eq3A_1033 : vector<4x4096xi32>
    %not3A_1035 = arith.constant dense<true> : vector<4x4096xi1>
    %not3A_1036 = arith.xori %ne3A_1021, %not3A_1035 : vector<4x4096xi1>
    %eq3A_1037 = arith.xori %not3A_1036, %eq3A_1034 : vector<4x4096xi1>
    %eq3A_1038 = arith.constant dense<true> : vector<4x4096xi1>
    %eq3A_1039 = arith.xori %eq3A_1037, %eq3A_1038 : vector<4x4096xi1>
    %xor3A_1040 = arith.xori %or3A_1028, %eq3A_1039 : vector<4x4096xi1>
    %select_n3A_1041 = arith.select %xor3A_1040, %select_n3A_1022, %select_n3A_1006 : vector<4x4096xi1>, vector<4x4096xf32>
    %select_n3A_1042 = arith.select %xor3A_1040, %select_n3A_1023, %select_n3A_1007 : vector<4x4096xi1>, vector<4x4096xi32>
    %roll3A_1043 = arith.constant 32 : i32
    %roll3A_1044 = tpu.dynamic_rotate %select_n3A_1041 by %roll3A_1043 dim 1 : vector<4x4096xf32>, i32 -> vector<4x4096xf32>
    %roll3A_1045 = arith.constant 4064 : i32
    %roll3A_1046 = tpu.dynamic_rotate %select_n3A_1041 by %roll3A_1045 dim 1 : vector<4x4096xf32>, i32 -> vector<4x4096xf32>
    %roll3A_1047 = arith.constant 32 : i32
    %roll3A_1048 = tpu.dynamic_rotate %select_n3A_1042 by %roll3A_1047 dim 1 : vector<4x4096xi32>, i32 -> vector<4x4096xi32>
    %roll3A_1049 = arith.constant 4064 : i32
    %roll3A_1050 = tpu.dynamic_rotate %select_n3A_1042 by %roll3A_1049 dim 1 : vector<4x4096xi32>, i32 -> vector<4x4096xi32>
    %and3A_1051 = arith.constant 32 : i32
    %and3A_1052 = vector.broadcast %and3A_1051 : i32 to vector<4x4096xi32>
    %and3A_1053 = arith.andi %iota3A_2, %and3A_1052 : vector<4x4096xi32>
    %ne3A_1054 = arith.constant 0 : i32
    %ne3A_1055 = vector.broadcast %ne3A_1054 : i32 to vector<4x4096xi32>
    %ne3A_1056 = arith.cmpi ne, %and3A_1053, %ne3A_1055 : vector<4x4096xi32>
    %select_n3A_1057 = arith.select %ne3A_1056, %roll3A_1044, %roll3A_1046 : vector<4x4096xi1>, vector<4x4096xf32>
    %select_n3A_1058 = arith.select %ne3A_1056, %roll3A_1048, %roll3A_1050 : vector<4x4096xi1>, vector<4x4096xi32>
    %gt3A_1059 = arith.cmpf ogt, %select_n3A_1041, %select_n3A_1057 : vector<4x4096xf32>
    %eq3A_1060 = arith.cmpf oeq, %select_n3A_1041, %select_n3A_1057 : vector<4x4096xf32>
    %lt3A_1061 = arith.cmpi slt, %select_n3A_1042, %select_n3A_1058 : vector<4x4096xi32>
    %and3A_1062 = arith.andi %eq3A_1060, %lt3A_1061 : vector<4x4096xi1>
    %or3A_1063 = arith.ori %gt3A_1059, %and3A_1062 : vector<4x4096xi1>
    %and3A_1064 = arith.constant 256 : i32
    %and3A_1065 = vector.broadcast %and3A_1064 : i32 to vector<4x4096xi32>
    %and3A_1066 = arith.andi %iota3A_2, %and3A_1065 : vector<4x4096xi32>
    %eq3A_1067 = arith.constant 0 : i32
    %eq3A_1068 = vector.broadcast %eq3A_1067 : i32 to vector<4x4096xi32>
    %eq3A_1069 = arith.cmpi eq, %and3A_1066, %eq3A_1068 : vector<4x4096xi32>
    %not3A_1070 = arith.constant dense<true> : vector<4x4096xi1>
    %not3A_1071 = arith.xori %ne3A_1056, %not3A_1070 : vector<4x4096xi1>
    %eq3A_1072 = arith.xori %not3A_1071, %eq3A_1069 : vector<4x4096xi1>
    %eq3A_1073 = arith.constant dense<true> : vector<4x4096xi1>
    %eq3A_1074 = arith.xori %eq3A_1072, %eq3A_1073 : vector<4x4096xi1>
    %xor3A_1075 = arith.xori %or3A_1063, %eq3A_1074 : vector<4x4096xi1>
    %select_n3A_1076 = arith.select %xor3A_1075, %select_n3A_1057, %select_n3A_1041 : vector<4x4096xi1>, vector<4x4096xf32>
    %select_n3A_1077 = arith.select %xor3A_1075, %select_n3A_1058, %select_n3A_1042 : vector<4x4096xi1>, vector<4x4096xi32>
    %roll3A_1078 = arith.constant 16 : i32
    %roll3A_1079 = tpu.dynamic_rotate %select_n3A_1076 by %roll3A_1078 dim 1 : vector<4x4096xf32>, i32 -> vector<4x4096xf32>
    %roll3A_1080 = arith.constant 4080 : i32
    %roll3A_1081 = tpu.dynamic_rotate %select_n3A_1076 by %roll3A_1080 dim 1 : vector<4x4096xf32>, i32 -> vector<4x4096xf32>
    %roll3A_1082 = arith.constant 16 : i32
    %roll3A_1083 = tpu.dynamic_rotate %select_n3A_1077 by %roll3A_1082 dim 1 : vector<4x4096xi32>, i32 -> vector<4x4096xi32>
    %roll3A_1084 = arith.constant 4080 : i32
    %roll3A_1085 = tpu.dynamic_rotate %select_n3A_1077 by %roll3A_1084 dim 1 : vector<4x4096xi32>, i32 -> vector<4x4096xi32>
    %and3A_1086 = arith.constant 16 : i32
    %and3A_1087 = vector.broadcast %and3A_1086 : i32 to vector<4x4096xi32>
    %and3A_1088 = arith.andi %iota3A_2, %and3A_1087 : vector<4x4096xi32>
    %ne3A_1089 = arith.constant 0 : i32
    %ne3A_1090 = vector.broadcast %ne3A_1089 : i32 to vector<4x4096xi32>
    %ne3A_1091 = arith.cmpi ne, %and3A_1088, %ne3A_1090 : vector<4x4096xi32>
    %select_n3A_1092 = arith.select %ne3A_1091, %roll3A_1079, %roll3A_1081 : vector<4x4096xi1>, vector<4x4096xf32>
    %select_n3A_1093 = arith.select %ne3A_1091, %roll3A_1083, %roll3A_1085 : vector<4x4096xi1>, vector<4x4096xi32>
    %gt3A_1094 = arith.cmpf ogt, %select_n3A_1076, %select_n3A_1092 : vector<4x4096xf32>
    %eq3A_1095 = arith.cmpf oeq, %select_n3A_1076, %select_n3A_1092 : vector<4x4096xf32>
    %lt3A_1096 = arith.cmpi slt, %select_n3A_1077, %select_n3A_1093 : vector<4x4096xi32>
    %and3A_1097 = arith.andi %eq3A_1095, %lt3A_1096 : vector<4x4096xi1>
    %or3A_1098 = arith.ori %gt3A_1094, %and3A_1097 : vector<4x4096xi1>
    %and3A_1099 = arith.constant 256 : i32
    %and3A_1100 = vector.broadcast %and3A_1099 : i32 to vector<4x4096xi32>
    %and3A_1101 = arith.andi %iota3A_2, %and3A_1100 : vector<4x4096xi32>
    %eq3A_1102 = arith.constant 0 : i32
    %eq3A_1103 = vector.broadcast %eq3A_1102 : i32 to vector<4x4096xi32>
    %eq3A_1104 = arith.cmpi eq, %and3A_1101, %eq3A_1103 : vector<4x4096xi32>
    %not3A_1105 = arith.constant dense<true> : vector<4x4096xi1>
    %not3A_1106 = arith.xori %ne3A_1091, %not3A_1105 : vector<4x4096xi1>
    %eq3A_1107 = arith.xori %not3A_1106, %eq3A_1104 : vector<4x4096xi1>
    %eq3A_1108 = arith.constant dense<true> : vector<4x4096xi1>
    %eq3A_1109 = arith.xori %eq3A_1107, %eq3A_1108 : vector<4x4096xi1>
    %xor3A_1110 = arith.xori %or3A_1098, %eq3A_1109 : vector<4x4096xi1>
    %select_n3A_1111 = arith.select %xor3A_1110, %select_n3A_1092, %select_n3A_1076 : vector<4x4096xi1>, vector<4x4096xf32>
    %select_n3A_1112 = arith.select %xor3A_1110, %select_n3A_1093, %select_n3A_1077 : vector<4x4096xi1>, vector<4x4096xi32>
    %roll3A_1113 = arith.constant 8 : i32
    %roll3A_1114 = tpu.dynamic_rotate %select_n3A_1111 by %roll3A_1113 dim 1 : vector<4x4096xf32>, i32 -> vector<4x4096xf32>
    %roll3A_1115 = arith.constant 4088 : i32
    %roll3A_1116 = tpu.dynamic_rotate %select_n3A_1111 by %roll3A_1115 dim 1 : vector<4x4096xf32>, i32 -> vector<4x4096xf32>
    %roll3A_1117 = arith.constant 8 : i32
    %roll3A_1118 = tpu.dynamic_rotate %select_n3A_1112 by %roll3A_1117 dim 1 : vector<4x4096xi32>, i32 -> vector<4x4096xi32>
    %roll3A_1119 = arith.constant 4088 : i32
    %roll3A_1120 = tpu.dynamic_rotate %select_n3A_1112 by %roll3A_1119 dim 1 : vector<4x4096xi32>, i32 -> vector<4x4096xi32>
    %and3A_1121 = arith.constant 8 : i32
    %and3A_1122 = vector.broadcast %and3A_1121 : i32 to vector<4x4096xi32>
    %and3A_1123 = arith.andi %iota3A_2, %and3A_1122 : vector<4x4096xi32>
    %ne3A_1124 = arith.constant 0 : i32
    %ne3A_1125 = vector.broadcast %ne3A_1124 : i32 to vector<4x4096xi32>
    %ne3A_1126 = arith.cmpi ne, %and3A_1123, %ne3A_1125 : vector<4x4096xi32>
    %select_n3A_1127 = arith.select %ne3A_1126, %roll3A_1114, %roll3A_1116 : vector<4x4096xi1>, vector<4x4096xf32>
    %select_n3A_1128 = arith.select %ne3A_1126, %roll3A_1118, %roll3A_1120 : vector<4x4096xi1>, vector<4x4096xi32>
    %gt3A_1129 = arith.cmpf ogt, %select_n3A_1111, %select_n3A_1127 : vector<4x4096xf32>
    %eq3A_1130 = arith.cmpf oeq, %select_n3A_1111, %select_n3A_1127 : vector<4x4096xf32>
    %lt3A_1131 = arith.cmpi slt, %select_n3A_1112, %select_n3A_1128 : vector<4x4096xi32>
    %and3A_1132 = arith.andi %eq3A_1130, %lt3A_1131 : vector<4x4096xi1>
    %or3A_1133 = arith.ori %gt3A_1129, %and3A_1132 : vector<4x4096xi1>
    %and3A_1134 = arith.constant 256 : i32
    %and3A_1135 = vector.broadcast %and3A_1134 : i32 to vector<4x4096xi32>
    %and3A_1136 = arith.andi %iota3A_2, %and3A_1135 : vector<4x4096xi32>
    %eq3A_1137 = arith.constant 0 : i32
    %eq3A_1138 = vector.broadcast %eq3A_1137 : i32 to vector<4x4096xi32>
    %eq3A_1139 = arith.cmpi eq, %and3A_1136, %eq3A_1138 : vector<4x4096xi32>
    %not3A_1140 = arith.constant dense<true> : vector<4x4096xi1>
    %not3A_1141 = arith.xori %ne3A_1126, %not3A_1140 : vector<4x4096xi1>
    %eq3A_1142 = arith.xori %not3A_1141, %eq3A_1139 : vector<4x4096xi1>
    %eq3A_1143 = arith.constant dense<true> : vector<4x4096xi1>
    %eq3A_1144 = arith.xori %eq3A_1142, %eq3A_1143 : vector<4x4096xi1>
    %xor3A_1145 = arith.xori %or3A_1133, %eq3A_1144 : vector<4x4096xi1>
    %select_n3A_1146 = arith.select %xor3A_1145, %select_n3A_1127, %select_n3A_1111 : vector<4x4096xi1>, vector<4x4096xf32>
    %select_n3A_1147 = arith.select %xor3A_1145, %select_n3A_1128, %select_n3A_1112 : vector<4x4096xi1>, vector<4x4096xi32>
    %roll3A_1148 = arith.constant 4 : i32
    %roll3A_1149 = tpu.dynamic_rotate %select_n3A_1146 by %roll3A_1148 dim 1 : vector<4x4096xf32>, i32 -> vector<4x4096xf32>
    %roll3A_1150 = arith.constant 4092 : i32
    %roll3A_1151 = tpu.dynamic_rotate %select_n3A_1146 by %roll3A_1150 dim 1 : vector<4x4096xf32>, i32 -> vector<4x4096xf32>
    %roll3A_1152 = arith.constant 4 : i32
    %roll3A_1153 = tpu.dynamic_rotate %select_n3A_1147 by %roll3A_1152 dim 1 : vector<4x4096xi32>, i32 -> vector<4x4096xi32>
    %roll3A_1154 = arith.constant 4092 : i32
    %roll3A_1155 = tpu.dynamic_rotate %select_n3A_1147 by %roll3A_1154 dim 1 : vector<4x4096xi32>, i32 -> vector<4x4096xi32>
    %and3A_1156 = arith.constant 4 : i32
    %and3A_1157 = vector.broadcast %and3A_1156 : i32 to vector<4x4096xi32>
    %and3A_1158 = arith.andi %iota3A_2, %and3A_1157 : vector<4x4096xi32>
    %ne3A_1159 = arith.constant 0 : i32
    %ne3A_1160 = vector.broadcast %ne3A_1159 : i32 to vector<4x4096xi32>
    %ne3A_1161 = arith.cmpi ne, %and3A_1158, %ne3A_1160 : vector<4x4096xi32>
    %select_n3A_1162 = arith.select %ne3A_1161, %roll3A_1149, %roll3A_1151 : vector<4x4096xi1>, vector<4x4096xf32>
    %select_n3A_1163 = arith.select %ne3A_1161, %roll3A_1153, %roll3A_1155 : vector<4x4096xi1>, vector<4x4096xi32>
    %gt3A_1164 = arith.cmpf ogt, %select_n3A_1146, %select_n3A_1162 : vector<4x4096xf32>
    %eq3A_1165 = arith.cmpf oeq, %select_n3A_1146, %select_n3A_1162 : vector<4x4096xf32>
    %lt3A_1166 = arith.cmpi slt, %select_n3A_1147, %select_n3A_1163 : vector<4x4096xi32>
    %and3A_1167 = arith.andi %eq3A_1165, %lt3A_1166 : vector<4x4096xi1>
    %or3A_1168 = arith.ori %gt3A_1164, %and3A_1167 : vector<4x4096xi1>
    %and3A_1169 = arith.constant 256 : i32
    %and3A_1170 = vector.broadcast %and3A_1169 : i32 to vector<4x4096xi32>
    %and3A_1171 = arith.andi %iota3A_2, %and3A_1170 : vector<4x4096xi32>
    %eq3A_1172 = arith.constant 0 : i32
    %eq3A_1173 = vector.broadcast %eq3A_1172 : i32 to vector<4x4096xi32>
    %eq3A_1174 = arith.cmpi eq, %and3A_1171, %eq3A_1173 : vector<4x4096xi32>
    %not3A_1175 = arith.constant dense<true> : vector<4x4096xi1>
    %not3A_1176 = arith.xori %ne3A_1161, %not3A_1175 : vector<4x4096xi1>
    %eq3A_1177 = arith.xori %not3A_1176, %eq3A_1174 : vector<4x4096xi1>
    %eq3A_1178 = arith.constant dense<true> : vector<4x4096xi1>
    %eq3A_1179 = arith.xori %eq3A_1177, %eq3A_1178 : vector<4x4096xi1>
    %xor3A_1180 = arith.xori %or3A_1168, %eq3A_1179 : vector<4x4096xi1>
    %select_n3A_1181 = arith.select %xor3A_1180, %select_n3A_1162, %select_n3A_1146 : vector<4x4096xi1>, vector<4x4096xf32>
    %select_n3A_1182 = arith.select %xor3A_1180, %select_n3A_1163, %select_n3A_1147 : vector<4x4096xi1>, vector<4x4096xi32>
    %roll3A_1183 = arith.constant 2 : i32
    %roll3A_1184 = tpu.dynamic_rotate %select_n3A_1181 by %roll3A_1183 dim 1 : vector<4x4096xf32>, i32 -> vector<4x4096xf32>
    %roll3A_1185 = arith.constant 4094 : i32
    %roll3A_1186 = tpu.dynamic_rotate %select_n3A_1181 by %roll3A_1185 dim 1 : vector<4x4096xf32>, i32 -> vector<4x4096xf32>
    %roll3A_1187 = arith.constant 2 : i32
    %roll3A_1188 = tpu.dynamic_rotate %select_n3A_1182 by %roll3A_1187 dim 1 : vector<4x4096xi32>, i32 -> vector<4x4096xi32>
    %roll3A_1189 = arith.constant 4094 : i32
    %roll3A_1190 = tpu.dynamic_rotate %select_n3A_1182 by %roll3A_1189 dim 1 : vector<4x4096xi32>, i32 -> vector<4x4096xi32>
    %and3A_1191 = arith.constant 2 : i32
    %and3A_1192 = vector.broadcast %and3A_1191 : i32 to vector<4x4096xi32>
    %and3A_1193 = arith.andi %iota3A_2, %and3A_1192 : vector<4x4096xi32>
    %ne3A_1194 = arith.constant 0 : i32
    %ne3A_1195 = vector.broadcast %ne3A_1194 : i32 to vector<4x4096xi32>
    %ne3A_1196 = arith.cmpi ne, %and3A_1193, %ne3A_1195 : vector<4x4096xi32>
    %select_n3A_1197 = arith.select %ne3A_1196, %roll3A_1184, %roll3A_1186 : vector<4x4096xi1>, vector<4x4096xf32>
    %select_n3A_1198 = arith.select %ne3A_1196, %roll3A_1188, %roll3A_1190 : vector<4x4096xi1>, vector<4x4096xi32>
    %gt3A_1199 = arith.cmpf ogt, %select_n3A_1181, %select_n3A_1197 : vector<4x4096xf32>
    %eq3A_1200 = arith.cmpf oeq, %select_n3A_1181, %select_n3A_1197 : vector<4x4096xf32>
    %lt3A_1201 = arith.cmpi slt, %select_n3A_1182, %select_n3A_1198 : vector<4x4096xi32>
    %and3A_1202 = arith.andi %eq3A_1200, %lt3A_1201 : vector<4x4096xi1>
    %or3A_1203 = arith.ori %gt3A_1199, %and3A_1202 : vector<4x4096xi1>
    %and3A_1204 = arith.constant 256 : i32
    %and3A_1205 = vector.broadcast %and3A_1204 : i32 to vector<4x4096xi32>
    %and3A_1206 = arith.andi %iota3A_2, %and3A_1205 : vector<4x4096xi32>
    %eq3A_1207 = arith.constant 0 : i32
    %eq3A_1208 = vector.broadcast %eq3A_1207 : i32 to vector<4x4096xi32>
    %eq3A_1209 = arith.cmpi eq, %and3A_1206, %eq3A_1208 : vector<4x4096xi32>
    %not3A_1210 = arith.constant dense<true> : vector<4x4096xi1>
    %not3A_1211 = arith.xori %ne3A_1196, %not3A_1210 : vector<4x4096xi1>
    %eq3A_1212 = arith.xori %not3A_1211, %eq3A_1209 : vector<4x4096xi1>
    %eq3A_1213 = arith.constant dense<true> : vector<4x4096xi1>
    %eq3A_1214 = arith.xori %eq3A_1212, %eq3A_1213 : vector<4x4096xi1>
    %xor3A_1215 = arith.xori %or3A_1203, %eq3A_1214 : vector<4x4096xi1>
    %select_n3A_1216 = arith.select %xor3A_1215, %select_n3A_1197, %select_n3A_1181 : vector<4x4096xi1>, vector<4x4096xf32>
    %select_n3A_1217 = arith.select %xor3A_1215, %select_n3A_1198, %select_n3A_1182 : vector<4x4096xi1>, vector<4x4096xi32>
    %roll3A_1218 = arith.constant 1 : i32
    %roll3A_1219 = tpu.dynamic_rotate %select_n3A_1216 by %roll3A_1218 dim 1 : vector<4x4096xf32>, i32 -> vector<4x4096xf32>
    %roll3A_1220 = arith.constant 4095 : i32
    %roll3A_1221 = tpu.dynamic_rotate %select_n3A_1216 by %roll3A_1220 dim 1 : vector<4x4096xf32>, i32 -> vector<4x4096xf32>
    %roll3A_1222 = arith.constant 1 : i32
    %roll3A_1223 = tpu.dynamic_rotate %select_n3A_1217 by %roll3A_1222 dim 1 : vector<4x4096xi32>, i32 -> vector<4x4096xi32>
    %roll3A_1224 = arith.constant 4095 : i32
    %roll3A_1225 = tpu.dynamic_rotate %select_n3A_1217 by %roll3A_1224 dim 1 : vector<4x4096xi32>, i32 -> vector<4x4096xi32>
    %and3A_1226 = arith.constant 1 : i32
    %and3A_1227 = vector.broadcast %and3A_1226 : i32 to vector<4x4096xi32>
    %and3A_1228 = arith.andi %iota3A_2, %and3A_1227 : vector<4x4096xi32>
    %ne3A_1229 = arith.constant 0 : i32
    %ne3A_1230 = vector.broadcast %ne3A_1229 : i32 to vector<4x4096xi32>
    %ne3A_1231 = arith.cmpi ne, %and3A_1228, %ne3A_1230 : vector<4x4096xi32>
    %select_n3A_1232 = arith.select %ne3A_1231, %roll3A_1219, %roll3A_1221 : vector<4x4096xi1>, vector<4x4096xf32>
    %select_n3A_1233 = arith.select %ne3A_1231, %roll3A_1223, %roll3A_1225 : vector<4x4096xi1>, vector<4x4096xi32>
    %gt3A_1234 = arith.cmpf ogt, %select_n3A_1216, %select_n3A_1232 : vector<4x4096xf32>
    %eq3A_1235 = arith.cmpf oeq, %select_n3A_1216, %select_n3A_1232 : vector<4x4096xf32>
    %lt3A_1236 = arith.cmpi slt, %select_n3A_1217, %select_n3A_1233 : vector<4x4096xi32>
    %and3A_1237 = arith.andi %eq3A_1235, %lt3A_1236 : vector<4x4096xi1>
    %or3A_1238 = arith.ori %gt3A_1234, %and3A_1237 : vector<4x4096xi1>
    %and3A_1239 = arith.constant 256 : i32
    %and3A_1240 = vector.broadcast %and3A_1239 : i32 to vector<4x4096xi32>
    %and3A_1241 = arith.andi %iota3A_2, %and3A_1240 : vector<4x4096xi32>
    %eq3A_1242 = arith.constant 0 : i32
    %eq3A_1243 = vector.broadcast %eq3A_1242 : i32 to vector<4x4096xi32>
    %eq3A_1244 = arith.cmpi eq, %and3A_1241, %eq3A_1243 : vector<4x4096xi32>
    %not3A_1245 = arith.constant dense<true> : vector<4x4096xi1>
    %not3A_1246 = arith.xori %ne3A_1231, %not3A_1245 : vector<4x4096xi1>
    %eq3A_1247 = arith.xori %not3A_1246, %eq3A_1244 : vector<4x4096xi1>
    %eq3A_1248 = arith.constant dense<true> : vector<4x4096xi1>
    %eq3A_1249 = arith.xori %eq3A_1247, %eq3A_1248 : vector<4x4096xi1>
    %xor3A_1250 = arith.xori %or3A_1238, %eq3A_1249 : vector<4x4096xi1>
    %select_n3A_1251 = arith.select %xor3A_1250, %select_n3A_1232, %select_n3A_1216 : vector<4x4096xi1>, vector<4x4096xf32>
    %select_n3A_1252 = arith.select %xor3A_1250, %select_n3A_1233, %select_n3A_1217 : vector<4x4096xi1>, vector<4x4096xi32>
    %roll3A_1253 = arith.constant 256 : i32
    %roll3A_1254 = tpu.dynamic_rotate %select_n3A_1251 by %roll3A_1253 dim 1 : vector<4x4096xf32>, i32 -> vector<4x4096xf32>
    %roll3A_1255 = arith.constant 3840 : i32
    %roll3A_1256 = tpu.dynamic_rotate %select_n3A_1251 by %roll3A_1255 dim 1 : vector<4x4096xf32>, i32 -> vector<4x4096xf32>
    %roll3A_1257 = arith.constant 256 : i32
    %roll3A_1258 = tpu.dynamic_rotate %select_n3A_1252 by %roll3A_1257 dim 1 : vector<4x4096xi32>, i32 -> vector<4x4096xi32>
    %roll3A_1259 = arith.constant 3840 : i32
    %roll3A_1260 = tpu.dynamic_rotate %select_n3A_1252 by %roll3A_1259 dim 1 : vector<4x4096xi32>, i32 -> vector<4x4096xi32>
    %and3A_1261 = arith.constant 256 : i32
    %and3A_1262 = vector.broadcast %and3A_1261 : i32 to vector<4x4096xi32>
    %and3A_1263 = arith.andi %iota3A_2, %and3A_1262 : vector<4x4096xi32>
    %ne3A_1264 = arith.constant 0 : i32
    %ne3A_1265 = vector.broadcast %ne3A_1264 : i32 to vector<4x4096xi32>
    %ne3A_1266 = arith.cmpi ne, %and3A_1263, %ne3A_1265 : vector<4x4096xi32>
    %select_n3A_1267 = arith.select %ne3A_1266, %roll3A_1254, %roll3A_1256 : vector<4x4096xi1>, vector<4x4096xf32>
    %select_n3A_1268 = arith.select %ne3A_1266, %roll3A_1258, %roll3A_1260 : vector<4x4096xi1>, vector<4x4096xi32>
    %gt3A_1269 = arith.cmpf ogt, %select_n3A_1251, %select_n3A_1267 : vector<4x4096xf32>
    %eq3A_1270 = arith.cmpf oeq, %select_n3A_1251, %select_n3A_1267 : vector<4x4096xf32>
    %lt3A_1271 = arith.cmpi slt, %select_n3A_1252, %select_n3A_1268 : vector<4x4096xi32>
    %and3A_1272 = arith.andi %eq3A_1270, %lt3A_1271 : vector<4x4096xi1>
    %or3A_1273 = arith.ori %gt3A_1269, %and3A_1272 : vector<4x4096xi1>
    %and3A_1274 = arith.constant 512 : i32
    %and3A_1275 = vector.broadcast %and3A_1274 : i32 to vector<4x4096xi32>
    %and3A_1276 = arith.andi %iota3A_2, %and3A_1275 : vector<4x4096xi32>
    %eq3A_1277 = arith.constant 0 : i32
    %eq3A_1278 = vector.broadcast %eq3A_1277 : i32 to vector<4x4096xi32>
    %eq3A_1279 = arith.cmpi eq, %and3A_1276, %eq3A_1278 : vector<4x4096xi32>
    %not3A_1280 = arith.constant dense<true> : vector<4x4096xi1>
    %not3A_1281 = arith.xori %ne3A_1266, %not3A_1280 : vector<4x4096xi1>
    %eq3A_1282 = arith.xori %not3A_1281, %eq3A_1279 : vector<4x4096xi1>
    %eq3A_1283 = arith.constant dense<true> : vector<4x4096xi1>
    %eq3A_1284 = arith.xori %eq3A_1282, %eq3A_1283 : vector<4x4096xi1>
    %xor3A_1285 = arith.xori %or3A_1273, %eq3A_1284 : vector<4x4096xi1>
    %select_n3A_1286 = arith.select %xor3A_1285, %select_n3A_1267, %select_n3A_1251 : vector<4x4096xi1>, vector<4x4096xf32>
    %select_n3A_1287 = arith.select %xor3A_1285, %select_n3A_1268, %select_n3A_1252 : vector<4x4096xi1>, vector<4x4096xi32>
    %roll3A_1288 = arith.constant 128 : i32
    %roll3A_1289 = tpu.dynamic_rotate %select_n3A_1286 by %roll3A_1288 dim 1 : vector<4x4096xf32>, i32 -> vector<4x4096xf32>
    %roll3A_1290 = arith.constant 3968 : i32
    %roll3A_1291 = tpu.dynamic_rotate %select_n3A_1286 by %roll3A_1290 dim 1 : vector<4x4096xf32>, i32 -> vector<4x4096xf32>
    %roll3A_1292 = arith.constant 128 : i32
    %roll3A_1293 = tpu.dynamic_rotate %select_n3A_1287 by %roll3A_1292 dim 1 : vector<4x4096xi32>, i32 -> vector<4x4096xi32>
    %roll3A_1294 = arith.constant 3968 : i32
    %roll3A_1295 = tpu.dynamic_rotate %select_n3A_1287 by %roll3A_1294 dim 1 : vector<4x4096xi32>, i32 -> vector<4x4096xi32>
    %and3A_1296 = arith.constant 128 : i32
    %and3A_1297 = vector.broadcast %and3A_1296 : i32 to vector<4x4096xi32>
    %and3A_1298 = arith.andi %iota3A_2, %and3A_1297 : vector<4x4096xi32>
    %ne3A_1299 = arith.constant 0 : i32
    %ne3A_1300 = vector.broadcast %ne3A_1299 : i32 to vector<4x4096xi32>
    %ne3A_1301 = arith.cmpi ne, %and3A_1298, %ne3A_1300 : vector<4x4096xi32>
    %select_n3A_1302 = arith.select %ne3A_1301, %roll3A_1289, %roll3A_1291 : vector<4x4096xi1>, vector<4x4096xf32>
    %select_n3A_1303 = arith.select %ne3A_1301, %roll3A_1293, %roll3A_1295 : vector<4x4096xi1>, vector<4x4096xi32>
    %gt3A_1304 = arith.cmpf ogt, %select_n3A_1286, %select_n3A_1302 : vector<4x4096xf32>
    %eq3A_1305 = arith.cmpf oeq, %select_n3A_1286, %select_n3A_1302 : vector<4x4096xf32>
    %lt3A_1306 = arith.cmpi slt, %select_n3A_1287, %select_n3A_1303 : vector<4x4096xi32>
    %and3A_1307 = arith.andi %eq3A_1305, %lt3A_1306 : vector<4x4096xi1>
    %or3A_1308 = arith.ori %gt3A_1304, %and3A_1307 : vector<4x4096xi1>
    %and3A_1309 = arith.constant 512 : i32
    %and3A_1310 = vector.broadcast %and3A_1309 : i32 to vector<4x4096xi32>
    %and3A_1311 = arith.andi %iota3A_2, %and3A_1310 : vector<4x4096xi32>
    %eq3A_1312 = arith.constant 0 : i32
    %eq3A_1313 = vector.broadcast %eq3A_1312 : i32 to vector<4x4096xi32>
    %eq3A_1314 = arith.cmpi eq, %and3A_1311, %eq3A_1313 : vector<4x4096xi32>
    %not3A_1315 = arith.constant dense<true> : vector<4x4096xi1>
    %not3A_1316 = arith.xori %ne3A_1301, %not3A_1315 : vector<4x4096xi1>
    %eq3A_1317 = arith.xori %not3A_1316, %eq3A_1314 : vector<4x4096xi1>
    %eq3A_1318 = arith.constant dense<true> : vector<4x4096xi1>
    %eq3A_1319 = arith.xori %eq3A_1317, %eq3A_1318 : vector<4x4096xi1>
    %xor3A_1320 = arith.xori %or3A_1308, %eq3A_1319 : vector<4x4096xi1>
    %select_n3A_1321 = arith.select %xor3A_1320, %select_n3A_1302, %select_n3A_1286 : vector<4x4096xi1>, vector<4x4096xf32>
    %select_n3A_1322 = arith.select %xor3A_1320, %select_n3A_1303, %select_n3A_1287 : vector<4x4096xi1>, vector<4x4096xi32>
    %roll3A_1323 = arith.constant 64 : i32
    %roll3A_1324 = tpu.dynamic_rotate %select_n3A_1321 by %roll3A_1323 dim 1 : vector<4x4096xf32>, i32 -> vector<4x4096xf32>
    %roll3A_1325 = arith.constant 4032 : i32
    %roll3A_1326 = tpu.dynamic_rotate %select_n3A_1321 by %roll3A_1325 dim 1 : vector<4x4096xf32>, i32 -> vector<4x4096xf32>
    %roll3A_1327 = arith.constant 64 : i32
    %roll3A_1328 = tpu.dynamic_rotate %select_n3A_1322 by %roll3A_1327 dim 1 : vector<4x4096xi32>, i32 -> vector<4x4096xi32>
    %roll3A_1329 = arith.constant 4032 : i32
    %roll3A_1330 = tpu.dynamic_rotate %select_n3A_1322 by %roll3A_1329 dim 1 : vector<4x4096xi32>, i32 -> vector<4x4096xi32>
    %and3A_1331 = arith.constant 64 : i32
    %and3A_1332 = vector.broadcast %and3A_1331 : i32 to vector<4x4096xi32>
    %and3A_1333 = arith.andi %iota3A_2, %and3A_1332 : vector<4x4096xi32>
    %ne3A_1334 = arith.constant 0 : i32
    %ne3A_1335 = vector.broadcast %ne3A_1334 : i32 to vector<4x4096xi32>
    %ne3A_1336 = arith.cmpi ne, %and3A_1333, %ne3A_1335 : vector<4x4096xi32>
    %select_n3A_1337 = arith.select %ne3A_1336, %roll3A_1324, %roll3A_1326 : vector<4x4096xi1>, vector<4x4096xf32>
    %select_n3A_1338 = arith.select %ne3A_1336, %roll3A_1328, %roll3A_1330 : vector<4x4096xi1>, vector<4x4096xi32>
    %gt3A_1339 = arith.cmpf ogt, %select_n3A_1321, %select_n3A_1337 : vector<4x4096xf32>
    %eq3A_1340 = arith.cmpf oeq, %select_n3A_1321, %select_n3A_1337 : vector<4x4096xf32>
    %lt3A_1341 = arith.cmpi slt, %select_n3A_1322, %select_n3A_1338 : vector<4x4096xi32>
    %and3A_1342 = arith.andi %eq3A_1340, %lt3A_1341 : vector<4x4096xi1>
    %or3A_1343 = arith.ori %gt3A_1339, %and3A_1342 : vector<4x4096xi1>
    %and3A_1344 = arith.constant 512 : i32
    %and3A_1345 = vector.broadcast %and3A_1344 : i32 to vector<4x4096xi32>
    %and3A_1346 = arith.andi %iota3A_2, %and3A_1345 : vector<4x4096xi32>
    %eq3A_1347 = arith.constant 0 : i32
    %eq3A_1348 = vector.broadcast %eq3A_1347 : i32 to vector<4x4096xi32>
    %eq3A_1349 = arith.cmpi eq, %and3A_1346, %eq3A_1348 : vector<4x4096xi32>
    %not3A_1350 = arith.constant dense<true> : vector<4x4096xi1>
    %not3A_1351 = arith.xori %ne3A_1336, %not3A_1350 : vector<4x4096xi1>
    %eq3A_1352 = arith.xori %not3A_1351, %eq3A_1349 : vector<4x4096xi1>
    %eq3A_1353 = arith.constant dense<true> : vector<4x4096xi1>
    %eq3A_1354 = arith.xori %eq3A_1352, %eq3A_1353 : vector<4x4096xi1>
    %xor3A_1355 = arith.xori %or3A_1343, %eq3A_1354 : vector<4x4096xi1>
    %select_n3A_1356 = arith.select %xor3A_1355, %select_n3A_1337, %select_n3A_1321 : vector<4x4096xi1>, vector<4x4096xf32>
    %select_n3A_1357 = arith.select %xor3A_1355, %select_n3A_1338, %select_n3A_1322 : vector<4x4096xi1>, vector<4x4096xi32>
    %roll3A_1358 = arith.constant 32 : i32
    %roll3A_1359 = tpu.dynamic_rotate %select_n3A_1356 by %roll3A_1358 dim 1 : vector<4x4096xf32>, i32 -> vector<4x4096xf32>
    %roll3A_1360 = arith.constant 4064 : i32
    %roll3A_1361 = tpu.dynamic_rotate %select_n3A_1356 by %roll3A_1360 dim 1 : vector<4x4096xf32>, i32 -> vector<4x4096xf32>
    %roll3A_1362 = arith.constant 32 : i32
    %roll3A_1363 = tpu.dynamic_rotate %select_n3A_1357 by %roll3A_1362 dim 1 : vector<4x4096xi32>, i32 -> vector<4x4096xi32>
    %roll3A_1364 = arith.constant 4064 : i32
    %roll3A_1365 = tpu.dynamic_rotate %select_n3A_1357 by %roll3A_1364 dim 1 : vector<4x4096xi32>, i32 -> vector<4x4096xi32>
    %and3A_1366 = arith.constant 32 : i32
    %and3A_1367 = vector.broadcast %and3A_1366 : i32 to vector<4x4096xi32>
    %and3A_1368 = arith.andi %iota3A_2, %and3A_1367 : vector<4x4096xi32>
    %ne3A_1369 = arith.constant 0 : i32
    %ne3A_1370 = vector.broadcast %ne3A_1369 : i32 to vector<4x4096xi32>
    %ne3A_1371 = arith.cmpi ne, %and3A_1368, %ne3A_1370 : vector<4x4096xi32>
    %select_n3A_1372 = arith.select %ne3A_1371, %roll3A_1359, %roll3A_1361 : vector<4x4096xi1>, vector<4x4096xf32>
    %select_n3A_1373 = arith.select %ne3A_1371, %roll3A_1363, %roll3A_1365 : vector<4x4096xi1>, vector<4x4096xi32>
    %gt3A_1374 = arith.cmpf ogt, %select_n3A_1356, %select_n3A_1372 : vector<4x4096xf32>
    %eq3A_1375 = arith.cmpf oeq, %select_n3A_1356, %select_n3A_1372 : vector<4x4096xf32>
    %lt3A_1376 = arith.cmpi slt, %select_n3A_1357, %select_n3A_1373 : vector<4x4096xi32>
    %and3A_1377 = arith.andi %eq3A_1375, %lt3A_1376 : vector<4x4096xi1>
    %or3A_1378 = arith.ori %gt3A_1374, %and3A_1377 : vector<4x4096xi1>
    %and3A_1379 = arith.constant 512 : i32
    %and3A_1380 = vector.broadcast %and3A_1379 : i32 to vector<4x4096xi32>
    %and3A_1381 = arith.andi %iota3A_2, %and3A_1380 : vector<4x4096xi32>
    %eq3A_1382 = arith.constant 0 : i32
    %eq3A_1383 = vector.broadcast %eq3A_1382 : i32 to vector<4x4096xi32>
    %eq3A_1384 = arith.cmpi eq, %and3A_1381, %eq3A_1383 : vector<4x4096xi32>
    %not3A_1385 = arith.constant dense<true> : vector<4x4096xi1>
    %not3A_1386 = arith.xori %ne3A_1371, %not3A_1385 : vector<4x4096xi1>
    %eq3A_1387 = arith.xori %not3A_1386, %eq3A_1384 : vector<4x4096xi1>
    %eq3A_1388 = arith.constant dense<true> : vector<4x4096xi1>
    %eq3A_1389 = arith.xori %eq3A_1387, %eq3A_1388 : vector<4x4096xi1>
    %xor3A_1390 = arith.xori %or3A_1378, %eq3A_1389 : vector<4x4096xi1>
    %select_n3A_1391 = arith.select %xor3A_1390, %select_n3A_1372, %select_n3A_1356 : vector<4x4096xi1>, vector<4x4096xf32>
    %select_n3A_1392 = arith.select %xor3A_1390, %select_n3A_1373, %select_n3A_1357 : vector<4x4096xi1>, vector<4x4096xi32>
    %roll3A_1393 = arith.constant 16 : i32
    %roll3A_1394 = tpu.dynamic_rotate %select_n3A_1391 by %roll3A_1393 dim 1 : vector<4x4096xf32>, i32 -> vector<4x4096xf32>
    %roll3A_1395 = arith.constant 4080 : i32
    %roll3A_1396 = tpu.dynamic_rotate %select_n3A_1391 by %roll3A_1395 dim 1 : vector<4x4096xf32>, i32 -> vector<4x4096xf32>
    %roll3A_1397 = arith.constant 16 : i32
    %roll3A_1398 = tpu.dynamic_rotate %select_n3A_1392 by %roll3A_1397 dim 1 : vector<4x4096xi32>, i32 -> vector<4x4096xi32>
    %roll3A_1399 = arith.constant 4080 : i32
    %roll3A_1400 = tpu.dynamic_rotate %select_n3A_1392 by %roll3A_1399 dim 1 : vector<4x4096xi32>, i32 -> vector<4x4096xi32>
    %and3A_1401 = arith.constant 16 : i32
    %and3A_1402 = vector.broadcast %and3A_1401 : i32 to vector<4x4096xi32>
    %and3A_1403 = arith.andi %iota3A_2, %and3A_1402 : vector<4x4096xi32>
    %ne3A_1404 = arith.constant 0 : i32
    %ne3A_1405 = vector.broadcast %ne3A_1404 : i32 to vector<4x4096xi32>
    %ne3A_1406 = arith.cmpi ne, %and3A_1403, %ne3A_1405 : vector<4x4096xi32>
    %select_n3A_1407 = arith.select %ne3A_1406, %roll3A_1394, %roll3A_1396 : vector<4x4096xi1>, vector<4x4096xf32>
    %select_n3A_1408 = arith.select %ne3A_1406, %roll3A_1398, %roll3A_1400 : vector<4x4096xi1>, vector<4x4096xi32>
    %gt3A_1409 = arith.cmpf ogt, %select_n3A_1391, %select_n3A_1407 : vector<4x4096xf32>
    %eq3A_1410 = arith.cmpf oeq, %select_n3A_1391, %select_n3A_1407 : vector<4x4096xf32>
    %lt3A_1411 = arith.cmpi slt, %select_n3A_1392, %select_n3A_1408 : vector<4x4096xi32>
    %and3A_1412 = arith.andi %eq3A_1410, %lt3A_1411 : vector<4x4096xi1>
    %or3A_1413 = arith.ori %gt3A_1409, %and3A_1412 : vector<4x4096xi1>
    %and3A_1414 = arith.constant 512 : i32
    %and3A_1415 = vector.broadcast %and3A_1414 : i32 to vector<4x4096xi32>
    %and3A_1416 = arith.andi %iota3A_2, %and3A_1415 : vector<4x4096xi32>
    %eq3A_1417 = arith.constant 0 : i32
    %eq3A_1418 = vector.broadcast %eq3A_1417 : i32 to vector<4x4096xi32>
    %eq3A_1419 = arith.cmpi eq, %and3A_1416, %eq3A_1418 : vector<4x4096xi32>
    %not3A_1420 = arith.constant dense<true> : vector<4x4096xi1>
    %not3A_1421 = arith.xori %ne3A_1406, %not3A_1420 : vector<4x4096xi1>
    %eq3A_1422 = arith.xori %not3A_1421, %eq3A_1419 : vector<4x4096xi1>
    %eq3A_1423 = arith.constant dense<true> : vector<4x4096xi1>
    %eq3A_1424 = arith.xori %eq3A_1422, %eq3A_1423 : vector<4x4096xi1>
    %xor3A_1425 = arith.xori %or3A_1413, %eq3A_1424 : vector<4x4096xi1>
    %select_n3A_1426 = arith.select %xor3A_1425, %select_n3A_1407, %select_n3A_1391 : vector<4x4096xi1>, vector<4x4096xf32>
    %select_n3A_1427 = arith.select %xor3A_1425, %select_n3A_1408, %select_n3A_1392 : vector<4x4096xi1>, vector<4x4096xi32>
    %roll3A_1428 = arith.constant 8 : i32
    %roll3A_1429 = tpu.dynamic_rotate %select_n3A_1426 by %roll3A_1428 dim 1 : vector<4x4096xf32>, i32 -> vector<4x4096xf32>
    %roll3A_1430 = arith.constant 4088 : i32
    %roll3A_1431 = tpu.dynamic_rotate %select_n3A_1426 by %roll3A_1430 dim 1 : vector<4x4096xf32>, i32 -> vector<4x4096xf32>
    %roll3A_1432 = arith.constant 8 : i32
    %roll3A_1433 = tpu.dynamic_rotate %select_n3A_1427 by %roll3A_1432 dim 1 : vector<4x4096xi32>, i32 -> vector<4x4096xi32>
    %roll3A_1434 = arith.constant 4088 : i32
    %roll3A_1435 = tpu.dynamic_rotate %select_n3A_1427 by %roll3A_1434 dim 1 : vector<4x4096xi32>, i32 -> vector<4x4096xi32>
    %and3A_1436 = arith.constant 8 : i32
    %and3A_1437 = vector.broadcast %and3A_1436 : i32 to vector<4x4096xi32>
    %and3A_1438 = arith.andi %iota3A_2, %and3A_1437 : vector<4x4096xi32>
    %ne3A_1439 = arith.constant 0 : i32
    %ne3A_1440 = vector.broadcast %ne3A_1439 : i32 to vector<4x4096xi32>
    %ne3A_1441 = arith.cmpi ne, %and3A_1438, %ne3A_1440 : vector<4x4096xi32>
    %select_n3A_1442 = arith.select %ne3A_1441, %roll3A_1429, %roll3A_1431 : vector<4x4096xi1>, vector<4x4096xf32>
    %select_n3A_1443 = arith.select %ne3A_1441, %roll3A_1433, %roll3A_1435 : vector<4x4096xi1>, vector<4x4096xi32>
    %gt3A_1444 = arith.cmpf ogt, %select_n3A_1426, %select_n3A_1442 : vector<4x4096xf32>
    %eq3A_1445 = arith.cmpf oeq, %select_n3A_1426, %select_n3A_1442 : vector<4x4096xf32>
    %lt3A_1446 = arith.cmpi slt, %select_n3A_1427, %select_n3A_1443 : vector<4x4096xi32>
    %and3A_1447 = arith.andi %eq3A_1445, %lt3A_1446 : vector<4x4096xi1>
    %or3A_1448 = arith.ori %gt3A_1444, %and3A_1447 : vector<4x4096xi1>
    %and3A_1449 = arith.constant 512 : i32
    %and3A_1450 = vector.broadcast %and3A_1449 : i32 to vector<4x4096xi32>
    %and3A_1451 = arith.andi %iota3A_2, %and3A_1450 : vector<4x4096xi32>
    %eq3A_1452 = arith.constant 0 : i32
    %eq3A_1453 = vector.broadcast %eq3A_1452 : i32 to vector<4x4096xi32>
    %eq3A_1454 = arith.cmpi eq, %and3A_1451, %eq3A_1453 : vector<4x4096xi32>
    %not3A_1455 = arith.constant dense<true> : vector<4x4096xi1>
    %not3A_1456 = arith.xori %ne3A_1441, %not3A_1455 : vector<4x4096xi1>
    %eq3A_1457 = arith.xori %not3A_1456, %eq3A_1454 : vector<4x4096xi1>
    %eq3A_1458 = arith.constant dense<true> : vector<4x4096xi1>
    %eq3A_1459 = arith.xori %eq3A_1457, %eq3A_1458 : vector<4x4096xi1>
    %xor3A_1460 = arith.xori %or3A_1448, %eq3A_1459 : vector<4x4096xi1>
    %select_n3A_1461 = arith.select %xor3A_1460, %select_n3A_1442, %select_n3A_1426 : vector<4x4096xi1>, vector<4x4096xf32>
    %select_n3A_1462 = arith.select %xor3A_1460, %select_n3A_1443, %select_n3A_1427 : vector<4x4096xi1>, vector<4x4096xi32>
    %roll3A_1463 = arith.constant 4 : i32
    %roll3A_1464 = tpu.dynamic_rotate %select_n3A_1461 by %roll3A_1463 dim 1 : vector<4x4096xf32>, i32 -> vector<4x4096xf32>
    %roll3A_1465 = arith.constant 4092 : i32
    %roll3A_1466 = tpu.dynamic_rotate %select_n3A_1461 by %roll3A_1465 dim 1 : vector<4x4096xf32>, i32 -> vector<4x4096xf32>
    %roll3A_1467 = arith.constant 4 : i32
    %roll3A_1468 = tpu.dynamic_rotate %select_n3A_1462 by %roll3A_1467 dim 1 : vector<4x4096xi32>, i32 -> vector<4x4096xi32>
    %roll3A_1469 = arith.constant 4092 : i32
    %roll3A_1470 = tpu.dynamic_rotate %select_n3A_1462 by %roll3A_1469 dim 1 : vector<4x4096xi32>, i32 -> vector<4x4096xi32>
    %and3A_1471 = arith.constant 4 : i32
    %and3A_1472 = vector.broadcast %and3A_1471 : i32 to vector<4x4096xi32>
    %and3A_1473 = arith.andi %iota3A_2, %and3A_1472 : vector<4x4096xi32>
    %ne3A_1474 = arith.constant 0 : i32
    %ne3A_1475 = vector.broadcast %ne3A_1474 : i32 to vector<4x4096xi32>
    %ne3A_1476 = arith.cmpi ne, %and3A_1473, %ne3A_1475 : vector<4x4096xi32>
    %select_n3A_1477 = arith.select %ne3A_1476, %roll3A_1464, %roll3A_1466 : vector<4x4096xi1>, vector<4x4096xf32>
    %select_n3A_1478 = arith.select %ne3A_1476, %roll3A_1468, %roll3A_1470 : vector<4x4096xi1>, vector<4x4096xi32>
    %gt3A_1479 = arith.cmpf ogt, %select_n3A_1461, %select_n3A_1477 : vector<4x4096xf32>
    %eq3A_1480 = arith.cmpf oeq, %select_n3A_1461, %select_n3A_1477 : vector<4x4096xf32>
    %lt3A_1481 = arith.cmpi slt, %select_n3A_1462, %select_n3A_1478 : vector<4x4096xi32>
    %and3A_1482 = arith.andi %eq3A_1480, %lt3A_1481 : vector<4x4096xi1>
    %or3A_1483 = arith.ori %gt3A_1479, %and3A_1482 : vector<4x4096xi1>
    %and3A_1484 = arith.constant 512 : i32
    %and3A_1485 = vector.broadcast %and3A_1484 : i32 to vector<4x4096xi32>
    %and3A_1486 = arith.andi %iota3A_2, %and3A_1485 : vector<4x4096xi32>
    %eq3A_1487 = arith.constant 0 : i32
    %eq3A_1488 = vector.broadcast %eq3A_1487 : i32 to vector<4x4096xi32>
    %eq3A_1489 = arith.cmpi eq, %and3A_1486, %eq3A_1488 : vector<4x4096xi32>
    %not3A_1490 = arith.constant dense<true> : vector<4x4096xi1>
    %not3A_1491 = arith.xori %ne3A_1476, %not3A_1490 : vector<4x4096xi1>
    %eq3A_1492 = arith.xori %not3A_1491, %eq3A_1489 : vector<4x4096xi1>
    %eq3A_1493 = arith.constant dense<true> : vector<4x4096xi1>
    %eq3A_1494 = arith.xori %eq3A_1492, %eq3A_1493 : vector<4x4096xi1>
    %xor3A_1495 = arith.xori %or3A_1483, %eq3A_1494 : vector<4x4096xi1>
    %select_n3A_1496 = arith.select %xor3A_1495, %select_n3A_1477, %select_n3A_1461 : vector<4x4096xi1>, vector<4x4096xf32>
    %select_n3A_1497 = arith.select %xor3A_1495, %select_n3A_1478, %select_n3A_1462 : vector<4x4096xi1>, vector<4x4096xi32>
    %roll3A_1498 = arith.constant 2 : i32
    %roll3A_1499 = tpu.dynamic_rotate %select_n3A_1496 by %roll3A_1498 dim 1 : vector<4x4096xf32>, i32 -> vector<4x4096xf32>
    %roll3A_1500 = arith.constant 4094 : i32
    %roll3A_1501 = tpu.dynamic_rotate %select_n3A_1496 by %roll3A_1500 dim 1 : vector<4x4096xf32>, i32 -> vector<4x4096xf32>
    %roll3A_1502 = arith.constant 2 : i32
    %roll3A_1503 = tpu.dynamic_rotate %select_n3A_1497 by %roll3A_1502 dim 1 : vector<4x4096xi32>, i32 -> vector<4x4096xi32>
    %roll3A_1504 = arith.constant 4094 : i32
    %roll3A_1505 = tpu.dynamic_rotate %select_n3A_1497 by %roll3A_1504 dim 1 : vector<4x4096xi32>, i32 -> vector<4x4096xi32>
    %and3A_1506 = arith.constant 2 : i32
    %and3A_1507 = vector.broadcast %and3A_1506 : i32 to vector<4x4096xi32>
    %and3A_1508 = arith.andi %iota3A_2, %and3A_1507 : vector<4x4096xi32>
    %ne3A_1509 = arith.constant 0 : i32
    %ne3A_1510 = vector.broadcast %ne3A_1509 : i32 to vector<4x4096xi32>
    %ne3A_1511 = arith.cmpi ne, %and3A_1508, %ne3A_1510 : vector<4x4096xi32>
    %select_n3A_1512 = arith.select %ne3A_1511, %roll3A_1499, %roll3A_1501 : vector<4x4096xi1>, vector<4x4096xf32>
    %select_n3A_1513 = arith.select %ne3A_1511, %roll3A_1503, %roll3A_1505 : vector<4x4096xi1>, vector<4x4096xi32>
    %gt3A_1514 = arith.cmpf ogt, %select_n3A_1496, %select_n3A_1512 : vector<4x4096xf32>
    %eq3A_1515 = arith.cmpf oeq, %select_n3A_1496, %select_n3A_1512 : vector<4x4096xf32>
    %lt3A_1516 = arith.cmpi slt, %select_n3A_1497, %select_n3A_1513 : vector<4x4096xi32>
    %and3A_1517 = arith.andi %eq3A_1515, %lt3A_1516 : vector<4x4096xi1>
    %or3A_1518 = arith.ori %gt3A_1514, %and3A_1517 : vector<4x4096xi1>
    %and3A_1519 = arith.constant 512 : i32
    %and3A_1520 = vector.broadcast %and3A_1519 : i32 to vector<4x4096xi32>
    %and3A_1521 = arith.andi %iota3A_2, %and3A_1520 : vector<4x4096xi32>
    %eq3A_1522 = arith.constant 0 : i32
    %eq3A_1523 = vector.broadcast %eq3A_1522 : i32 to vector<4x4096xi32>
    %eq3A_1524 = arith.cmpi eq, %and3A_1521, %eq3A_1523 : vector<4x4096xi32>
    %not3A_1525 = arith.constant dense<true> : vector<4x4096xi1>
    %not3A_1526 = arith.xori %ne3A_1511, %not3A_1525 : vector<4x4096xi1>
    %eq3A_1527 = arith.xori %not3A_1526, %eq3A_1524 : vector<4x4096xi1>
    %eq3A_1528 = arith.constant dense<true> : vector<4x4096xi1>
    %eq3A_1529 = arith.xori %eq3A_1527, %eq3A_1528 : vector<4x4096xi1>
    %xor3A_1530 = arith.xori %or3A_1518, %eq3A_1529 : vector<4x4096xi1>
    %select_n3A_1531 = arith.select %xor3A_1530, %select_n3A_1512, %select_n3A_1496 : vector<4x4096xi1>, vector<4x4096xf32>
    %select_n3A_1532 = arith.select %xor3A_1530, %select_n3A_1513, %select_n3A_1497 : vector<4x4096xi1>, vector<4x4096xi32>
    %roll3A_1533 = arith.constant 1 : i32
    %roll3A_1534 = tpu.dynamic_rotate %select_n3A_1531 by %roll3A_1533 dim 1 : vector<4x4096xf32>, i32 -> vector<4x4096xf32>
    %roll3A_1535 = arith.constant 4095 : i32
    %roll3A_1536 = tpu.dynamic_rotate %select_n3A_1531 by %roll3A_1535 dim 1 : vector<4x4096xf32>, i32 -> vector<4x4096xf32>
    %roll3A_1537 = arith.constant 1 : i32
    %roll3A_1538 = tpu.dynamic_rotate %select_n3A_1532 by %roll3A_1537 dim 1 : vector<4x4096xi32>, i32 -> vector<4x4096xi32>
    %roll3A_1539 = arith.constant 4095 : i32
    %roll3A_1540 = tpu.dynamic_rotate %select_n3A_1532 by %roll3A_1539 dim 1 : vector<4x4096xi32>, i32 -> vector<4x4096xi32>
    %and3A_1541 = arith.constant 1 : i32
    %and3A_1542 = vector.broadcast %and3A_1541 : i32 to vector<4x4096xi32>
    %and3A_1543 = arith.andi %iota3A_2, %and3A_1542 : vector<4x4096xi32>
    %ne3A_1544 = arith.constant 0 : i32
    %ne3A_1545 = vector.broadcast %ne3A_1544 : i32 to vector<4x4096xi32>
    %ne3A_1546 = arith.cmpi ne, %and3A_1543, %ne3A_1545 : vector<4x4096xi32>
    %select_n3A_1547 = arith.select %ne3A_1546, %roll3A_1534, %roll3A_1536 : vector<4x4096xi1>, vector<4x4096xf32>
    %select_n3A_1548 = arith.select %ne3A_1546, %roll3A_1538, %roll3A_1540 : vector<4x4096xi1>, vector<4x4096xi32>
    %gt3A_1549 = arith.cmpf ogt, %select_n3A_1531, %select_n3A_1547 : vector<4x4096xf32>
    %eq3A_1550 = arith.cmpf oeq, %select_n3A_1531, %select_n3A_1547 : vector<4x4096xf32>
    %lt3A_1551 = arith.cmpi slt, %select_n3A_1532, %select_n3A_1548 : vector<4x4096xi32>
    %and3A_1552 = arith.andi %eq3A_1550, %lt3A_1551 : vector<4x4096xi1>
    %or3A_1553 = arith.ori %gt3A_1549, %and3A_1552 : vector<4x4096xi1>
    %and3A_1554 = arith.constant 512 : i32
    %and3A_1555 = vector.broadcast %and3A_1554 : i32 to vector<4x4096xi32>
    %and3A_1556 = arith.andi %iota3A_2, %and3A_1555 : vector<4x4096xi32>
    %eq3A_1557 = arith.constant 0 : i32
    %eq3A_1558 = vector.broadcast %eq3A_1557 : i32 to vector<4x4096xi32>
    %eq3A_1559 = arith.cmpi eq, %and3A_1556, %eq3A_1558 : vector<4x4096xi32>
    %not3A_1560 = arith.constant dense<true> : vector<4x4096xi1>
    %not3A_1561 = arith.xori %ne3A_1546, %not3A_1560 : vector<4x4096xi1>
    %eq3A_1562 = arith.xori %not3A_1561, %eq3A_1559 : vector<4x4096xi1>
    %eq3A_1563 = arith.constant dense<true> : vector<4x4096xi1>
    %eq3A_1564 = arith.xori %eq3A_1562, %eq3A_1563 : vector<4x4096xi1>
    %xor3A_1565 = arith.xori %or3A_1553, %eq3A_1564 : vector<4x4096xi1>
    %select_n3A_1566 = arith.select %xor3A_1565, %select_n3A_1547, %select_n3A_1531 : vector<4x4096xi1>, vector<4x4096xf32>
    %select_n3A_1567 = arith.select %xor3A_1565, %select_n3A_1548, %select_n3A_1532 : vector<4x4096xi1>, vector<4x4096xi32>
    %roll3A_1568 = arith.constant 512 : i32
    %roll3A_1569 = tpu.dynamic_rotate %select_n3A_1566 by %roll3A_1568 dim 1 : vector<4x4096xf32>, i32 -> vector<4x4096xf32>
    %roll3A_1570 = arith.constant 3584 : i32
    %roll3A_1571 = tpu.dynamic_rotate %select_n3A_1566 by %roll3A_1570 dim 1 : vector<4x4096xf32>, i32 -> vector<4x4096xf32>
    %roll3A_1572 = arith.constant 512 : i32
    %roll3A_1573 = tpu.dynamic_rotate %select_n3A_1567 by %roll3A_1572 dim 1 : vector<4x4096xi32>, i32 -> vector<4x4096xi32>
    %roll3A_1574 = arith.constant 3584 : i32
    %roll3A_1575 = tpu.dynamic_rotate %select_n3A_1567 by %roll3A_1574 dim 1 : vector<4x4096xi32>, i32 -> vector<4x4096xi32>
    %and3A_1576 = arith.constant 512 : i32
    %and3A_1577 = vector.broadcast %and3A_1576 : i32 to vector<4x4096xi32>
    %and3A_1578 = arith.andi %iota3A_2, %and3A_1577 : vector<4x4096xi32>
    %ne3A_1579 = arith.constant 0 : i32
    %ne3A_1580 = vector.broadcast %ne3A_1579 : i32 to vector<4x4096xi32>
    %ne3A_1581 = arith.cmpi ne, %and3A_1578, %ne3A_1580 : vector<4x4096xi32>
    %select_n3A_1582 = arith.select %ne3A_1581, %roll3A_1569, %roll3A_1571 : vector<4x4096xi1>, vector<4x4096xf32>
    %select_n3A_1583 = arith.select %ne3A_1581, %roll3A_1573, %roll3A_1575 : vector<4x4096xi1>, vector<4x4096xi32>
    %gt3A_1584 = arith.cmpf ogt, %select_n3A_1566, %select_n3A_1582 : vector<4x4096xf32>
    %eq3A_1585 = arith.cmpf oeq, %select_n3A_1566, %select_n3A_1582 : vector<4x4096xf32>
    %lt3A_1586 = arith.cmpi slt, %select_n3A_1567, %select_n3A_1583 : vector<4x4096xi32>
    %and3A_1587 = arith.andi %eq3A_1585, %lt3A_1586 : vector<4x4096xi1>
    %or3A_1588 = arith.ori %gt3A_1584, %and3A_1587 : vector<4x4096xi1>
    %and3A_1589 = arith.constant 1024 : i32
    %and3A_1590 = vector.broadcast %and3A_1589 : i32 to vector<4x4096xi32>
    %and3A_1591 = arith.andi %iota3A_2, %and3A_1590 : vector<4x4096xi32>
    %eq3A_1592 = arith.constant 0 : i32
    %eq3A_1593 = vector.broadcast %eq3A_1592 : i32 to vector<4x4096xi32>
    %eq3A_1594 = arith.cmpi eq, %and3A_1591, %eq3A_1593 : vector<4x4096xi32>
    %not3A_1595 = arith.constant dense<true> : vector<4x4096xi1>
    %not3A_1596 = arith.xori %ne3A_1581, %not3A_1595 : vector<4x4096xi1>
    %eq3A_1597 = arith.xori %not3A_1596, %eq3A_1594 : vector<4x4096xi1>
    %eq3A_1598 = arith.constant dense<true> : vector<4x4096xi1>
    %eq3A_1599 = arith.xori %eq3A_1597, %eq3A_1598 : vector<4x4096xi1>
    %xor3A_1600 = arith.xori %or3A_1588, %eq3A_1599 : vector<4x4096xi1>
    %select_n3A_1601 = arith.select %xor3A_1600, %select_n3A_1582, %select_n3A_1566 : vector<4x4096xi1>, vector<4x4096xf32>
    %select_n3A_1602 = arith.select %xor3A_1600, %select_n3A_1583, %select_n3A_1567 : vector<4x4096xi1>, vector<4x4096xi32>
    %roll3A_1603 = arith.constant 256 : i32
    %roll3A_1604 = tpu.dynamic_rotate %select_n3A_1601 by %roll3A_1603 dim 1 : vector<4x4096xf32>, i32 -> vector<4x4096xf32>
    %roll3A_1605 = arith.constant 3840 : i32
    %roll3A_1606 = tpu.dynamic_rotate %select_n3A_1601 by %roll3A_1605 dim 1 : vector<4x4096xf32>, i32 -> vector<4x4096xf32>
    %roll3A_1607 = arith.constant 256 : i32
    %roll3A_1608 = tpu.dynamic_rotate %select_n3A_1602 by %roll3A_1607 dim 1 : vector<4x4096xi32>, i32 -> vector<4x4096xi32>
    %roll3A_1609 = arith.constant 3840 : i32
    %roll3A_1610 = tpu.dynamic_rotate %select_n3A_1602 by %roll3A_1609 dim 1 : vector<4x4096xi32>, i32 -> vector<4x4096xi32>
    %and3A_1611 = arith.constant 256 : i32
    %and3A_1612 = vector.broadcast %and3A_1611 : i32 to vector<4x4096xi32>
    %and3A_1613 = arith.andi %iota3A_2, %and3A_1612 : vector<4x4096xi32>
    %ne3A_1614 = arith.constant 0 : i32
    %ne3A_1615 = vector.broadcast %ne3A_1614 : i32 to vector<4x4096xi32>
    %ne3A_1616 = arith.cmpi ne, %and3A_1613, %ne3A_1615 : vector<4x4096xi32>
    %select_n3A_1617 = arith.select %ne3A_1616, %roll3A_1604, %roll3A_1606 : vector<4x4096xi1>, vector<4x4096xf32>
    %select_n3A_1618 = arith.select %ne3A_1616, %roll3A_1608, %roll3A_1610 : vector<4x4096xi1>, vector<4x4096xi32>
    %gt3A_1619 = arith.cmpf ogt, %select_n3A_1601, %select_n3A_1617 : vector<4x4096xf32>
    %eq3A_1620 = arith.cmpf oeq, %select_n3A_1601, %select_n3A_1617 : vector<4x4096xf32>
    %lt3A_1621 = arith.cmpi slt, %select_n3A_1602, %select_n3A_1618 : vector<4x4096xi32>
    %and3A_1622 = arith.andi %eq3A_1620, %lt3A_1621 : vector<4x4096xi1>
    %or3A_1623 = arith.ori %gt3A_1619, %and3A_1622 : vector<4x4096xi1>
    %and3A_1624 = arith.constant 1024 : i32
    %and3A_1625 = vector.broadcast %and3A_1624 : i32 to vector<4x4096xi32>
    %and3A_1626 = arith.andi %iota3A_2, %and3A_1625 : vector<4x4096xi32>
    %eq3A_1627 = arith.constant 0 : i32
    %eq3A_1628 = vector.broadcast %eq3A_1627 : i32 to vector<4x4096xi32>
    %eq3A_1629 = arith.cmpi eq, %and3A_1626, %eq3A_1628 : vector<4x4096xi32>
    %not3A_1630 = arith.constant dense<true> : vector<4x4096xi1>
    %not3A_1631 = arith.xori %ne3A_1616, %not3A_1630 : vector<4x4096xi1>
    %eq3A_1632 = arith.xori %not3A_1631, %eq3A_1629 : vector<4x4096xi1>
    %eq3A_1633 = arith.constant dense<true> : vector<4x4096xi1>
    %eq3A_1634 = arith.xori %eq3A_1632, %eq3A_1633 : vector<4x4096xi1>
    %xor3A_1635 = arith.xori %or3A_1623, %eq3A_1634 : vector<4x4096xi1>
    %select_n3A_1636 = arith.select %xor3A_1635, %select_n3A_1617, %select_n3A_1601 : vector<4x4096xi1>, vector<4x4096xf32>
    %select_n3A_1637 = arith.select %xor3A_1635, %select_n3A_1618, %select_n3A_1602 : vector<4x4096xi1>, vector<4x4096xi32>
    %roll3A_1638 = arith.constant 128 : i32
    %roll3A_1639 = tpu.dynamic_rotate %select_n3A_1636 by %roll3A_1638 dim 1 : vector<4x4096xf32>, i32 -> vector<4x4096xf32>
    %roll3A_1640 = arith.constant 3968 : i32
    %roll3A_1641 = tpu.dynamic_rotate %select_n3A_1636 by %roll3A_1640 dim 1 : vector<4x4096xf32>, i32 -> vector<4x4096xf32>
    %roll3A_1642 = arith.constant 128 : i32
    %roll3A_1643 = tpu.dynamic_rotate %select_n3A_1637 by %roll3A_1642 dim 1 : vector<4x4096xi32>, i32 -> vector<4x4096xi32>
    %roll3A_1644 = arith.constant 3968 : i32
    %roll3A_1645 = tpu.dynamic_rotate %select_n3A_1637 by %roll3A_1644 dim 1 : vector<4x4096xi32>, i32 -> vector<4x4096xi32>
    %and3A_1646 = arith.constant 128 : i32
    %and3A_1647 = vector.broadcast %and3A_1646 : i32 to vector<4x4096xi32>
    %and3A_1648 = arith.andi %iota3A_2, %and3A_1647 : vector<4x4096xi32>
    %ne3A_1649 = arith.constant 0 : i32
    %ne3A_1650 = vector.broadcast %ne3A_1649 : i32 to vector<4x4096xi32>
    %ne3A_1651 = arith.cmpi ne, %and3A_1648, %ne3A_1650 : vector<4x4096xi32>
    %select_n3A_1652 = arith.select %ne3A_1651, %roll3A_1639, %roll3A_1641 : vector<4x4096xi1>, vector<4x4096xf32>
    %select_n3A_1653 = arith.select %ne3A_1651, %roll3A_1643, %roll3A_1645 : vector<4x4096xi1>, vector<4x4096xi32>
    %gt3A_1654 = arith.cmpf ogt, %select_n3A_1636, %select_n3A_1652 : vector<4x4096xf32>
    %eq3A_1655 = arith.cmpf oeq, %select_n3A_1636, %select_n3A_1652 : vector<4x4096xf32>
    %lt3A_1656 = arith.cmpi slt, %select_n3A_1637, %select_n3A_1653 : vector<4x4096xi32>
    %and3A_1657 = arith.andi %eq3A_1655, %lt3A_1656 : vector<4x4096xi1>
    %or3A_1658 = arith.ori %gt3A_1654, %and3A_1657 : vector<4x4096xi1>
    %and3A_1659 = arith.constant 1024 : i32
    %and3A_1660 = vector.broadcast %and3A_1659 : i32 to vector<4x4096xi32>
    %and3A_1661 = arith.andi %iota3A_2, %and3A_1660 : vector<4x4096xi32>
    %eq3A_1662 = arith.constant 0 : i32
    %eq3A_1663 = vector.broadcast %eq3A_1662 : i32 to vector<4x4096xi32>
    %eq3A_1664 = arith.cmpi eq, %and3A_1661, %eq3A_1663 : vector<4x4096xi32>
    %not3A_1665 = arith.constant dense<true> : vector<4x4096xi1>
    %not3A_1666 = arith.xori %ne3A_1651, %not3A_1665 : vector<4x4096xi1>
    %eq3A_1667 = arith.xori %not3A_1666, %eq3A_1664 : vector<4x4096xi1>
    %eq3A_1668 = arith.constant dense<true> : vector<4x4096xi1>
    %eq3A_1669 = arith.xori %eq3A_1667, %eq3A_1668 : vector<4x4096xi1>
    %xor3A_1670 = arith.xori %or3A_1658, %eq3A_1669 : vector<4x4096xi1>
    %select_n3A_1671 = arith.select %xor3A_1670, %select_n3A_1652, %select_n3A_1636 : vector<4x4096xi1>, vector<4x4096xf32>
    %select_n3A_1672 = arith.select %xor3A_1670, %select_n3A_1653, %select_n3A_1637 : vector<4x4096xi1>, vector<4x4096xi32>
    %roll3A_1673 = arith.constant 64 : i32
    %roll3A_1674 = tpu.dynamic_rotate %select_n3A_1671 by %roll3A_1673 dim 1 : vector<4x4096xf32>, i32 -> vector<4x4096xf32>
    %roll3A_1675 = arith.constant 4032 : i32
    %roll3A_1676 = tpu.dynamic_rotate %select_n3A_1671 by %roll3A_1675 dim 1 : vector<4x4096xf32>, i32 -> vector<4x4096xf32>
    %roll3A_1677 = arith.constant 64 : i32
    %roll3A_1678 = tpu.dynamic_rotate %select_n3A_1672 by %roll3A_1677 dim 1 : vector<4x4096xi32>, i32 -> vector<4x4096xi32>
    %roll3A_1679 = arith.constant 4032 : i32
    %roll3A_1680 = tpu.dynamic_rotate %select_n3A_1672 by %roll3A_1679 dim 1 : vector<4x4096xi32>, i32 -> vector<4x4096xi32>
    %and3A_1681 = arith.constant 64 : i32
    %and3A_1682 = vector.broadcast %and3A_1681 : i32 to vector<4x4096xi32>
    %and3A_1683 = arith.andi %iota3A_2, %and3A_1682 : vector<4x4096xi32>
    %ne3A_1684 = arith.constant 0 : i32
    %ne3A_1685 = vector.broadcast %ne3A_1684 : i32 to vector<4x4096xi32>
    %ne3A_1686 = arith.cmpi ne, %and3A_1683, %ne3A_1685 : vector<4x4096xi32>
    %select_n3A_1687 = arith.select %ne3A_1686, %roll3A_1674, %roll3A_1676 : vector<4x4096xi1>, vector<4x4096xf32>
    %select_n3A_1688 = arith.select %ne3A_1686, %roll3A_1678, %roll3A_1680 : vector<4x4096xi1>, vector<4x4096xi32>
    %gt3A_1689 = arith.cmpf ogt, %select_n3A_1671, %select_n3A_1687 : vector<4x4096xf32>
    %eq3A_1690 = arith.cmpf oeq, %select_n3A_1671, %select_n3A_1687 : vector<4x4096xf32>
    %lt3A_1691 = arith.cmpi slt, %select_n3A_1672, %select_n3A_1688 : vector<4x4096xi32>
    %and3A_1692 = arith.andi %eq3A_1690, %lt3A_1691 : vector<4x4096xi1>
    %or3A_1693 = arith.ori %gt3A_1689, %and3A_1692 : vector<4x4096xi1>
    %and3A_1694 = arith.constant 1024 : i32
    %and3A_1695 = vector.broadcast %and3A_1694 : i32 to vector<4x4096xi32>
    %and3A_1696 = arith.andi %iota3A_2, %and3A_1695 : vector<4x4096xi32>
    %eq3A_1697 = arith.constant 0 : i32
    %eq3A_1698 = vector.broadcast %eq3A_1697 : i32 to vector<4x4096xi32>
    %eq3A_1699 = arith.cmpi eq, %and3A_1696, %eq3A_1698 : vector<4x4096xi32>
    %not3A_1700 = arith.constant dense<true> : vector<4x4096xi1>
    %not3A_1701 = arith.xori %ne3A_1686, %not3A_1700 : vector<4x4096xi1>
    %eq3A_1702 = arith.xori %not3A_1701, %eq3A_1699 : vector<4x4096xi1>
    %eq3A_1703 = arith.constant dense<true> : vector<4x4096xi1>
    %eq3A_1704 = arith.xori %eq3A_1702, %eq3A_1703 : vector<4x4096xi1>
    %xor3A_1705 = arith.xori %or3A_1693, %eq3A_1704 : vector<4x4096xi1>
    %select_n3A_1706 = arith.select %xor3A_1705, %select_n3A_1687, %select_n3A_1671 : vector<4x4096xi1>, vector<4x4096xf32>
    %select_n3A_1707 = arith.select %xor3A_1705, %select_n3A_1688, %select_n3A_1672 : vector<4x4096xi1>, vector<4x4096xi32>
    %roll3A_1708 = arith.constant 32 : i32
    %roll3A_1709 = tpu.dynamic_rotate %select_n3A_1706 by %roll3A_1708 dim 1 : vector<4x4096xf32>, i32 -> vector<4x4096xf32>
    %roll3A_1710 = arith.constant 4064 : i32
    %roll3A_1711 = tpu.dynamic_rotate %select_n3A_1706 by %roll3A_1710 dim 1 : vector<4x4096xf32>, i32 -> vector<4x4096xf32>
    %roll3A_1712 = arith.constant 32 : i32
    %roll3A_1713 = tpu.dynamic_rotate %select_n3A_1707 by %roll3A_1712 dim 1 : vector<4x4096xi32>, i32 -> vector<4x4096xi32>
    %roll3A_1714 = arith.constant 4064 : i32
    %roll3A_1715 = tpu.dynamic_rotate %select_n3A_1707 by %roll3A_1714 dim 1 : vector<4x4096xi32>, i32 -> vector<4x4096xi32>
    %and3A_1716 = arith.constant 32 : i32
    %and3A_1717 = vector.broadcast %and3A_1716 : i32 to vector<4x4096xi32>
    %and3A_1718 = arith.andi %iota3A_2, %and3A_1717 : vector<4x4096xi32>
    %ne3A_1719 = arith.constant 0 : i32
    %ne3A_1720 = vector.broadcast %ne3A_1719 : i32 to vector<4x4096xi32>
    %ne3A_1721 = arith.cmpi ne, %and3A_1718, %ne3A_1720 : vector<4x4096xi32>
    %select_n3A_1722 = arith.select %ne3A_1721, %roll3A_1709, %roll3A_1711 : vector<4x4096xi1>, vector<4x4096xf32>
    %select_n3A_1723 = arith.select %ne3A_1721, %roll3A_1713, %roll3A_1715 : vector<4x4096xi1>, vector<4x4096xi32>
    %gt3A_1724 = arith.cmpf ogt, %select_n3A_1706, %select_n3A_1722 : vector<4x4096xf32>
    %eq3A_1725 = arith.cmpf oeq, %select_n3A_1706, %select_n3A_1722 : vector<4x4096xf32>
    %lt3A_1726 = arith.cmpi slt, %select_n3A_1707, %select_n3A_1723 : vector<4x4096xi32>
    %and3A_1727 = arith.andi %eq3A_1725, %lt3A_1726 : vector<4x4096xi1>
    %or3A_1728 = arith.ori %gt3A_1724, %and3A_1727 : vector<4x4096xi1>
    %and3A_1729 = arith.constant 1024 : i32
    %and3A_1730 = vector.broadcast %and3A_1729 : i32 to vector<4x4096xi32>
    %and3A_1731 = arith.andi %iota3A_2, %and3A_1730 : vector<4x4096xi32>
    %eq3A_1732 = arith.constant 0 : i32
    %eq3A_1733 = vector.broadcast %eq3A_1732 : i32 to vector<4x4096xi32>
    %eq3A_1734 = arith.cmpi eq, %and3A_1731, %eq3A_1733 : vector<4x4096xi32>
    %not3A_1735 = arith.constant dense<true> : vector<4x4096xi1>
    %not3A_1736 = arith.xori %ne3A_1721, %not3A_1735 : vector<4x4096xi1>
    %eq3A_1737 = arith.xori %not3A_1736, %eq3A_1734 : vector<4x4096xi1>
    %eq3A_1738 = arith.constant dense<true> : vector<4x4096xi1>
    %eq3A_1739 = arith.xori %eq3A_1737, %eq3A_1738 : vector<4x4096xi1>
    %xor3A_1740 = arith.xori %or3A_1728, %eq3A_1739 : vector<4x4096xi1>
    %select_n3A_1741 = arith.select %xor3A_1740, %select_n3A_1722, %select_n3A_1706 : vector<4x4096xi1>, vector<4x4096xf32>
    %select_n3A_1742 = arith.select %xor3A_1740, %select_n3A_1723, %select_n3A_1707 : vector<4x4096xi1>, vector<4x4096xi32>
    %roll3A_1743 = arith.constant 16 : i32
    %roll3A_1744 = tpu.dynamic_rotate %select_n3A_1741 by %roll3A_1743 dim 1 : vector<4x4096xf32>, i32 -> vector<4x4096xf32>
    %roll3A_1745 = arith.constant 4080 : i32
    %roll3A_1746 = tpu.dynamic_rotate %select_n3A_1741 by %roll3A_1745 dim 1 : vector<4x4096xf32>, i32 -> vector<4x4096xf32>
    %roll3A_1747 = arith.constant 16 : i32
    %roll3A_1748 = tpu.dynamic_rotate %select_n3A_1742 by %roll3A_1747 dim 1 : vector<4x4096xi32>, i32 -> vector<4x4096xi32>
    %roll3A_1749 = arith.constant 4080 : i32
    %roll3A_1750 = tpu.dynamic_rotate %select_n3A_1742 by %roll3A_1749 dim 1 : vector<4x4096xi32>, i32 -> vector<4x4096xi32>
    %and3A_1751 = arith.constant 16 : i32
    %and3A_1752 = vector.broadcast %and3A_1751 : i32 to vector<4x4096xi32>
    %and3A_1753 = arith.andi %iota3A_2, %and3A_1752 : vector<4x4096xi32>
    %ne3A_1754 = arith.constant 0 : i32
    %ne3A_1755 = vector.broadcast %ne3A_1754 : i32 to vector<4x4096xi32>
    %ne3A_1756 = arith.cmpi ne, %and3A_1753, %ne3A_1755 : vector<4x4096xi32>
    %select_n3A_1757 = arith.select %ne3A_1756, %roll3A_1744, %roll3A_1746 : vector<4x4096xi1>, vector<4x4096xf32>
    %select_n3A_1758 = arith.select %ne3A_1756, %roll3A_1748, %roll3A_1750 : vector<4x4096xi1>, vector<4x4096xi32>
    %gt3A_1759 = arith.cmpf ogt, %select_n3A_1741, %select_n3A_1757 : vector<4x4096xf32>
    %eq3A_1760 = arith.cmpf oeq, %select_n3A_1741, %select_n3A_1757 : vector<4x4096xf32>
    %lt3A_1761 = arith.cmpi slt, %select_n3A_1742, %select_n3A_1758 : vector<4x4096xi32>
    %and3A_1762 = arith.andi %eq3A_1760, %lt3A_1761 : vector<4x4096xi1>
    %or3A_1763 = arith.ori %gt3A_1759, %and3A_1762 : vector<4x4096xi1>
    %and3A_1764 = arith.constant 1024 : i32
    %and3A_1765 = vector.broadcast %and3A_1764 : i32 to vector<4x4096xi32>
    %and3A_1766 = arith.andi %iota3A_2, %and3A_1765 : vector<4x4096xi32>
    %eq3A_1767 = arith.constant 0 : i32
    %eq3A_1768 = vector.broadcast %eq3A_1767 : i32 to vector<4x4096xi32>
    %eq3A_1769 = arith.cmpi eq, %and3A_1766, %eq3A_1768 : vector<4x4096xi32>
    %not3A_1770 = arith.constant dense<true> : vector<4x4096xi1>
    %not3A_1771 = arith.xori %ne3A_1756, %not3A_1770 : vector<4x4096xi1>
    %eq3A_1772 = arith.xori %not3A_1771, %eq3A_1769 : vector<4x4096xi1>
    %eq3A_1773 = arith.constant dense<true> : vector<4x4096xi1>
    %eq3A_1774 = arith.xori %eq3A_1772, %eq3A_1773 : vector<4x4096xi1>
    %xor3A_1775 = arith.xori %or3A_1763, %eq3A_1774 : vector<4x4096xi1>
    %select_n3A_1776 = arith.select %xor3A_1775, %select_n3A_1757, %select_n3A_1741 : vector<4x4096xi1>, vector<4x4096xf32>
    %select_n3A_1777 = arith.select %xor3A_1775, %select_n3A_1758, %select_n3A_1742 : vector<4x4096xi1>, vector<4x4096xi32>
    %roll3A_1778 = arith.constant 8 : i32
    %roll3A_1779 = tpu.dynamic_rotate %select_n3A_1776 by %roll3A_1778 dim 1 : vector<4x4096xf32>, i32 -> vector<4x4096xf32>
    %roll3A_1780 = arith.constant 4088 : i32
    %roll3A_1781 = tpu.dynamic_rotate %select_n3A_1776 by %roll3A_1780 dim 1 : vector<4x4096xf32>, i32 -> vector<4x4096xf32>
    %roll3A_1782 = arith.constant 8 : i32
    %roll3A_1783 = tpu.dynamic_rotate %select_n3A_1777 by %roll3A_1782 dim 1 : vector<4x4096xi32>, i32 -> vector<4x4096xi32>
    %roll3A_1784 = arith.constant 4088 : i32
    %roll3A_1785 = tpu.dynamic_rotate %select_n3A_1777 by %roll3A_1784 dim 1 : vector<4x4096xi32>, i32 -> vector<4x4096xi32>
    %and3A_1786 = arith.constant 8 : i32
    %and3A_1787 = vector.broadcast %and3A_1786 : i32 to vector<4x4096xi32>
    %and3A_1788 = arith.andi %iota3A_2, %and3A_1787 : vector<4x4096xi32>
    %ne3A_1789 = arith.constant 0 : i32
    %ne3A_1790 = vector.broadcast %ne3A_1789 : i32 to vector<4x4096xi32>
    %ne3A_1791 = arith.cmpi ne, %and3A_1788, %ne3A_1790 : vector<4x4096xi32>
    %select_n3A_1792 = arith.select %ne3A_1791, %roll3A_1779, %roll3A_1781 : vector<4x4096xi1>, vector<4x4096xf32>
    %select_n3A_1793 = arith.select %ne3A_1791, %roll3A_1783, %roll3A_1785 : vector<4x4096xi1>, vector<4x4096xi32>
    %gt3A_1794 = arith.cmpf ogt, %select_n3A_1776, %select_n3A_1792 : vector<4x4096xf32>
    %eq3A_1795 = arith.cmpf oeq, %select_n3A_1776, %select_n3A_1792 : vector<4x4096xf32>
    %lt3A_1796 = arith.cmpi slt, %select_n3A_1777, %select_n3A_1793 : vector<4x4096xi32>
    %and3A_1797 = arith.andi %eq3A_1795, %lt3A_1796 : vector<4x4096xi1>
    %or3A_1798 = arith.ori %gt3A_1794, %and3A_1797 : vector<4x4096xi1>
    %and3A_1799 = arith.constant 1024 : i32
    %and3A_1800 = vector.broadcast %and3A_1799 : i32 to vector<4x4096xi32>
    %and3A_1801 = arith.andi %iota3A_2, %and3A_1800 : vector<4x4096xi32>
    %eq3A_1802 = arith.constant 0 : i32
    %eq3A_1803 = vector.broadcast %eq3A_1802 : i32 to vector<4x4096xi32>
    %eq3A_1804 = arith.cmpi eq, %and3A_1801, %eq3A_1803 : vector<4x4096xi32>
    %not3A_1805 = arith.constant dense<true> : vector<4x4096xi1>
    %not3A_1806 = arith.xori %ne3A_1791, %not3A_1805 : vector<4x4096xi1>
    %eq3A_1807 = arith.xori %not3A_1806, %eq3A_1804 : vector<4x4096xi1>
    %eq3A_1808 = arith.constant dense<true> : vector<4x4096xi1>
    %eq3A_1809 = arith.xori %eq3A_1807, %eq3A_1808 : vector<4x4096xi1>
    %xor3A_1810 = arith.xori %or3A_1798, %eq3A_1809 : vector<4x4096xi1>
    %select_n3A_1811 = arith.select %xor3A_1810, %select_n3A_1792, %select_n3A_1776 : vector<4x4096xi1>, vector<4x4096xf32>
    %select_n3A_1812 = arith.select %xor3A_1810, %select_n3A_1793, %select_n3A_1777 : vector<4x4096xi1>, vector<4x4096xi32>
    %roll3A_1813 = arith.constant 4 : i32
    %roll3A_1814 = tpu.dynamic_rotate %select_n3A_1811 by %roll3A_1813 dim 1 : vector<4x4096xf32>, i32 -> vector<4x4096xf32>
    %roll3A_1815 = arith.constant 4092 : i32
    %roll3A_1816 = tpu.dynamic_rotate %select_n3A_1811 by %roll3A_1815 dim 1 : vector<4x4096xf32>, i32 -> vector<4x4096xf32>
    %roll3A_1817 = arith.constant 4 : i32
    %roll3A_1818 = tpu.dynamic_rotate %select_n3A_1812 by %roll3A_1817 dim 1 : vector<4x4096xi32>, i32 -> vector<4x4096xi32>
    %roll3A_1819 = arith.constant 4092 : i32
    %roll3A_1820 = tpu.dynamic_rotate %select_n3A_1812 by %roll3A_1819 dim 1 : vector<4x4096xi32>, i32 -> vector<4x4096xi32>
    %and3A_1821 = arith.constant 4 : i32
    %and3A_1822 = vector.broadcast %and3A_1821 : i32 to vector<4x4096xi32>
    %and3A_1823 = arith.andi %iota3A_2, %and3A_1822 : vector<4x4096xi32>
    %ne3A_1824 = arith.constant 0 : i32
    %ne3A_1825 = vector.broadcast %ne3A_1824 : i32 to vector<4x4096xi32>
    %ne3A_1826 = arith.cmpi ne, %and3A_1823, %ne3A_1825 : vector<4x4096xi32>
    %select_n3A_1827 = arith.select %ne3A_1826, %roll3A_1814, %roll3A_1816 : vector<4x4096xi1>, vector<4x4096xf32>
    %select_n3A_1828 = arith.select %ne3A_1826, %roll3A_1818, %roll3A_1820 : vector<4x4096xi1>, vector<4x4096xi32>
    %gt3A_1829 = arith.cmpf ogt, %select_n3A_1811, %select_n3A_1827 : vector<4x4096xf32>
    %eq3A_1830 = arith.cmpf oeq, %select_n3A_1811, %select_n3A_1827 : vector<4x4096xf32>
    %lt3A_1831 = arith.cmpi slt, %select_n3A_1812, %select_n3A_1828 : vector<4x4096xi32>
    %and3A_1832 = arith.andi %eq3A_1830, %lt3A_1831 : vector<4x4096xi1>
    %or3A_1833 = arith.ori %gt3A_1829, %and3A_1832 : vector<4x4096xi1>
    %and3A_1834 = arith.constant 1024 : i32
    %and3A_1835 = vector.broadcast %and3A_1834 : i32 to vector<4x4096xi32>
    %and3A_1836 = arith.andi %iota3A_2, %and3A_1835 : vector<4x4096xi32>
    %eq3A_1837 = arith.constant 0 : i32
    %eq3A_1838 = vector.broadcast %eq3A_1837 : i32 to vector<4x4096xi32>
    %eq3A_1839 = arith.cmpi eq, %and3A_1836, %eq3A_1838 : vector<4x4096xi32>
    %not3A_1840 = arith.constant dense<true> : vector<4x4096xi1>
    %not3A_1841 = arith.xori %ne3A_1826, %not3A_1840 : vector<4x4096xi1>
    %eq3A_1842 = arith.xori %not3A_1841, %eq3A_1839 : vector<4x4096xi1>
    %eq3A_1843 = arith.constant dense<true> : vector<4x4096xi1>
    %eq3A_1844 = arith.xori %eq3A_1842, %eq3A_1843 : vector<4x4096xi1>
    %xor3A_1845 = arith.xori %or3A_1833, %eq3A_1844 : vector<4x4096xi1>
    %select_n3A_1846 = arith.select %xor3A_1845, %select_n3A_1827, %select_n3A_1811 : vector<4x4096xi1>, vector<4x4096xf32>
    %select_n3A_1847 = arith.select %xor3A_1845, %select_n3A_1828, %select_n3A_1812 : vector<4x4096xi1>, vector<4x4096xi32>
    %roll3A_1848 = arith.constant 2 : i32
    %roll3A_1849 = tpu.dynamic_rotate %select_n3A_1846 by %roll3A_1848 dim 1 : vector<4x4096xf32>, i32 -> vector<4x4096xf32>
    %roll3A_1850 = arith.constant 4094 : i32
    %roll3A_1851 = tpu.dynamic_rotate %select_n3A_1846 by %roll3A_1850 dim 1 : vector<4x4096xf32>, i32 -> vector<4x4096xf32>
    %roll3A_1852 = arith.constant 2 : i32
    %roll3A_1853 = tpu.dynamic_rotate %select_n3A_1847 by %roll3A_1852 dim 1 : vector<4x4096xi32>, i32 -> vector<4x4096xi32>
    %roll3A_1854 = arith.constant 4094 : i32
    %roll3A_1855 = tpu.dynamic_rotate %select_n3A_1847 by %roll3A_1854 dim 1 : vector<4x4096xi32>, i32 -> vector<4x4096xi32>
    %and3A_1856 = arith.constant 2 : i32
    %and3A_1857 = vector.broadcast %and3A_1856 : i32 to vector<4x4096xi32>
    %and3A_1858 = arith.andi %iota3A_2, %and3A_1857 : vector<4x4096xi32>
    %ne3A_1859 = arith.constant 0 : i32
    %ne3A_1860 = vector.broadcast %ne3A_1859 : i32 to vector<4x4096xi32>
    %ne3A_1861 = arith.cmpi ne, %and3A_1858, %ne3A_1860 : vector<4x4096xi32>
    %select_n3A_1862 = arith.select %ne3A_1861, %roll3A_1849, %roll3A_1851 : vector<4x4096xi1>, vector<4x4096xf32>
    %select_n3A_1863 = arith.select %ne3A_1861, %roll3A_1853, %roll3A_1855 : vector<4x4096xi1>, vector<4x4096xi32>
    %gt3A_1864 = arith.cmpf ogt, %select_n3A_1846, %select_n3A_1862 : vector<4x4096xf32>
    %eq3A_1865 = arith.cmpf oeq, %select_n3A_1846, %select_n3A_1862 : vector<4x4096xf32>
    %lt3A_1866 = arith.cmpi slt, %select_n3A_1847, %select_n3A_1863 : vector<4x4096xi32>
    %and3A_1867 = arith.andi %eq3A_1865, %lt3A_1866 : vector<4x4096xi1>
    %or3A_1868 = arith.ori %gt3A_1864, %and3A_1867 : vector<4x4096xi1>
    %and3A_1869 = arith.constant 1024 : i32
    %and3A_1870 = vector.broadcast %and3A_1869 : i32 to vector<4x4096xi32>
    %and3A_1871 = arith.andi %iota3A_2, %and3A_1870 : vector<4x4096xi32>
    %eq3A_1872 = arith.constant 0 : i32
    %eq3A_1873 = vector.broadcast %eq3A_1872 : i32 to vector<4x4096xi32>
    %eq3A_1874 = arith.cmpi eq, %and3A_1871, %eq3A_1873 : vector<4x4096xi32>
    %not3A_1875 = arith.constant dense<true> : vector<4x4096xi1>
    %not3A_1876 = arith.xori %ne3A_1861, %not3A_1875 : vector<4x4096xi1>
    %eq3A_1877 = arith.xori %not3A_1876, %eq3A_1874 : vector<4x4096xi1>
    %eq3A_1878 = arith.constant dense<true> : vector<4x4096xi1>
    %eq3A_1879 = arith.xori %eq3A_1877, %eq3A_1878 : vector<4x4096xi1>
    %xor3A_1880 = arith.xori %or3A_1868, %eq3A_1879 : vector<4x4096xi1>
    %select_n3A_1881 = arith.select %xor3A_1880, %select_n3A_1862, %select_n3A_1846 : vector<4x4096xi1>, vector<4x4096xf32>
    %select_n3A_1882 = arith.select %xor3A_1880, %select_n3A_1863, %select_n3A_1847 : vector<4x4096xi1>, vector<4x4096xi32>
    %roll3A_1883 = arith.constant 1 : i32
    %roll3A_1884 = tpu.dynamic_rotate %select_n3A_1881 by %roll3A_1883 dim 1 : vector<4x4096xf32>, i32 -> vector<4x4096xf32>
    %roll3A_1885 = arith.constant 4095 : i32
    %roll3A_1886 = tpu.dynamic_rotate %select_n3A_1881 by %roll3A_1885 dim 1 : vector<4x4096xf32>, i32 -> vector<4x4096xf32>
    %roll3A_1887 = arith.constant 1 : i32
    %roll3A_1888 = tpu.dynamic_rotate %select_n3A_1882 by %roll3A_1887 dim 1 : vector<4x4096xi32>, i32 -> vector<4x4096xi32>
    %roll3A_1889 = arith.constant 4095 : i32
    %roll3A_1890 = tpu.dynamic_rotate %select_n3A_1882 by %roll3A_1889 dim 1 : vector<4x4096xi32>, i32 -> vector<4x4096xi32>
    %and3A_1891 = arith.constant 1 : i32
    %and3A_1892 = vector.broadcast %and3A_1891 : i32 to vector<4x4096xi32>
    %and3A_1893 = arith.andi %iota3A_2, %and3A_1892 : vector<4x4096xi32>
    %ne3A_1894 = arith.constant 0 : i32
    %ne3A_1895 = vector.broadcast %ne3A_1894 : i32 to vector<4x4096xi32>
    %ne3A_1896 = arith.cmpi ne, %and3A_1893, %ne3A_1895 : vector<4x4096xi32>
    %select_n3A_1897 = arith.select %ne3A_1896, %roll3A_1884, %roll3A_1886 : vector<4x4096xi1>, vector<4x4096xf32>
    %select_n3A_1898 = arith.select %ne3A_1896, %roll3A_1888, %roll3A_1890 : vector<4x4096xi1>, vector<4x4096xi32>
    %gt3A_1899 = arith.cmpf ogt, %select_n3A_1881, %select_n3A_1897 : vector<4x4096xf32>
    %eq3A_1900 = arith.cmpf oeq, %select_n3A_1881, %select_n3A_1897 : vector<4x4096xf32>
    %lt3A_1901 = arith.cmpi slt, %select_n3A_1882, %select_n3A_1898 : vector<4x4096xi32>
    %and3A_1902 = arith.andi %eq3A_1900, %lt3A_1901 : vector<4x4096xi1>
    %or3A_1903 = arith.ori %gt3A_1899, %and3A_1902 : vector<4x4096xi1>
    %and3A_1904 = arith.constant 1024 : i32
    %and3A_1905 = vector.broadcast %and3A_1904 : i32 to vector<4x4096xi32>
    %and3A_1906 = arith.andi %iota3A_2, %and3A_1905 : vector<4x4096xi32>
    %eq3A_1907 = arith.constant 0 : i32
    %eq3A_1908 = vector.broadcast %eq3A_1907 : i32 to vector<4x4096xi32>
    %eq3A_1909 = arith.cmpi eq, %and3A_1906, %eq3A_1908 : vector<4x4096xi32>
    %not3A_1910 = arith.constant dense<true> : vector<4x4096xi1>
    %not3A_1911 = arith.xori %ne3A_1896, %not3A_1910 : vector<4x4096xi1>
    %eq3A_1912 = arith.xori %not3A_1911, %eq3A_1909 : vector<4x4096xi1>
    %eq3A_1913 = arith.constant dense<true> : vector<4x4096xi1>
    %eq3A_1914 = arith.xori %eq3A_1912, %eq3A_1913 : vector<4x4096xi1>
    %xor3A_1915 = arith.xori %or3A_1903, %eq3A_1914 : vector<4x4096xi1>
    %select_n3A_1916 = arith.select %xor3A_1915, %select_n3A_1897, %select_n3A_1881 : vector<4x4096xi1>, vector<4x4096xf32>
    %select_n3A_1917 = arith.select %xor3A_1915, %select_n3A_1898, %select_n3A_1882 : vector<4x4096xi1>, vector<4x4096xi32>
    %roll3A_1918 = arith.constant 1024 : i32
    %roll3A_1919 = tpu.dynamic_rotate %select_n3A_1916 by %roll3A_1918 dim 1 : vector<4x4096xf32>, i32 -> vector<4x4096xf32>
    %roll3A_1920 = arith.constant 3072 : i32
    %roll3A_1921 = tpu.dynamic_rotate %select_n3A_1916 by %roll3A_1920 dim 1 : vector<4x4096xf32>, i32 -> vector<4x4096xf32>
    %roll3A_1922 = arith.constant 1024 : i32
    %roll3A_1923 = tpu.dynamic_rotate %select_n3A_1917 by %roll3A_1922 dim 1 : vector<4x4096xi32>, i32 -> vector<4x4096xi32>
    %roll3A_1924 = arith.constant 3072 : i32
    %roll3A_1925 = tpu.dynamic_rotate %select_n3A_1917 by %roll3A_1924 dim 1 : vector<4x4096xi32>, i32 -> vector<4x4096xi32>
    %and3A_1926 = arith.constant 1024 : i32
    %and3A_1927 = vector.broadcast %and3A_1926 : i32 to vector<4x4096xi32>
    %and3A_1928 = arith.andi %iota3A_2, %and3A_1927 : vector<4x4096xi32>
    %ne3A_1929 = arith.constant 0 : i32
    %ne3A_1930 = vector.broadcast %ne3A_1929 : i32 to vector<4x4096xi32>
    %ne3A_1931 = arith.cmpi ne, %and3A_1928, %ne3A_1930 : vector<4x4096xi32>
    %select_n3A_1932 = arith.select %ne3A_1931, %roll3A_1919, %roll3A_1921 : vector<4x4096xi1>, vector<4x4096xf32>
    %select_n3A_1933 = arith.select %ne3A_1931, %roll3A_1923, %roll3A_1925 : vector<4x4096xi1>, vector<4x4096xi32>
    %gt3A_1934 = arith.cmpf ogt, %select_n3A_1916, %select_n3A_1932 : vector<4x4096xf32>
    %eq3A_1935 = arith.cmpf oeq, %select_n3A_1916, %select_n3A_1932 : vector<4x4096xf32>
    %lt3A_1936 = arith.cmpi slt, %select_n3A_1917, %select_n3A_1933 : vector<4x4096xi32>
    %and3A_1937 = arith.andi %eq3A_1935, %lt3A_1936 : vector<4x4096xi1>
    %or3A_1938 = arith.ori %gt3A_1934, %and3A_1937 : vector<4x4096xi1>
    %and3A_1939 = arith.constant 2048 : i32
    %and3A_1940 = vector.broadcast %and3A_1939 : i32 to vector<4x4096xi32>
    %and3A_1941 = arith.andi %iota3A_2, %and3A_1940 : vector<4x4096xi32>
    %eq3A_1942 = arith.constant 0 : i32
    %eq3A_1943 = vector.broadcast %eq3A_1942 : i32 to vector<4x4096xi32>
    %eq3A_1944 = arith.cmpi eq, %and3A_1941, %eq3A_1943 : vector<4x4096xi32>
    %not3A_1945 = arith.constant dense<true> : vector<4x4096xi1>
    %not3A_1946 = arith.xori %ne3A_1931, %not3A_1945 : vector<4x4096xi1>
    %eq3A_1947 = arith.xori %not3A_1946, %eq3A_1944 : vector<4x4096xi1>
    %eq3A_1948 = arith.constant dense<true> : vector<4x4096xi1>
    %eq3A_1949 = arith.xori %eq3A_1947, %eq3A_1948 : vector<4x4096xi1>
    %xor3A_1950 = arith.xori %or3A_1938, %eq3A_1949 : vector<4x4096xi1>
    %select_n3A_1951 = arith.select %xor3A_1950, %select_n3A_1932, %select_n3A_1916 : vector<4x4096xi1>, vector<4x4096xf32>
    %select_n3A_1952 = arith.select %xor3A_1950, %select_n3A_1933, %select_n3A_1917 : vector<4x4096xi1>, vector<4x4096xi32>
    %roll3A_1953 = arith.constant 512 : i32
    %roll3A_1954 = tpu.dynamic_rotate %select_n3A_1951 by %roll3A_1953 dim 1 : vector<4x4096xf32>, i32 -> vector<4x4096xf32>
    %roll3A_1955 = arith.constant 3584 : i32
    %roll3A_1956 = tpu.dynamic_rotate %select_n3A_1951 by %roll3A_1955 dim 1 : vector<4x4096xf32>, i32 -> vector<4x4096xf32>
    %roll3A_1957 = arith.constant 512 : i32
    %roll3A_1958 = tpu.dynamic_rotate %select_n3A_1952 by %roll3A_1957 dim 1 : vector<4x4096xi32>, i32 -> vector<4x4096xi32>
    %roll3A_1959 = arith.constant 3584 : i32
    %roll3A_1960 = tpu.dynamic_rotate %select_n3A_1952 by %roll3A_1959 dim 1 : vector<4x4096xi32>, i32 -> vector<4x4096xi32>
    %and3A_1961 = arith.constant 512 : i32
    %and3A_1962 = vector.broadcast %and3A_1961 : i32 to vector<4x4096xi32>
    %and3A_1963 = arith.andi %iota3A_2, %and3A_1962 : vector<4x4096xi32>
    %ne3A_1964 = arith.constant 0 : i32
    %ne3A_1965 = vector.broadcast %ne3A_1964 : i32 to vector<4x4096xi32>
    %ne3A_1966 = arith.cmpi ne, %and3A_1963, %ne3A_1965 : vector<4x4096xi32>
    %select_n3A_1967 = arith.select %ne3A_1966, %roll3A_1954, %roll3A_1956 : vector<4x4096xi1>, vector<4x4096xf32>
    %select_n3A_1968 = arith.select %ne3A_1966, %roll3A_1958, %roll3A_1960 : vector<4x4096xi1>, vector<4x4096xi32>
    %gt3A_1969 = arith.cmpf ogt, %select_n3A_1951, %select_n3A_1967 : vector<4x4096xf32>
    %eq3A_1970 = arith.cmpf oeq, %select_n3A_1951, %select_n3A_1967 : vector<4x4096xf32>
    %lt3A_1971 = arith.cmpi slt, %select_n3A_1952, %select_n3A_1968 : vector<4x4096xi32>
    %and3A_1972 = arith.andi %eq3A_1970, %lt3A_1971 : vector<4x4096xi1>
    %or3A_1973 = arith.ori %gt3A_1969, %and3A_1972 : vector<4x4096xi1>
    %and3A_1974 = arith.constant 2048 : i32
    %and3A_1975 = vector.broadcast %and3A_1974 : i32 to vector<4x4096xi32>
    %and3A_1976 = arith.andi %iota3A_2, %and3A_1975 : vector<4x4096xi32>
    %eq3A_1977 = arith.constant 0 : i32
    %eq3A_1978 = vector.broadcast %eq3A_1977 : i32 to vector<4x4096xi32>
    %eq3A_1979 = arith.cmpi eq, %and3A_1976, %eq3A_1978 : vector<4x4096xi32>
    %not3A_1980 = arith.constant dense<true> : vector<4x4096xi1>
    %not3A_1981 = arith.xori %ne3A_1966, %not3A_1980 : vector<4x4096xi1>
    %eq3A_1982 = arith.xori %not3A_1981, %eq3A_1979 : vector<4x4096xi1>
    %eq3A_1983 = arith.constant dense<true> : vector<4x4096xi1>
    %eq3A_1984 = arith.xori %eq3A_1982, %eq3A_1983 : vector<4x4096xi1>
    %xor3A_1985 = arith.xori %or3A_1973, %eq3A_1984 : vector<4x4096xi1>
    %select_n3A_1986 = arith.select %xor3A_1985, %select_n3A_1967, %select_n3A_1951 : vector<4x4096xi1>, vector<4x4096xf32>
    %select_n3A_1987 = arith.select %xor3A_1985, %select_n3A_1968, %select_n3A_1952 : vector<4x4096xi1>, vector<4x4096xi32>
    %roll3A_1988 = arith.constant 256 : i32
    %roll3A_1989 = tpu.dynamic_rotate %select_n3A_1986 by %roll3A_1988 dim 1 : vector<4x4096xf32>, i32 -> vector<4x4096xf32>
    %roll3A_1990 = arith.constant 3840 : i32
    %roll3A_1991 = tpu.dynamic_rotate %select_n3A_1986 by %roll3A_1990 dim 1 : vector<4x4096xf32>, i32 -> vector<4x4096xf32>
    %roll3A_1992 = arith.constant 256 : i32
    %roll3A_1993 = tpu.dynamic_rotate %select_n3A_1987 by %roll3A_1992 dim 1 : vector<4x4096xi32>, i32 -> vector<4x4096xi32>
    %roll3A_1994 = arith.constant 3840 : i32
    %roll3A_1995 = tpu.dynamic_rotate %select_n3A_1987 by %roll3A_1994 dim 1 : vector<4x4096xi32>, i32 -> vector<4x4096xi32>
    %and3A_1996 = arith.constant 256 : i32
    %and3A_1997 = vector.broadcast %and3A_1996 : i32 to vector<4x4096xi32>
    %and3A_1998 = arith.andi %iota3A_2, %and3A_1997 : vector<4x4096xi32>
    %ne3A_1999 = arith.constant 0 : i32
    %ne3A_2000 = vector.broadcast %ne3A_1999 : i32 to vector<4x4096xi32>
    %ne3A_2001 = arith.cmpi ne, %and3A_1998, %ne3A_2000 : vector<4x4096xi32>
    %select_n3A_2002 = arith.select %ne3A_2001, %roll3A_1989, %roll3A_1991 : vector<4x4096xi1>, vector<4x4096xf32>
    %select_n3A_2003 = arith.select %ne3A_2001, %roll3A_1993, %roll3A_1995 : vector<4x4096xi1>, vector<4x4096xi32>
    %gt3A_2004 = arith.cmpf ogt, %select_n3A_1986, %select_n3A_2002 : vector<4x4096xf32>
    %eq3A_2005 = arith.cmpf oeq, %select_n3A_1986, %select_n3A_2002 : vector<4x4096xf32>
    %lt3A_2006 = arith.cmpi slt, %select_n3A_1987, %select_n3A_2003 : vector<4x4096xi32>
    %and3A_2007 = arith.andi %eq3A_2005, %lt3A_2006 : vector<4x4096xi1>
    %or3A_2008 = arith.ori %gt3A_2004, %and3A_2007 : vector<4x4096xi1>
    %and3A_2009 = arith.constant 2048 : i32
    %and3A_2010 = vector.broadcast %and3A_2009 : i32 to vector<4x4096xi32>
    %and3A_2011 = arith.andi %iota3A_2, %and3A_2010 : vector<4x4096xi32>
    %eq3A_2012 = arith.constant 0 : i32
    %eq3A_2013 = vector.broadcast %eq3A_2012 : i32 to vector<4x4096xi32>
    %eq3A_2014 = arith.cmpi eq, %and3A_2011, %eq3A_2013 : vector<4x4096xi32>
    %not3A_2015 = arith.constant dense<true> : vector<4x4096xi1>
    %not3A_2016 = arith.xori %ne3A_2001, %not3A_2015 : vector<4x4096xi1>
    %eq3A_2017 = arith.xori %not3A_2016, %eq3A_2014 : vector<4x4096xi1>
    %eq3A_2018 = arith.constant dense<true> : vector<4x4096xi1>
    %eq3A_2019 = arith.xori %eq3A_2017, %eq3A_2018 : vector<4x4096xi1>
    %xor3A_2020 = arith.xori %or3A_2008, %eq3A_2019 : vector<4x4096xi1>
    %select_n3A_2021 = arith.select %xor3A_2020, %select_n3A_2002, %select_n3A_1986 : vector<4x4096xi1>, vector<4x4096xf32>
    %select_n3A_2022 = arith.select %xor3A_2020, %select_n3A_2003, %select_n3A_1987 : vector<4x4096xi1>, vector<4x4096xi32>
    %roll3A_2023 = arith.constant 128 : i32
    %roll3A_2024 = tpu.dynamic_rotate %select_n3A_2021 by %roll3A_2023 dim 1 : vector<4x4096xf32>, i32 -> vector<4x4096xf32>
    %roll3A_2025 = arith.constant 3968 : i32
    %roll3A_2026 = tpu.dynamic_rotate %select_n3A_2021 by %roll3A_2025 dim 1 : vector<4x4096xf32>, i32 -> vector<4x4096xf32>
    %roll3A_2027 = arith.constant 128 : i32
    %roll3A_2028 = tpu.dynamic_rotate %select_n3A_2022 by %roll3A_2027 dim 1 : vector<4x4096xi32>, i32 -> vector<4x4096xi32>
    %roll3A_2029 = arith.constant 3968 : i32
    %roll3A_2030 = tpu.dynamic_rotate %select_n3A_2022 by %roll3A_2029 dim 1 : vector<4x4096xi32>, i32 -> vector<4x4096xi32>
    %and3A_2031 = arith.constant 128 : i32
    %and3A_2032 = vector.broadcast %and3A_2031 : i32 to vector<4x4096xi32>
    %and3A_2033 = arith.andi %iota3A_2, %and3A_2032 : vector<4x4096xi32>
    %ne3A_2034 = arith.constant 0 : i32
    %ne3A_2035 = vector.broadcast %ne3A_2034 : i32 to vector<4x4096xi32>
    %ne3A_2036 = arith.cmpi ne, %and3A_2033, %ne3A_2035 : vector<4x4096xi32>
    %select_n3A_2037 = arith.select %ne3A_2036, %roll3A_2024, %roll3A_2026 : vector<4x4096xi1>, vector<4x4096xf32>
    %select_n3A_2038 = arith.select %ne3A_2036, %roll3A_2028, %roll3A_2030 : vector<4x4096xi1>, vector<4x4096xi32>
    %gt3A_2039 = arith.cmpf ogt, %select_n3A_2021, %select_n3A_2037 : vector<4x4096xf32>
    %eq3A_2040 = arith.cmpf oeq, %select_n3A_2021, %select_n3A_2037 : vector<4x4096xf32>
    %lt3A_2041 = arith.cmpi slt, %select_n3A_2022, %select_n3A_2038 : vector<4x4096xi32>
    %and3A_2042 = arith.andi %eq3A_2040, %lt3A_2041 : vector<4x4096xi1>
    %or3A_2043 = arith.ori %gt3A_2039, %and3A_2042 : vector<4x4096xi1>
    %and3A_2044 = arith.constant 2048 : i32
    %and3A_2045 = vector.broadcast %and3A_2044 : i32 to vector<4x4096xi32>
    %and3A_2046 = arith.andi %iota3A_2, %and3A_2045 : vector<4x4096xi32>
    %eq3A_2047 = arith.constant 0 : i32
    %eq3A_2048 = vector.broadcast %eq3A_2047 : i32 to vector<4x4096xi32>
    %eq3A_2049 = arith.cmpi eq, %and3A_2046, %eq3A_2048 : vector<4x4096xi32>
    %not3A_2050 = arith.constant dense<true> : vector<4x4096xi1>
    %not3A_2051 = arith.xori %ne3A_2036, %not3A_2050 : vector<4x4096xi1>
    %eq3A_2052 = arith.xori %not3A_2051, %eq3A_2049 : vector<4x4096xi1>
    %eq3A_2053 = arith.constant dense<true> : vector<4x4096xi1>
    %eq3A_2054 = arith.xori %eq3A_2052, %eq3A_2053 : vector<4x4096xi1>
    %xor3A_2055 = arith.xori %or3A_2043, %eq3A_2054 : vector<4x4096xi1>
    %select_n3A_2056 = arith.select %xor3A_2055, %select_n3A_2037, %select_n3A_2021 : vector<4x4096xi1>, vector<4x4096xf32>
    %select_n3A_2057 = arith.select %xor3A_2055, %select_n3A_2038, %select_n3A_2022 : vector<4x4096xi1>, vector<4x4096xi32>
    %roll3A_2058 = arith.constant 64 : i32
    %roll3A_2059 = tpu.dynamic_rotate %select_n3A_2056 by %roll3A_2058 dim 1 : vector<4x4096xf32>, i32 -> vector<4x4096xf32>
    %roll3A_2060 = arith.constant 4032 : i32
    %roll3A_2061 = tpu.dynamic_rotate %select_n3A_2056 by %roll3A_2060 dim 1 : vector<4x4096xf32>, i32 -> vector<4x4096xf32>
    %roll3A_2062 = arith.constant 64 : i32
    %roll3A_2063 = tpu.dynamic_rotate %select_n3A_2057 by %roll3A_2062 dim 1 : vector<4x4096xi32>, i32 -> vector<4x4096xi32>
    %roll3A_2064 = arith.constant 4032 : i32
    %roll3A_2065 = tpu.dynamic_rotate %select_n3A_2057 by %roll3A_2064 dim 1 : vector<4x4096xi32>, i32 -> vector<4x4096xi32>
    %and3A_2066 = arith.constant 64 : i32
    %and3A_2067 = vector.broadcast %and3A_2066 : i32 to vector<4x4096xi32>
    %and3A_2068 = arith.andi %iota3A_2, %and3A_2067 : vector<4x4096xi32>
    %ne3A_2069 = arith.constant 0 : i32
    %ne3A_2070 = vector.broadcast %ne3A_2069 : i32 to vector<4x4096xi32>
    %ne3A_2071 = arith.cmpi ne, %and3A_2068, %ne3A_2070 : vector<4x4096xi32>
    %select_n3A_2072 = arith.select %ne3A_2071, %roll3A_2059, %roll3A_2061 : vector<4x4096xi1>, vector<4x4096xf32>
    %select_n3A_2073 = arith.select %ne3A_2071, %roll3A_2063, %roll3A_2065 : vector<4x4096xi1>, vector<4x4096xi32>
    %gt3A_2074 = arith.cmpf ogt, %select_n3A_2056, %select_n3A_2072 : vector<4x4096xf32>
    %eq3A_2075 = arith.cmpf oeq, %select_n3A_2056, %select_n3A_2072 : vector<4x4096xf32>
    %lt3A_2076 = arith.cmpi slt, %select_n3A_2057, %select_n3A_2073 : vector<4x4096xi32>
    %and3A_2077 = arith.andi %eq3A_2075, %lt3A_2076 : vector<4x4096xi1>
    %or3A_2078 = arith.ori %gt3A_2074, %and3A_2077 : vector<4x4096xi1>
    %and3A_2079 = arith.constant 2048 : i32
    %and3A_2080 = vector.broadcast %and3A_2079 : i32 to vector<4x4096xi32>
    %and3A_2081 = arith.andi %iota3A_2, %and3A_2080 : vector<4x4096xi32>
    %eq3A_2082 = arith.constant 0 : i32
    %eq3A_2083 = vector.broadcast %eq3A_2082 : i32 to vector<4x4096xi32>
    %eq3A_2084 = arith.cmpi eq, %and3A_2081, %eq3A_2083 : vector<4x4096xi32>
    %not3A_2085 = arith.constant dense<true> : vector<4x4096xi1>
    %not3A_2086 = arith.xori %ne3A_2071, %not3A_2085 : vector<4x4096xi1>
    %eq3A_2087 = arith.xori %not3A_2086, %eq3A_2084 : vector<4x4096xi1>
    %eq3A_2088 = arith.constant dense<true> : vector<4x4096xi1>
    %eq3A_2089 = arith.xori %eq3A_2087, %eq3A_2088 : vector<4x4096xi1>
    %xor3A_2090 = arith.xori %or3A_2078, %eq3A_2089 : vector<4x4096xi1>
    %select_n3A_2091 = arith.select %xor3A_2090, %select_n3A_2072, %select_n3A_2056 : vector<4x4096xi1>, vector<4x4096xf32>
    %select_n3A_2092 = arith.select %xor3A_2090, %select_n3A_2073, %select_n3A_2057 : vector<4x4096xi1>, vector<4x4096xi32>
    %roll3A_2093 = arith.constant 32 : i32
    %roll3A_2094 = tpu.dynamic_rotate %select_n3A_2091 by %roll3A_2093 dim 1 : vector<4x4096xf32>, i32 -> vector<4x4096xf32>
    %roll3A_2095 = arith.constant 4064 : i32
    %roll3A_2096 = tpu.dynamic_rotate %select_n3A_2091 by %roll3A_2095 dim 1 : vector<4x4096xf32>, i32 -> vector<4x4096xf32>
    %roll3A_2097 = arith.constant 32 : i32
    %roll3A_2098 = tpu.dynamic_rotate %select_n3A_2092 by %roll3A_2097 dim 1 : vector<4x4096xi32>, i32 -> vector<4x4096xi32>
    %roll3A_2099 = arith.constant 4064 : i32
    %roll3A_2100 = tpu.dynamic_rotate %select_n3A_2092 by %roll3A_2099 dim 1 : vector<4x4096xi32>, i32 -> vector<4x4096xi32>
    %and3A_2101 = arith.constant 32 : i32
    %and3A_2102 = vector.broadcast %and3A_2101 : i32 to vector<4x4096xi32>
    %and3A_2103 = arith.andi %iota3A_2, %and3A_2102 : vector<4x4096xi32>
    %ne3A_2104 = arith.constant 0 : i32
    %ne3A_2105 = vector.broadcast %ne3A_2104 : i32 to vector<4x4096xi32>
    %ne3A_2106 = arith.cmpi ne, %and3A_2103, %ne3A_2105 : vector<4x4096xi32>
    %select_n3A_2107 = arith.select %ne3A_2106, %roll3A_2094, %roll3A_2096 : vector<4x4096xi1>, vector<4x4096xf32>
    %select_n3A_2108 = arith.select %ne3A_2106, %roll3A_2098, %roll3A_2100 : vector<4x4096xi1>, vector<4x4096xi32>
    %gt3A_2109 = arith.cmpf ogt, %select_n3A_2091, %select_n3A_2107 : vector<4x4096xf32>
    %eq3A_2110 = arith.cmpf oeq, %select_n3A_2091, %select_n3A_2107 : vector<4x4096xf32>
    %lt3A_2111 = arith.cmpi slt, %select_n3A_2092, %select_n3A_2108 : vector<4x4096xi32>
    %and3A_2112 = arith.andi %eq3A_2110, %lt3A_2111 : vector<4x4096xi1>
    %or3A_2113 = arith.ori %gt3A_2109, %and3A_2112 : vector<4x4096xi1>
    %and3A_2114 = arith.constant 2048 : i32
    %and3A_2115 = vector.broadcast %and3A_2114 : i32 to vector<4x4096xi32>
    %and3A_2116 = arith.andi %iota3A_2, %and3A_2115 : vector<4x4096xi32>
    %eq3A_2117 = arith.constant 0 : i32
    %eq3A_2118 = vector.broadcast %eq3A_2117 : i32 to vector<4x4096xi32>
    %eq3A_2119 = arith.cmpi eq, %and3A_2116, %eq3A_2118 : vector<4x4096xi32>
    %not3A_2120 = arith.constant dense<true> : vector<4x4096xi1>
    %not3A_2121 = arith.xori %ne3A_2106, %not3A_2120 : vector<4x4096xi1>
    %eq3A_2122 = arith.xori %not3A_2121, %eq3A_2119 : vector<4x4096xi1>
    %eq3A_2123 = arith.constant dense<true> : vector<4x4096xi1>
    %eq3A_2124 = arith.xori %eq3A_2122, %eq3A_2123 : vector<4x4096xi1>
    %xor3A_2125 = arith.xori %or3A_2113, %eq3A_2124 : vector<4x4096xi1>
    %select_n3A_2126 = arith.select %xor3A_2125, %select_n3A_2107, %select_n3A_2091 : vector<4x4096xi1>, vector<4x4096xf32>
    %select_n3A_2127 = arith.select %xor3A_2125, %select_n3A_2108, %select_n3A_2092 : vector<4x4096xi1>, vector<4x4096xi32>
    %roll3A_2128 = arith.constant 16 : i32
    %roll3A_2129 = tpu.dynamic_rotate %select_n3A_2126 by %roll3A_2128 dim 1 : vector<4x4096xf32>, i32 -> vector<4x4096xf32>
    %roll3A_2130 = arith.constant 4080 : i32
    %roll3A_2131 = tpu.dynamic_rotate %select_n3A_2126 by %roll3A_2130 dim 1 : vector<4x4096xf32>, i32 -> vector<4x4096xf32>
    %roll3A_2132 = arith.constant 16 : i32
    %roll3A_2133 = tpu.dynamic_rotate %select_n3A_2127 by %roll3A_2132 dim 1 : vector<4x4096xi32>, i32 -> vector<4x4096xi32>
    %roll3A_2134 = arith.constant 4080 : i32
    %roll3A_2135 = tpu.dynamic_rotate %select_n3A_2127 by %roll3A_2134 dim 1 : vector<4x4096xi32>, i32 -> vector<4x4096xi32>
    %and3A_2136 = arith.constant 16 : i32
    %and3A_2137 = vector.broadcast %and3A_2136 : i32 to vector<4x4096xi32>
    %and3A_2138 = arith.andi %iota3A_2, %and3A_2137 : vector<4x4096xi32>
    %ne3A_2139 = arith.constant 0 : i32
    %ne3A_2140 = vector.broadcast %ne3A_2139 : i32 to vector<4x4096xi32>
    %ne3A_2141 = arith.cmpi ne, %and3A_2138, %ne3A_2140 : vector<4x4096xi32>
    %select_n3A_2142 = arith.select %ne3A_2141, %roll3A_2129, %roll3A_2131 : vector<4x4096xi1>, vector<4x4096xf32>
    %select_n3A_2143 = arith.select %ne3A_2141, %roll3A_2133, %roll3A_2135 : vector<4x4096xi1>, vector<4x4096xi32>
    %gt3A_2144 = arith.cmpf ogt, %select_n3A_2126, %select_n3A_2142 : vector<4x4096xf32>
    %eq3A_2145 = arith.cmpf oeq, %select_n3A_2126, %select_n3A_2142 : vector<4x4096xf32>
    %lt3A_2146 = arith.cmpi slt, %select_n3A_2127, %select_n3A_2143 : vector<4x4096xi32>
    %and3A_2147 = arith.andi %eq3A_2145, %lt3A_2146 : vector<4x4096xi1>
    %or3A_2148 = arith.ori %gt3A_2144, %and3A_2147 : vector<4x4096xi1>
    %and3A_2149 = arith.constant 2048 : i32
    %and3A_2150 = vector.broadcast %and3A_2149 : i32 to vector<4x4096xi32>
    %and3A_2151 = arith.andi %iota3A_2, %and3A_2150 : vector<4x4096xi32>
    %eq3A_2152 = arith.constant 0 : i32
    %eq3A_2153 = vector.broadcast %eq3A_2152 : i32 to vector<4x4096xi32>
    %eq3A_2154 = arith.cmpi eq, %and3A_2151, %eq3A_2153 : vector<4x4096xi32>
    %not3A_2155 = arith.constant dense<true> : vector<4x4096xi1>
    %not3A_2156 = arith.xori %ne3A_2141, %not3A_2155 : vector<4x4096xi1>
    %eq3A_2157 = arith.xori %not3A_2156, %eq3A_2154 : vector<4x4096xi1>
    %eq3A_2158 = arith.constant dense<true> : vector<4x4096xi1>
    %eq3A_2159 = arith.xori %eq3A_2157, %eq3A_2158 : vector<4x4096xi1>
    %xor3A_2160 = arith.xori %or3A_2148, %eq3A_2159 : vector<4x4096xi1>
    %select_n3A_2161 = arith.select %xor3A_2160, %select_n3A_2142, %select_n3A_2126 : vector<4x4096xi1>, vector<4x4096xf32>
    %select_n3A_2162 = arith.select %xor3A_2160, %select_n3A_2143, %select_n3A_2127 : vector<4x4096xi1>, vector<4x4096xi32>
    %roll3A_2163 = arith.constant 8 : i32
    %roll3A_2164 = tpu.dynamic_rotate %select_n3A_2161 by %roll3A_2163 dim 1 : vector<4x4096xf32>, i32 -> vector<4x4096xf32>
    %roll3A_2165 = arith.constant 4088 : i32
    %roll3A_2166 = tpu.dynamic_rotate %select_n3A_2161 by %roll3A_2165 dim 1 : vector<4x4096xf32>, i32 -> vector<4x4096xf32>
    %roll3A_2167 = arith.constant 8 : i32
    %roll3A_2168 = tpu.dynamic_rotate %select_n3A_2162 by %roll3A_2167 dim 1 : vector<4x4096xi32>, i32 -> vector<4x4096xi32>
    %roll3A_2169 = arith.constant 4088 : i32
    %roll3A_2170 = tpu.dynamic_rotate %select_n3A_2162 by %roll3A_2169 dim 1 : vector<4x4096xi32>, i32 -> vector<4x4096xi32>
    %and3A_2171 = arith.constant 8 : i32
    %and3A_2172 = vector.broadcast %and3A_2171 : i32 to vector<4x4096xi32>
    %and3A_2173 = arith.andi %iota3A_2, %and3A_2172 : vector<4x4096xi32>
    %ne3A_2174 = arith.constant 0 : i32
    %ne3A_2175 = vector.broadcast %ne3A_2174 : i32 to vector<4x4096xi32>
    %ne3A_2176 = arith.cmpi ne, %and3A_2173, %ne3A_2175 : vector<4x4096xi32>
    %select_n3A_2177 = arith.select %ne3A_2176, %roll3A_2164, %roll3A_2166 : vector<4x4096xi1>, vector<4x4096xf32>
    %select_n3A_2178 = arith.select %ne3A_2176, %roll3A_2168, %roll3A_2170 : vector<4x4096xi1>, vector<4x4096xi32>
    %gt3A_2179 = arith.cmpf ogt, %select_n3A_2161, %select_n3A_2177 : vector<4x4096xf32>
    %eq3A_2180 = arith.cmpf oeq, %select_n3A_2161, %select_n3A_2177 : vector<4x4096xf32>
    %lt3A_2181 = arith.cmpi slt, %select_n3A_2162, %select_n3A_2178 : vector<4x4096xi32>
    %and3A_2182 = arith.andi %eq3A_2180, %lt3A_2181 : vector<4x4096xi1>
    %or3A_2183 = arith.ori %gt3A_2179, %and3A_2182 : vector<4x4096xi1>
    %and3A_2184 = arith.constant 2048 : i32
    %and3A_2185 = vector.broadcast %and3A_2184 : i32 to vector<4x4096xi32>
    %and3A_2186 = arith.andi %iota3A_2, %and3A_2185 : vector<4x4096xi32>
    %eq3A_2187 = arith.constant 0 : i32
    %eq3A_2188 = vector.broadcast %eq3A_2187 : i32 to vector<4x4096xi32>
    %eq3A_2189 = arith.cmpi eq, %and3A_2186, %eq3A_2188 : vector<4x4096xi32>
    %not3A_2190 = arith.constant dense<true> : vector<4x4096xi1>
    %not3A_2191 = arith.xori %ne3A_2176, %not3A_2190 : vector<4x4096xi1>
    %eq3A_2192 = arith.xori %not3A_2191, %eq3A_2189 : vector<4x4096xi1>
    %eq3A_2193 = arith.constant dense<true> : vector<4x4096xi1>
    %eq3A_2194 = arith.xori %eq3A_2192, %eq3A_2193 : vector<4x4096xi1>
    %xor3A_2195 = arith.xori %or3A_2183, %eq3A_2194 : vector<4x4096xi1>
    %select_n3A_2196 = arith.select %xor3A_2195, %select_n3A_2177, %select_n3A_2161 : vector<4x4096xi1>, vector<4x4096xf32>
    %select_n3A_2197 = arith.select %xor3A_2195, %select_n3A_2178, %select_n3A_2162 : vector<4x4096xi1>, vector<4x4096xi32>
    %roll3A_2198 = arith.constant 4 : i32
    %roll3A_2199 = tpu.dynamic_rotate %select_n3A_2196 by %roll3A_2198 dim 1 : vector<4x4096xf32>, i32 -> vector<4x4096xf32>
    %roll3A_2200 = arith.constant 4092 : i32
    %roll3A_2201 = tpu.dynamic_rotate %select_n3A_2196 by %roll3A_2200 dim 1 : vector<4x4096xf32>, i32 -> vector<4x4096xf32>
    %roll3A_2202 = arith.constant 4 : i32
    %roll3A_2203 = tpu.dynamic_rotate %select_n3A_2197 by %roll3A_2202 dim 1 : vector<4x4096xi32>, i32 -> vector<4x4096xi32>
    %roll3A_2204 = arith.constant 4092 : i32
    %roll3A_2205 = tpu.dynamic_rotate %select_n3A_2197 by %roll3A_2204 dim 1 : vector<4x4096xi32>, i32 -> vector<4x4096xi32>
    %and3A_2206 = arith.constant 4 : i32
    %and3A_2207 = vector.broadcast %and3A_2206 : i32 to vector<4x4096xi32>
    %and3A_2208 = arith.andi %iota3A_2, %and3A_2207 : vector<4x4096xi32>
    %ne3A_2209 = arith.constant 0 : i32
    %ne3A_2210 = vector.broadcast %ne3A_2209 : i32 to vector<4x4096xi32>
    %ne3A_2211 = arith.cmpi ne, %and3A_2208, %ne3A_2210 : vector<4x4096xi32>
    %select_n3A_2212 = arith.select %ne3A_2211, %roll3A_2199, %roll3A_2201 : vector<4x4096xi1>, vector<4x4096xf32>
    %select_n3A_2213 = arith.select %ne3A_2211, %roll3A_2203, %roll3A_2205 : vector<4x4096xi1>, vector<4x4096xi32>
    %gt3A_2214 = arith.cmpf ogt, %select_n3A_2196, %select_n3A_2212 : vector<4x4096xf32>
    %eq3A_2215 = arith.cmpf oeq, %select_n3A_2196, %select_n3A_2212 : vector<4x4096xf32>
    %lt3A_2216 = arith.cmpi slt, %select_n3A_2197, %select_n3A_2213 : vector<4x4096xi32>
    %and3A_2217 = arith.andi %eq3A_2215, %lt3A_2216 : vector<4x4096xi1>
    %or3A_2218 = arith.ori %gt3A_2214, %and3A_2217 : vector<4x4096xi1>
    %and3A_2219 = arith.constant 2048 : i32
    %and3A_2220 = vector.broadcast %and3A_2219 : i32 to vector<4x4096xi32>
    %and3A_2221 = arith.andi %iota3A_2, %and3A_2220 : vector<4x4096xi32>
    %eq3A_2222 = arith.constant 0 : i32
    %eq3A_2223 = vector.broadcast %eq3A_2222 : i32 to vector<4x4096xi32>
    %eq3A_2224 = arith.cmpi eq, %and3A_2221, %eq3A_2223 : vector<4x4096xi32>
    %not3A_2225 = arith.constant dense<true> : vector<4x4096xi1>
    %not3A_2226 = arith.xori %ne3A_2211, %not3A_2225 : vector<4x4096xi1>
    %eq3A_2227 = arith.xori %not3A_2226, %eq3A_2224 : vector<4x4096xi1>
    %eq3A_2228 = arith.constant dense<true> : vector<4x4096xi1>
    %eq3A_2229 = arith.xori %eq3A_2227, %eq3A_2228 : vector<4x4096xi1>
    %xor3A_2230 = arith.xori %or3A_2218, %eq3A_2229 : vector<4x4096xi1>
    %select_n3A_2231 = arith.select %xor3A_2230, %select_n3A_2212, %select_n3A_2196 : vector<4x4096xi1>, vector<4x4096xf32>
    %select_n3A_2232 = arith.select %xor3A_2230, %select_n3A_2213, %select_n3A_2197 : vector<4x4096xi1>, vector<4x4096xi32>
    %roll3A_2233 = arith.constant 2 : i32
    %roll3A_2234 = tpu.dynamic_rotate %select_n3A_2231 by %roll3A_2233 dim 1 : vector<4x4096xf32>, i32 -> vector<4x4096xf32>
    %roll3A_2235 = arith.constant 4094 : i32
    %roll3A_2236 = tpu.dynamic_rotate %select_n3A_2231 by %roll3A_2235 dim 1 : vector<4x4096xf32>, i32 -> vector<4x4096xf32>
    %roll3A_2237 = arith.constant 2 : i32
    %roll3A_2238 = tpu.dynamic_rotate %select_n3A_2232 by %roll3A_2237 dim 1 : vector<4x4096xi32>, i32 -> vector<4x4096xi32>
    %roll3A_2239 = arith.constant 4094 : i32
    %roll3A_2240 = tpu.dynamic_rotate %select_n3A_2232 by %roll3A_2239 dim 1 : vector<4x4096xi32>, i32 -> vector<4x4096xi32>
    %and3A_2241 = arith.constant 2 : i32
    %and3A_2242 = vector.broadcast %and3A_2241 : i32 to vector<4x4096xi32>
    %and3A_2243 = arith.andi %iota3A_2, %and3A_2242 : vector<4x4096xi32>
    %ne3A_2244 = arith.constant 0 : i32
    %ne3A_2245 = vector.broadcast %ne3A_2244 : i32 to vector<4x4096xi32>
    %ne3A_2246 = arith.cmpi ne, %and3A_2243, %ne3A_2245 : vector<4x4096xi32>
    %select_n3A_2247 = arith.select %ne3A_2246, %roll3A_2234, %roll3A_2236 : vector<4x4096xi1>, vector<4x4096xf32>
    %select_n3A_2248 = arith.select %ne3A_2246, %roll3A_2238, %roll3A_2240 : vector<4x4096xi1>, vector<4x4096xi32>
    %gt3A_2249 = arith.cmpf ogt, %select_n3A_2231, %select_n3A_2247 : vector<4x4096xf32>
    %eq3A_2250 = arith.cmpf oeq, %select_n3A_2231, %select_n3A_2247 : vector<4x4096xf32>
    %lt3A_2251 = arith.cmpi slt, %select_n3A_2232, %select_n3A_2248 : vector<4x4096xi32>
    %and3A_2252 = arith.andi %eq3A_2250, %lt3A_2251 : vector<4x4096xi1>
    %or3A_2253 = arith.ori %gt3A_2249, %and3A_2252 : vector<4x4096xi1>
    %and3A_2254 = arith.constant 2048 : i32
    %and3A_2255 = vector.broadcast %and3A_2254 : i32 to vector<4x4096xi32>
    %and3A_2256 = arith.andi %iota3A_2, %and3A_2255 : vector<4x4096xi32>
    %eq3A_2257 = arith.constant 0 : i32
    %eq3A_2258 = vector.broadcast %eq3A_2257 : i32 to vector<4x4096xi32>
    %eq3A_2259 = arith.cmpi eq, %and3A_2256, %eq3A_2258 : vector<4x4096xi32>
    %not3A_2260 = arith.constant dense<true> : vector<4x4096xi1>
    %not3A_2261 = arith.xori %ne3A_2246, %not3A_2260 : vector<4x4096xi1>
    %eq3A_2262 = arith.xori %not3A_2261, %eq3A_2259 : vector<4x4096xi1>
    %eq3A_2263 = arith.constant dense<true> : vector<4x4096xi1>
    %eq3A_2264 = arith.xori %eq3A_2262, %eq3A_2263 : vector<4x4096xi1>
    %xor3A_2265 = arith.xori %or3A_2253, %eq3A_2264 : vector<4x4096xi1>
    %select_n3A_2266 = arith.select %xor3A_2265, %select_n3A_2247, %select_n3A_2231 : vector<4x4096xi1>, vector<4x4096xf32>
    %select_n3A_2267 = arith.select %xor3A_2265, %select_n3A_2248, %select_n3A_2232 : vector<4x4096xi1>, vector<4x4096xi32>
    %roll3A_2268 = arith.constant 1 : i32
    %roll3A_2269 = tpu.dynamic_rotate %select_n3A_2266 by %roll3A_2268 dim 1 : vector<4x4096xf32>, i32 -> vector<4x4096xf32>
    %roll3A_2270 = arith.constant 4095 : i32
    %roll3A_2271 = tpu.dynamic_rotate %select_n3A_2266 by %roll3A_2270 dim 1 : vector<4x4096xf32>, i32 -> vector<4x4096xf32>
    %roll3A_2272 = arith.constant 1 : i32
    %roll3A_2273 = tpu.dynamic_rotate %select_n3A_2267 by %roll3A_2272 dim 1 : vector<4x4096xi32>, i32 -> vector<4x4096xi32>
    %roll3A_2274 = arith.constant 4095 : i32
    %roll3A_2275 = tpu.dynamic_rotate %select_n3A_2267 by %roll3A_2274 dim 1 : vector<4x4096xi32>, i32 -> vector<4x4096xi32>
    %and3A_2276 = arith.constant 1 : i32
    %and3A_2277 = vector.broadcast %and3A_2276 : i32 to vector<4x4096xi32>
    %and3A_2278 = arith.andi %iota3A_2, %and3A_2277 : vector<4x4096xi32>
    %ne3A_2279 = arith.constant 0 : i32
    %ne3A_2280 = vector.broadcast %ne3A_2279 : i32 to vector<4x4096xi32>
    %ne3A_2281 = arith.cmpi ne, %and3A_2278, %ne3A_2280 : vector<4x4096xi32>
    %select_n3A_2282 = arith.select %ne3A_2281, %roll3A_2269, %roll3A_2271 : vector<4x4096xi1>, vector<4x4096xf32>
    %select_n3A_2283 = arith.select %ne3A_2281, %roll3A_2273, %roll3A_2275 : vector<4x4096xi1>, vector<4x4096xi32>
    %gt3A_2284 = arith.cmpf ogt, %select_n3A_2266, %select_n3A_2282 : vector<4x4096xf32>
    %eq3A_2285 = arith.cmpf oeq, %select_n3A_2266, %select_n3A_2282 : vector<4x4096xf32>
    %lt3A_2286 = arith.cmpi slt, %select_n3A_2267, %select_n3A_2283 : vector<4x4096xi32>
    %and3A_2287 = arith.andi %eq3A_2285, %lt3A_2286 : vector<4x4096xi1>
    %or3A_2288 = arith.ori %gt3A_2284, %and3A_2287 : vector<4x4096xi1>
    %and3A_2289 = arith.constant 2048 : i32
    %and3A_2290 = vector.broadcast %and3A_2289 : i32 to vector<4x4096xi32>
    %and3A_2291 = arith.andi %iota3A_2, %and3A_2290 : vector<4x4096xi32>
    %eq3A_2292 = arith.constant 0 : i32
    %eq3A_2293 = vector.broadcast %eq3A_2292 : i32 to vector<4x4096xi32>
    %eq3A_2294 = arith.cmpi eq, %and3A_2291, %eq3A_2293 : vector<4x4096xi32>
    %not3A_2295 = arith.constant dense<true> : vector<4x4096xi1>
    %not3A_2296 = arith.xori %ne3A_2281, %not3A_2295 : vector<4x4096xi1>
    %eq3A_2297 = arith.xori %not3A_2296, %eq3A_2294 : vector<4x4096xi1>
    %eq3A_2298 = arith.constant dense<true> : vector<4x4096xi1>
    %eq3A_2299 = arith.xori %eq3A_2297, %eq3A_2298 : vector<4x4096xi1>
    %xor3A_2300 = arith.xori %or3A_2288, %eq3A_2299 : vector<4x4096xi1>
    %select_n3A_2301 = arith.select %xor3A_2300, %select_n3A_2282, %select_n3A_2266 : vector<4x4096xi1>, vector<4x4096xf32>
    %select_n3A_2302 = arith.select %xor3A_2300, %select_n3A_2283, %select_n3A_2267 : vector<4x4096xi1>, vector<4x4096xi32>
    %roll3A_2303 = arith.constant 2048 : i32
    %roll3A_2304 = tpu.dynamic_rotate %select_n3A_2301 by %roll3A_2303 dim 1 : vector<4x4096xf32>, i32 -> vector<4x4096xf32>
    %roll3A_2305 = arith.constant 2048 : i32
    %roll3A_2306 = tpu.dynamic_rotate %select_n3A_2301 by %roll3A_2305 dim 1 : vector<4x4096xf32>, i32 -> vector<4x4096xf32>
    %roll3A_2307 = arith.constant 2048 : i32
    %roll3A_2308 = tpu.dynamic_rotate %select_n3A_2302 by %roll3A_2307 dim 1 : vector<4x4096xi32>, i32 -> vector<4x4096xi32>
    %roll3A_2309 = arith.constant 2048 : i32
    %roll3A_2310 = tpu.dynamic_rotate %select_n3A_2302 by %roll3A_2309 dim 1 : vector<4x4096xi32>, i32 -> vector<4x4096xi32>
    %and3A_2311 = arith.constant 2048 : i32
    %and3A_2312 = vector.broadcast %and3A_2311 : i32 to vector<4x4096xi32>
    %and3A_2313 = arith.andi %iota3A_2, %and3A_2312 : vector<4x4096xi32>
    %ne3A_2314 = arith.constant 0 : i32
    %ne3A_2315 = vector.broadcast %ne3A_2314 : i32 to vector<4x4096xi32>
    %ne3A_2316 = arith.cmpi ne, %and3A_2313, %ne3A_2315 : vector<4x4096xi32>
    %select_n3A_2317 = arith.select %ne3A_2316, %roll3A_2304, %roll3A_2306 : vector<4x4096xi1>, vector<4x4096xf32>
    %select_n3A_2318 = arith.select %ne3A_2316, %roll3A_2308, %roll3A_2310 : vector<4x4096xi1>, vector<4x4096xi32>
    %gt3A_2319 = arith.cmpf ogt, %select_n3A_2301, %select_n3A_2317 : vector<4x4096xf32>
    %eq3A_2320 = arith.cmpf oeq, %select_n3A_2301, %select_n3A_2317 : vector<4x4096xf32>
    %lt3A_2321 = arith.cmpi slt, %select_n3A_2302, %select_n3A_2318 : vector<4x4096xi32>
    %and3A_2322 = arith.andi %eq3A_2320, %lt3A_2321 : vector<4x4096xi1>
    %or3A_2323 = arith.ori %gt3A_2319, %and3A_2322 : vector<4x4096xi1>
    %and3A_2324 = arith.constant 4096 : i32
    %and3A_2325 = vector.broadcast %and3A_2324 : i32 to vector<4x4096xi32>
    %and3A_2326 = arith.andi %iota3A_2, %and3A_2325 : vector<4x4096xi32>
    %eq3A_2327 = arith.constant 0 : i32
    %eq3A_2328 = vector.broadcast %eq3A_2327 : i32 to vector<4x4096xi32>
    %eq3A_2329 = arith.cmpi eq, %and3A_2326, %eq3A_2328 : vector<4x4096xi32>
    %not3A_2330 = arith.constant dense<true> : vector<4x4096xi1>
    %not3A_2331 = arith.xori %ne3A_2316, %not3A_2330 : vector<4x4096xi1>
    %eq3A_2332 = arith.xori %not3A_2331, %eq3A_2329 : vector<4x4096xi1>
    %eq3A_2333 = arith.constant dense<true> : vector<4x4096xi1>
    %eq3A_2334 = arith.xori %eq3A_2332, %eq3A_2333 : vector<4x4096xi1>
    %xor3A_2335 = arith.xori %or3A_2323, %eq3A_2334 : vector<4x4096xi1>
    %select_n3A_2336 = arith.select %xor3A_2335, %select_n3A_2317, %select_n3A_2301 : vector<4x4096xi1>, vector<4x4096xf32>
    %select_n3A_2337 = arith.select %xor3A_2335, %select_n3A_2318, %select_n3A_2302 : vector<4x4096xi1>, vector<4x4096xi32>
    %roll3A_2338 = arith.constant 1024 : i32
    %roll3A_2339 = tpu.dynamic_rotate %select_n3A_2336 by %roll3A_2338 dim 1 : vector<4x4096xf32>, i32 -> vector<4x4096xf32>
    %roll3A_2340 = arith.constant 3072 : i32
    %roll3A_2341 = tpu.dynamic_rotate %select_n3A_2336 by %roll3A_2340 dim 1 : vector<4x4096xf32>, i32 -> vector<4x4096xf32>
    %roll3A_2342 = arith.constant 1024 : i32
    %roll3A_2343 = tpu.dynamic_rotate %select_n3A_2337 by %roll3A_2342 dim 1 : vector<4x4096xi32>, i32 -> vector<4x4096xi32>
    %roll3A_2344 = arith.constant 3072 : i32
    %roll3A_2345 = tpu.dynamic_rotate %select_n3A_2337 by %roll3A_2344 dim 1 : vector<4x4096xi32>, i32 -> vector<4x4096xi32>
    %and3A_2346 = arith.constant 1024 : i32
    %and3A_2347 = vector.broadcast %and3A_2346 : i32 to vector<4x4096xi32>
    %and3A_2348 = arith.andi %iota3A_2, %and3A_2347 : vector<4x4096xi32>
    %ne3A_2349 = arith.constant 0 : i32
    %ne3A_2350 = vector.broadcast %ne3A_2349 : i32 to vector<4x4096xi32>
    %ne3A_2351 = arith.cmpi ne, %and3A_2348, %ne3A_2350 : vector<4x4096xi32>
    %select_n3A_2352 = arith.select %ne3A_2351, %roll3A_2339, %roll3A_2341 : vector<4x4096xi1>, vector<4x4096xf32>
    %select_n3A_2353 = arith.select %ne3A_2351, %roll3A_2343, %roll3A_2345 : vector<4x4096xi1>, vector<4x4096xi32>
    %gt3A_2354 = arith.cmpf ogt, %select_n3A_2336, %select_n3A_2352 : vector<4x4096xf32>
    %eq3A_2355 = arith.cmpf oeq, %select_n3A_2336, %select_n3A_2352 : vector<4x4096xf32>
    %lt3A_2356 = arith.cmpi slt, %select_n3A_2337, %select_n3A_2353 : vector<4x4096xi32>
    %and3A_2357 = arith.andi %eq3A_2355, %lt3A_2356 : vector<4x4096xi1>
    %or3A_2358 = arith.ori %gt3A_2354, %and3A_2357 : vector<4x4096xi1>
    %and3A_2359 = arith.constant 4096 : i32
    %and3A_2360 = vector.broadcast %and3A_2359 : i32 to vector<4x4096xi32>
    %and3A_2361 = arith.andi %iota3A_2, %and3A_2360 : vector<4x4096xi32>
    %eq3A_2362 = arith.constant 0 : i32
    %eq3A_2363 = vector.broadcast %eq3A_2362 : i32 to vector<4x4096xi32>
    %eq3A_2364 = arith.cmpi eq, %and3A_2361, %eq3A_2363 : vector<4x4096xi32>
    %not3A_2365 = arith.constant dense<true> : vector<4x4096xi1>
    %not3A_2366 = arith.xori %ne3A_2351, %not3A_2365 : vector<4x4096xi1>
    %eq3A_2367 = arith.xori %not3A_2366, %eq3A_2364 : vector<4x4096xi1>
    %eq3A_2368 = arith.constant dense<true> : vector<4x4096xi1>
    %eq3A_2369 = arith.xori %eq3A_2367, %eq3A_2368 : vector<4x4096xi1>
    %xor3A_2370 = arith.xori %or3A_2358, %eq3A_2369 : vector<4x4096xi1>
    %select_n3A_2371 = arith.select %xor3A_2370, %select_n3A_2352, %select_n3A_2336 : vector<4x4096xi1>, vector<4x4096xf32>
    %select_n3A_2372 = arith.select %xor3A_2370, %select_n3A_2353, %select_n3A_2337 : vector<4x4096xi1>, vector<4x4096xi32>
    %roll3A_2373 = arith.constant 512 : i32
    %roll3A_2374 = tpu.dynamic_rotate %select_n3A_2371 by %roll3A_2373 dim 1 : vector<4x4096xf32>, i32 -> vector<4x4096xf32>
    %roll3A_2375 = arith.constant 3584 : i32
    %roll3A_2376 = tpu.dynamic_rotate %select_n3A_2371 by %roll3A_2375 dim 1 : vector<4x4096xf32>, i32 -> vector<4x4096xf32>
    %roll3A_2377 = arith.constant 512 : i32
    %roll3A_2378 = tpu.dynamic_rotate %select_n3A_2372 by %roll3A_2377 dim 1 : vector<4x4096xi32>, i32 -> vector<4x4096xi32>
    %roll3A_2379 = arith.constant 3584 : i32
    %roll3A_2380 = tpu.dynamic_rotate %select_n3A_2372 by %roll3A_2379 dim 1 : vector<4x4096xi32>, i32 -> vector<4x4096xi32>
    %and3A_2381 = arith.constant 512 : i32
    %and3A_2382 = vector.broadcast %and3A_2381 : i32 to vector<4x4096xi32>
    %and3A_2383 = arith.andi %iota3A_2, %and3A_2382 : vector<4x4096xi32>
    %ne3A_2384 = arith.constant 0 : i32
    %ne3A_2385 = vector.broadcast %ne3A_2384 : i32 to vector<4x4096xi32>
    %ne3A_2386 = arith.cmpi ne, %and3A_2383, %ne3A_2385 : vector<4x4096xi32>
    %select_n3A_2387 = arith.select %ne3A_2386, %roll3A_2374, %roll3A_2376 : vector<4x4096xi1>, vector<4x4096xf32>
    %select_n3A_2388 = arith.select %ne3A_2386, %roll3A_2378, %roll3A_2380 : vector<4x4096xi1>, vector<4x4096xi32>
    %gt3A_2389 = arith.cmpf ogt, %select_n3A_2371, %select_n3A_2387 : vector<4x4096xf32>
    %eq3A_2390 = arith.cmpf oeq, %select_n3A_2371, %select_n3A_2387 : vector<4x4096xf32>
    %lt3A_2391 = arith.cmpi slt, %select_n3A_2372, %select_n3A_2388 : vector<4x4096xi32>
    %and3A_2392 = arith.andi %eq3A_2390, %lt3A_2391 : vector<4x4096xi1>
    %or3A_2393 = arith.ori %gt3A_2389, %and3A_2392 : vector<4x4096xi1>
    %and3A_2394 = arith.constant 4096 : i32
    %and3A_2395 = vector.broadcast %and3A_2394 : i32 to vector<4x4096xi32>
    %and3A_2396 = arith.andi %iota3A_2, %and3A_2395 : vector<4x4096xi32>
    %eq3A_2397 = arith.constant 0 : i32
    %eq3A_2398 = vector.broadcast %eq3A_2397 : i32 to vector<4x4096xi32>
    %eq3A_2399 = arith.cmpi eq, %and3A_2396, %eq3A_2398 : vector<4x4096xi32>
    %not3A_2400 = arith.constant dense<true> : vector<4x4096xi1>
    %not3A_2401 = arith.xori %ne3A_2386, %not3A_2400 : vector<4x4096xi1>
    %eq3A_2402 = arith.xori %not3A_2401, %eq3A_2399 : vector<4x4096xi1>
    %eq3A_2403 = arith.constant dense<true> : vector<4x4096xi1>
    %eq3A_2404 = arith.xori %eq3A_2402, %eq3A_2403 : vector<4x4096xi1>
    %xor3A_2405 = arith.xori %or3A_2393, %eq3A_2404 : vector<4x4096xi1>
    %select_n3A_2406 = arith.select %xor3A_2405, %select_n3A_2387, %select_n3A_2371 : vector<4x4096xi1>, vector<4x4096xf32>
    %select_n3A_2407 = arith.select %xor3A_2405, %select_n3A_2388, %select_n3A_2372 : vector<4x4096xi1>, vector<4x4096xi32>
    %roll3A_2408 = arith.constant 256 : i32
    %roll3A_2409 = tpu.dynamic_rotate %select_n3A_2406 by %roll3A_2408 dim 1 : vector<4x4096xf32>, i32 -> vector<4x4096xf32>
    %roll3A_2410 = arith.constant 3840 : i32
    %roll3A_2411 = tpu.dynamic_rotate %select_n3A_2406 by %roll3A_2410 dim 1 : vector<4x4096xf32>, i32 -> vector<4x4096xf32>
    %roll3A_2412 = arith.constant 256 : i32
    %roll3A_2413 = tpu.dynamic_rotate %select_n3A_2407 by %roll3A_2412 dim 1 : vector<4x4096xi32>, i32 -> vector<4x4096xi32>
    %roll3A_2414 = arith.constant 3840 : i32
    %roll3A_2415 = tpu.dynamic_rotate %select_n3A_2407 by %roll3A_2414 dim 1 : vector<4x4096xi32>, i32 -> vector<4x4096xi32>
    %and3A_2416 = arith.constant 256 : i32
    %and3A_2417 = vector.broadcast %and3A_2416 : i32 to vector<4x4096xi32>
    %and3A_2418 = arith.andi %iota3A_2, %and3A_2417 : vector<4x4096xi32>
    %ne3A_2419 = arith.constant 0 : i32
    %ne3A_2420 = vector.broadcast %ne3A_2419 : i32 to vector<4x4096xi32>
    %ne3A_2421 = arith.cmpi ne, %and3A_2418, %ne3A_2420 : vector<4x4096xi32>
    %select_n3A_2422 = arith.select %ne3A_2421, %roll3A_2409, %roll3A_2411 : vector<4x4096xi1>, vector<4x4096xf32>
    %select_n3A_2423 = arith.select %ne3A_2421, %roll3A_2413, %roll3A_2415 : vector<4x4096xi1>, vector<4x4096xi32>
    %gt3A_2424 = arith.cmpf ogt, %select_n3A_2406, %select_n3A_2422 : vector<4x4096xf32>
    %eq3A_2425 = arith.cmpf oeq, %select_n3A_2406, %select_n3A_2422 : vector<4x4096xf32>
    %lt3A_2426 = arith.cmpi slt, %select_n3A_2407, %select_n3A_2423 : vector<4x4096xi32>
    %and3A_2427 = arith.andi %eq3A_2425, %lt3A_2426 : vector<4x4096xi1>
    %or3A_2428 = arith.ori %gt3A_2424, %and3A_2427 : vector<4x4096xi1>
    %and3A_2429 = arith.constant 4096 : i32
    %and3A_2430 = vector.broadcast %and3A_2429 : i32 to vector<4x4096xi32>
    %and3A_2431 = arith.andi %iota3A_2, %and3A_2430 : vector<4x4096xi32>
    %eq3A_2432 = arith.constant 0 : i32
    %eq3A_2433 = vector.broadcast %eq3A_2432 : i32 to vector<4x4096xi32>
    %eq3A_2434 = arith.cmpi eq, %and3A_2431, %eq3A_2433 : vector<4x4096xi32>
    %not3A_2435 = arith.constant dense<true> : vector<4x4096xi1>
    %not3A_2436 = arith.xori %ne3A_2421, %not3A_2435 : vector<4x4096xi1>
    %eq3A_2437 = arith.xori %not3A_2436, %eq3A_2434 : vector<4x4096xi1>
    %eq3A_2438 = arith.constant dense<true> : vector<4x4096xi1>
    %eq3A_2439 = arith.xori %eq3A_2437, %eq3A_2438 : vector<4x4096xi1>
    %xor3A_2440 = arith.xori %or3A_2428, %eq3A_2439 : vector<4x4096xi1>
    %select_n3A_2441 = arith.select %xor3A_2440, %select_n3A_2422, %select_n3A_2406 : vector<4x4096xi1>, vector<4x4096xf32>
    %select_n3A_2442 = arith.select %xor3A_2440, %select_n3A_2423, %select_n3A_2407 : vector<4x4096xi1>, vector<4x4096xi32>
    %roll3A_2443 = arith.constant 128 : i32
    %roll3A_2444 = tpu.dynamic_rotate %select_n3A_2441 by %roll3A_2443 dim 1 : vector<4x4096xf32>, i32 -> vector<4x4096xf32>
    %roll3A_2445 = arith.constant 3968 : i32
    %roll3A_2446 = tpu.dynamic_rotate %select_n3A_2441 by %roll3A_2445 dim 1 : vector<4x4096xf32>, i32 -> vector<4x4096xf32>
    %roll3A_2447 = arith.constant 128 : i32
    %roll3A_2448 = tpu.dynamic_rotate %select_n3A_2442 by %roll3A_2447 dim 1 : vector<4x4096xi32>, i32 -> vector<4x4096xi32>
    %roll3A_2449 = arith.constant 3968 : i32
    %roll3A_2450 = tpu.dynamic_rotate %select_n3A_2442 by %roll3A_2449 dim 1 : vector<4x4096xi32>, i32 -> vector<4x4096xi32>
    %and3A_2451 = arith.constant 128 : i32
    %and3A_2452 = vector.broadcast %and3A_2451 : i32 to vector<4x4096xi32>
    %and3A_2453 = arith.andi %iota3A_2, %and3A_2452 : vector<4x4096xi32>
    %ne3A_2454 = arith.constant 0 : i32
    %ne3A_2455 = vector.broadcast %ne3A_2454 : i32 to vector<4x4096xi32>
    %ne3A_2456 = arith.cmpi ne, %and3A_2453, %ne3A_2455 : vector<4x4096xi32>
    %select_n3A_2457 = arith.select %ne3A_2456, %roll3A_2444, %roll3A_2446 : vector<4x4096xi1>, vector<4x4096xf32>
    %select_n3A_2458 = arith.select %ne3A_2456, %roll3A_2448, %roll3A_2450 : vector<4x4096xi1>, vector<4x4096xi32>
    %gt3A_2459 = arith.cmpf ogt, %select_n3A_2441, %select_n3A_2457 : vector<4x4096xf32>
    %eq3A_2460 = arith.cmpf oeq, %select_n3A_2441, %select_n3A_2457 : vector<4x4096xf32>
    %lt3A_2461 = arith.cmpi slt, %select_n3A_2442, %select_n3A_2458 : vector<4x4096xi32>
    %and3A_2462 = arith.andi %eq3A_2460, %lt3A_2461 : vector<4x4096xi1>
    %or3A_2463 = arith.ori %gt3A_2459, %and3A_2462 : vector<4x4096xi1>
    %and3A_2464 = arith.constant 4096 : i32
    %and3A_2465 = vector.broadcast %and3A_2464 : i32 to vector<4x4096xi32>
    %and3A_2466 = arith.andi %iota3A_2, %and3A_2465 : vector<4x4096xi32>
    %eq3A_2467 = arith.constant 0 : i32
    %eq3A_2468 = vector.broadcast %eq3A_2467 : i32 to vector<4x4096xi32>
    %eq3A_2469 = arith.cmpi eq, %and3A_2466, %eq3A_2468 : vector<4x4096xi32>
    %not3A_2470 = arith.constant dense<true> : vector<4x4096xi1>
    %not3A_2471 = arith.xori %ne3A_2456, %not3A_2470 : vector<4x4096xi1>
    %eq3A_2472 = arith.xori %not3A_2471, %eq3A_2469 : vector<4x4096xi1>
    %eq3A_2473 = arith.constant dense<true> : vector<4x4096xi1>
    %eq3A_2474 = arith.xori %eq3A_2472, %eq3A_2473 : vector<4x4096xi1>
    %xor3A_2475 = arith.xori %or3A_2463, %eq3A_2474 : vector<4x4096xi1>
    %select_n3A_2476 = arith.select %xor3A_2475, %select_n3A_2457, %select_n3A_2441 : vector<4x4096xi1>, vector<4x4096xf32>
    %select_n3A_2477 = arith.select %xor3A_2475, %select_n3A_2458, %select_n3A_2442 : vector<4x4096xi1>, vector<4x4096xi32>
    %roll3A_2478 = arith.constant 64 : i32
    %roll3A_2479 = tpu.dynamic_rotate %select_n3A_2476 by %roll3A_2478 dim 1 : vector<4x4096xf32>, i32 -> vector<4x4096xf32>
    %roll3A_2480 = arith.constant 4032 : i32
    %roll3A_2481 = tpu.dynamic_rotate %select_n3A_2476 by %roll3A_2480 dim 1 : vector<4x4096xf32>, i32 -> vector<4x4096xf32>
    %roll3A_2482 = arith.constant 64 : i32
    %roll3A_2483 = tpu.dynamic_rotate %select_n3A_2477 by %roll3A_2482 dim 1 : vector<4x4096xi32>, i32 -> vector<4x4096xi32>
    %roll3A_2484 = arith.constant 4032 : i32
    %roll3A_2485 = tpu.dynamic_rotate %select_n3A_2477 by %roll3A_2484 dim 1 : vector<4x4096xi32>, i32 -> vector<4x4096xi32>
    %and3A_2486 = arith.constant 64 : i32
    %and3A_2487 = vector.broadcast %and3A_2486 : i32 to vector<4x4096xi32>
    %and3A_2488 = arith.andi %iota3A_2, %and3A_2487 : vector<4x4096xi32>
    %ne3A_2489 = arith.constant 0 : i32
    %ne3A_2490 = vector.broadcast %ne3A_2489 : i32 to vector<4x4096xi32>
    %ne3A_2491 = arith.cmpi ne, %and3A_2488, %ne3A_2490 : vector<4x4096xi32>
    %select_n3A_2492 = arith.select %ne3A_2491, %roll3A_2479, %roll3A_2481 : vector<4x4096xi1>, vector<4x4096xf32>
    %select_n3A_2493 = arith.select %ne3A_2491, %roll3A_2483, %roll3A_2485 : vector<4x4096xi1>, vector<4x4096xi32>
    %gt3A_2494 = arith.cmpf ogt, %select_n3A_2476, %select_n3A_2492 : vector<4x4096xf32>
    %eq3A_2495 = arith.cmpf oeq, %select_n3A_2476, %select_n3A_2492 : vector<4x4096xf32>
    %lt3A_2496 = arith.cmpi slt, %select_n3A_2477, %select_n3A_2493 : vector<4x4096xi32>
    %and3A_2497 = arith.andi %eq3A_2495, %lt3A_2496 : vector<4x4096xi1>
    %or3A_2498 = arith.ori %gt3A_2494, %and3A_2497 : vector<4x4096xi1>
    %and3A_2499 = arith.constant 4096 : i32
    %and3A_2500 = vector.broadcast %and3A_2499 : i32 to vector<4x4096xi32>
    %and3A_2501 = arith.andi %iota3A_2, %and3A_2500 : vector<4x4096xi32>
    %eq3A_2502 = arith.constant 0 : i32
    %eq3A_2503 = vector.broadcast %eq3A_2502 : i32 to vector<4x4096xi32>
    %eq3A_2504 = arith.cmpi eq, %and3A_2501, %eq3A_2503 : vector<4x4096xi32>
    %not3A_2505 = arith.constant dense<true> : vector<4x4096xi1>
    %not3A_2506 = arith.xori %ne3A_2491, %not3A_2505 : vector<4x4096xi1>
    %eq3A_2507 = arith.xori %not3A_2506, %eq3A_2504 : vector<4x4096xi1>
    %eq3A_2508 = arith.constant dense<true> : vector<4x4096xi1>
    %eq3A_2509 = arith.xori %eq3A_2507, %eq3A_2508 : vector<4x4096xi1>
    %xor3A_2510 = arith.xori %or3A_2498, %eq3A_2509 : vector<4x4096xi1>
    %select_n3A_2511 = arith.select %xor3A_2510, %select_n3A_2492, %select_n3A_2476 : vector<4x4096xi1>, vector<4x4096xf32>
    %select_n3A_2512 = arith.select %xor3A_2510, %select_n3A_2493, %select_n3A_2477 : vector<4x4096xi1>, vector<4x4096xi32>
    %roll3A_2513 = arith.constant 32 : i32
    %roll3A_2514 = tpu.dynamic_rotate %select_n3A_2511 by %roll3A_2513 dim 1 : vector<4x4096xf32>, i32 -> vector<4x4096xf32>
    %roll3A_2515 = arith.constant 4064 : i32
    %roll3A_2516 = tpu.dynamic_rotate %select_n3A_2511 by %roll3A_2515 dim 1 : vector<4x4096xf32>, i32 -> vector<4x4096xf32>
    %roll3A_2517 = arith.constant 32 : i32
    %roll3A_2518 = tpu.dynamic_rotate %select_n3A_2512 by %roll3A_2517 dim 1 : vector<4x4096xi32>, i32 -> vector<4x4096xi32>
    %roll3A_2519 = arith.constant 4064 : i32
    %roll3A_2520 = tpu.dynamic_rotate %select_n3A_2512 by %roll3A_2519 dim 1 : vector<4x4096xi32>, i32 -> vector<4x4096xi32>
    %and3A_2521 = arith.constant 32 : i32
    %and3A_2522 = vector.broadcast %and3A_2521 : i32 to vector<4x4096xi32>
    %and3A_2523 = arith.andi %iota3A_2, %and3A_2522 : vector<4x4096xi32>
    %ne3A_2524 = arith.constant 0 : i32
    %ne3A_2525 = vector.broadcast %ne3A_2524 : i32 to vector<4x4096xi32>
    %ne3A_2526 = arith.cmpi ne, %and3A_2523, %ne3A_2525 : vector<4x4096xi32>
    %select_n3A_2527 = arith.select %ne3A_2526, %roll3A_2514, %roll3A_2516 : vector<4x4096xi1>, vector<4x4096xf32>
    %select_n3A_2528 = arith.select %ne3A_2526, %roll3A_2518, %roll3A_2520 : vector<4x4096xi1>, vector<4x4096xi32>
    %gt3A_2529 = arith.cmpf ogt, %select_n3A_2511, %select_n3A_2527 : vector<4x4096xf32>
    %eq3A_2530 = arith.cmpf oeq, %select_n3A_2511, %select_n3A_2527 : vector<4x4096xf32>
    %lt3A_2531 = arith.cmpi slt, %select_n3A_2512, %select_n3A_2528 : vector<4x4096xi32>
    %and3A_2532 = arith.andi %eq3A_2530, %lt3A_2531 : vector<4x4096xi1>
    %or3A_2533 = arith.ori %gt3A_2529, %and3A_2532 : vector<4x4096xi1>
    %and3A_2534 = arith.constant 4096 : i32
    %and3A_2535 = vector.broadcast %and3A_2534 : i32 to vector<4x4096xi32>
    %and3A_2536 = arith.andi %iota3A_2, %and3A_2535 : vector<4x4096xi32>
    %eq3A_2537 = arith.constant 0 : i32
    %eq3A_2538 = vector.broadcast %eq3A_2537 : i32 to vector<4x4096xi32>
    %eq3A_2539 = arith.cmpi eq, %and3A_2536, %eq3A_2538 : vector<4x4096xi32>
    %not3A_2540 = arith.constant dense<true> : vector<4x4096xi1>
    %not3A_2541 = arith.xori %ne3A_2526, %not3A_2540 : vector<4x4096xi1>
    %eq3A_2542 = arith.xori %not3A_2541, %eq3A_2539 : vector<4x4096xi1>
    %eq3A_2543 = arith.constant dense<true> : vector<4x4096xi1>
    %eq3A_2544 = arith.xori %eq3A_2542, %eq3A_2543 : vector<4x4096xi1>
    %xor3A_2545 = arith.xori %or3A_2533, %eq3A_2544 : vector<4x4096xi1>
    %select_n3A_2546 = arith.select %xor3A_2545, %select_n3A_2527, %select_n3A_2511 : vector<4x4096xi1>, vector<4x4096xf32>
    %select_n3A_2547 = arith.select %xor3A_2545, %select_n3A_2528, %select_n3A_2512 : vector<4x4096xi1>, vector<4x4096xi32>
    %roll3A_2548 = arith.constant 16 : i32
    %roll3A_2549 = tpu.dynamic_rotate %select_n3A_2546 by %roll3A_2548 dim 1 : vector<4x4096xf32>, i32 -> vector<4x4096xf32>
    %roll3A_2550 = arith.constant 4080 : i32
    %roll3A_2551 = tpu.dynamic_rotate %select_n3A_2546 by %roll3A_2550 dim 1 : vector<4x4096xf32>, i32 -> vector<4x4096xf32>
    %roll3A_2552 = arith.constant 16 : i32
    %roll3A_2553 = tpu.dynamic_rotate %select_n3A_2547 by %roll3A_2552 dim 1 : vector<4x4096xi32>, i32 -> vector<4x4096xi32>
    %roll3A_2554 = arith.constant 4080 : i32
    %roll3A_2555 = tpu.dynamic_rotate %select_n3A_2547 by %roll3A_2554 dim 1 : vector<4x4096xi32>, i32 -> vector<4x4096xi32>
    %and3A_2556 = arith.constant 16 : i32
    %and3A_2557 = vector.broadcast %and3A_2556 : i32 to vector<4x4096xi32>
    %and3A_2558 = arith.andi %iota3A_2, %and3A_2557 : vector<4x4096xi32>
    %ne3A_2559 = arith.constant 0 : i32
    %ne3A_2560 = vector.broadcast %ne3A_2559 : i32 to vector<4x4096xi32>
    %ne3A_2561 = arith.cmpi ne, %and3A_2558, %ne3A_2560 : vector<4x4096xi32>
    %select_n3A_2562 = arith.select %ne3A_2561, %roll3A_2549, %roll3A_2551 : vector<4x4096xi1>, vector<4x4096xf32>
    %select_n3A_2563 = arith.select %ne3A_2561, %roll3A_2553, %roll3A_2555 : vector<4x4096xi1>, vector<4x4096xi32>
    %gt3A_2564 = arith.cmpf ogt, %select_n3A_2546, %select_n3A_2562 : vector<4x4096xf32>
    %eq3A_2565 = arith.cmpf oeq, %select_n3A_2546, %select_n3A_2562 : vector<4x4096xf32>
    %lt3A_2566 = arith.cmpi slt, %select_n3A_2547, %select_n3A_2563 : vector<4x4096xi32>
    %and3A_2567 = arith.andi %eq3A_2565, %lt3A_2566 : vector<4x4096xi1>
    %or3A_2568 = arith.ori %gt3A_2564, %and3A_2567 : vector<4x4096xi1>
    %and3A_2569 = arith.constant 4096 : i32
    %and3A_2570 = vector.broadcast %and3A_2569 : i32 to vector<4x4096xi32>
    %and3A_2571 = arith.andi %iota3A_2, %and3A_2570 : vector<4x4096xi32>
    %eq3A_2572 = arith.constant 0 : i32
    %eq3A_2573 = vector.broadcast %eq3A_2572 : i32 to vector<4x4096xi32>
    %eq3A_2574 = arith.cmpi eq, %and3A_2571, %eq3A_2573 : vector<4x4096xi32>
    %not3A_2575 = arith.constant dense<true> : vector<4x4096xi1>
    %not3A_2576 = arith.xori %ne3A_2561, %not3A_2575 : vector<4x4096xi1>
    %eq3A_2577 = arith.xori %not3A_2576, %eq3A_2574 : vector<4x4096xi1>
    %eq3A_2578 = arith.constant dense<true> : vector<4x4096xi1>
    %eq3A_2579 = arith.xori %eq3A_2577, %eq3A_2578 : vector<4x4096xi1>
    %xor3A_2580 = arith.xori %or3A_2568, %eq3A_2579 : vector<4x4096xi1>
    %select_n3A_2581 = arith.select %xor3A_2580, %select_n3A_2562, %select_n3A_2546 : vector<4x4096xi1>, vector<4x4096xf32>
    %select_n3A_2582 = arith.select %xor3A_2580, %select_n3A_2563, %select_n3A_2547 : vector<4x4096xi1>, vector<4x4096xi32>
    %roll3A_2583 = arith.constant 8 : i32
    %roll3A_2584 = tpu.dynamic_rotate %select_n3A_2581 by %roll3A_2583 dim 1 : vector<4x4096xf32>, i32 -> vector<4x4096xf32>
    %roll3A_2585 = arith.constant 4088 : i32
    %roll3A_2586 = tpu.dynamic_rotate %select_n3A_2581 by %roll3A_2585 dim 1 : vector<4x4096xf32>, i32 -> vector<4x4096xf32>
    %roll3A_2587 = arith.constant 8 : i32
    %roll3A_2588 = tpu.dynamic_rotate %select_n3A_2582 by %roll3A_2587 dim 1 : vector<4x4096xi32>, i32 -> vector<4x4096xi32>
    %roll3A_2589 = arith.constant 4088 : i32
    %roll3A_2590 = tpu.dynamic_rotate %select_n3A_2582 by %roll3A_2589 dim 1 : vector<4x4096xi32>, i32 -> vector<4x4096xi32>
    %and3A_2591 = arith.constant 8 : i32
    %and3A_2592 = vector.broadcast %and3A_2591 : i32 to vector<4x4096xi32>
    %and3A_2593 = arith.andi %iota3A_2, %and3A_2592 : vector<4x4096xi32>
    %ne3A_2594 = arith.constant 0 : i32
    %ne3A_2595 = vector.broadcast %ne3A_2594 : i32 to vector<4x4096xi32>
    %ne3A_2596 = arith.cmpi ne, %and3A_2593, %ne3A_2595 : vector<4x4096xi32>
    %select_n3A_2597 = arith.select %ne3A_2596, %roll3A_2584, %roll3A_2586 : vector<4x4096xi1>, vector<4x4096xf32>
    %select_n3A_2598 = arith.select %ne3A_2596, %roll3A_2588, %roll3A_2590 : vector<4x4096xi1>, vector<4x4096xi32>
    %gt3A_2599 = arith.cmpf ogt, %select_n3A_2581, %select_n3A_2597 : vector<4x4096xf32>
    %eq3A_2600 = arith.cmpf oeq, %select_n3A_2581, %select_n3A_2597 : vector<4x4096xf32>
    %lt3A_2601 = arith.cmpi slt, %select_n3A_2582, %select_n3A_2598 : vector<4x4096xi32>
    %and3A_2602 = arith.andi %eq3A_2600, %lt3A_2601 : vector<4x4096xi1>
    %or3A_2603 = arith.ori %gt3A_2599, %and3A_2602 : vector<4x4096xi1>
    %and3A_2604 = arith.constant 4096 : i32
    %and3A_2605 = vector.broadcast %and3A_2604 : i32 to vector<4x4096xi32>
    %and3A_2606 = arith.andi %iota3A_2, %and3A_2605 : vector<4x4096xi32>
    %eq3A_2607 = arith.constant 0 : i32
    %eq3A_2608 = vector.broadcast %eq3A_2607 : i32 to vector<4x4096xi32>
    %eq3A_2609 = arith.cmpi eq, %and3A_2606, %eq3A_2608 : vector<4x4096xi32>
    %not3A_2610 = arith.constant dense<true> : vector<4x4096xi1>
    %not3A_2611 = arith.xori %ne3A_2596, %not3A_2610 : vector<4x4096xi1>
    %eq3A_2612 = arith.xori %not3A_2611, %eq3A_2609 : vector<4x4096xi1>
    %eq3A_2613 = arith.constant dense<true> : vector<4x4096xi1>
    %eq3A_2614 = arith.xori %eq3A_2612, %eq3A_2613 : vector<4x4096xi1>
    %xor3A_2615 = arith.xori %or3A_2603, %eq3A_2614 : vector<4x4096xi1>
    %select_n3A_2616 = arith.select %xor3A_2615, %select_n3A_2597, %select_n3A_2581 : vector<4x4096xi1>, vector<4x4096xf32>
    %select_n3A_2617 = arith.select %xor3A_2615, %select_n3A_2598, %select_n3A_2582 : vector<4x4096xi1>, vector<4x4096xi32>
    %roll3A_2618 = arith.constant 4 : i32
    %roll3A_2619 = tpu.dynamic_rotate %select_n3A_2616 by %roll3A_2618 dim 1 : vector<4x4096xf32>, i32 -> vector<4x4096xf32>
    %roll3A_2620 = arith.constant 4092 : i32
    %roll3A_2621 = tpu.dynamic_rotate %select_n3A_2616 by %roll3A_2620 dim 1 : vector<4x4096xf32>, i32 -> vector<4x4096xf32>
    %roll3A_2622 = arith.constant 4 : i32
    %roll3A_2623 = tpu.dynamic_rotate %select_n3A_2617 by %roll3A_2622 dim 1 : vector<4x4096xi32>, i32 -> vector<4x4096xi32>
    %roll3A_2624 = arith.constant 4092 : i32
    %roll3A_2625 = tpu.dynamic_rotate %select_n3A_2617 by %roll3A_2624 dim 1 : vector<4x4096xi32>, i32 -> vector<4x4096xi32>
    %and3A_2626 = arith.constant 4 : i32
    %and3A_2627 = vector.broadcast %and3A_2626 : i32 to vector<4x4096xi32>
    %and3A_2628 = arith.andi %iota3A_2, %and3A_2627 : vector<4x4096xi32>
    %ne3A_2629 = arith.constant 0 : i32
    %ne3A_2630 = vector.broadcast %ne3A_2629 : i32 to vector<4x4096xi32>
    %ne3A_2631 = arith.cmpi ne, %and3A_2628, %ne3A_2630 : vector<4x4096xi32>
    %select_n3A_2632 = arith.select %ne3A_2631, %roll3A_2619, %roll3A_2621 : vector<4x4096xi1>, vector<4x4096xf32>
    %select_n3A_2633 = arith.select %ne3A_2631, %roll3A_2623, %roll3A_2625 : vector<4x4096xi1>, vector<4x4096xi32>
    %gt3A_2634 = arith.cmpf ogt, %select_n3A_2616, %select_n3A_2632 : vector<4x4096xf32>
    %eq3A_2635 = arith.cmpf oeq, %select_n3A_2616, %select_n3A_2632 : vector<4x4096xf32>
    %lt3A_2636 = arith.cmpi slt, %select_n3A_2617, %select_n3A_2633 : vector<4x4096xi32>
    %and3A_2637 = arith.andi %eq3A_2635, %lt3A_2636 : vector<4x4096xi1>
    %or3A_2638 = arith.ori %gt3A_2634, %and3A_2637 : vector<4x4096xi1>
    %and3A_2639 = arith.constant 4096 : i32
    %and3A_2640 = vector.broadcast %and3A_2639 : i32 to vector<4x4096xi32>
    %and3A_2641 = arith.andi %iota3A_2, %and3A_2640 : vector<4x4096xi32>
    %eq3A_2642 = arith.constant 0 : i32
    %eq3A_2643 = vector.broadcast %eq3A_2642 : i32 to vector<4x4096xi32>
    %eq3A_2644 = arith.cmpi eq, %and3A_2641, %eq3A_2643 : vector<4x4096xi32>
    %not3A_2645 = arith.constant dense<true> : vector<4x4096xi1>
    %not3A_2646 = arith.xori %ne3A_2631, %not3A_2645 : vector<4x4096xi1>
    %eq3A_2647 = arith.xori %not3A_2646, %eq3A_2644 : vector<4x4096xi1>
    %eq3A_2648 = arith.constant dense<true> : vector<4x4096xi1>
    %eq3A_2649 = arith.xori %eq3A_2647, %eq3A_2648 : vector<4x4096xi1>
    %xor3A_2650 = arith.xori %or3A_2638, %eq3A_2649 : vector<4x4096xi1>
    %select_n3A_2651 = arith.select %xor3A_2650, %select_n3A_2632, %select_n3A_2616 : vector<4x4096xi1>, vector<4x4096xf32>
    %select_n3A_2652 = arith.select %xor3A_2650, %select_n3A_2633, %select_n3A_2617 : vector<4x4096xi1>, vector<4x4096xi32>
    %roll3A_2653 = arith.constant 2 : i32
    %roll3A_2654 = tpu.dynamic_rotate %select_n3A_2651 by %roll3A_2653 dim 1 : vector<4x4096xf32>, i32 -> vector<4x4096xf32>
    %roll3A_2655 = arith.constant 4094 : i32
    %roll3A_2656 = tpu.dynamic_rotate %select_n3A_2651 by %roll3A_2655 dim 1 : vector<4x4096xf32>, i32 -> vector<4x4096xf32>
    %roll3A_2657 = arith.constant 2 : i32
    %roll3A_2658 = tpu.dynamic_rotate %select_n3A_2652 by %roll3A_2657 dim 1 : vector<4x4096xi32>, i32 -> vector<4x4096xi32>
    %roll3A_2659 = arith.constant 4094 : i32
    %roll3A_2660 = tpu.dynamic_rotate %select_n3A_2652 by %roll3A_2659 dim 1 : vector<4x4096xi32>, i32 -> vector<4x4096xi32>
    %and3A_2661 = arith.constant 2 : i32
    %and3A_2662 = vector.broadcast %and3A_2661 : i32 to vector<4x4096xi32>
    %and3A_2663 = arith.andi %iota3A_2, %and3A_2662 : vector<4x4096xi32>
    %ne3A_2664 = arith.constant 0 : i32
    %ne3A_2665 = vector.broadcast %ne3A_2664 : i32 to vector<4x4096xi32>
    %ne3A_2666 = arith.cmpi ne, %and3A_2663, %ne3A_2665 : vector<4x4096xi32>
    %select_n3A_2667 = arith.select %ne3A_2666, %roll3A_2654, %roll3A_2656 : vector<4x4096xi1>, vector<4x4096xf32>
    %select_n3A_2668 = arith.select %ne3A_2666, %roll3A_2658, %roll3A_2660 : vector<4x4096xi1>, vector<4x4096xi32>
    %gt3A_2669 = arith.cmpf ogt, %select_n3A_2651, %select_n3A_2667 : vector<4x4096xf32>
    %eq3A_2670 = arith.cmpf oeq, %select_n3A_2651, %select_n3A_2667 : vector<4x4096xf32>
    %lt3A_2671 = arith.cmpi slt, %select_n3A_2652, %select_n3A_2668 : vector<4x4096xi32>
    %and3A_2672 = arith.andi %eq3A_2670, %lt3A_2671 : vector<4x4096xi1>
    %or3A_2673 = arith.ori %gt3A_2669, %and3A_2672 : vector<4x4096xi1>
    %and3A_2674 = arith.constant 4096 : i32
    %and3A_2675 = vector.broadcast %and3A_2674 : i32 to vector<4x4096xi32>
    %and3A_2676 = arith.andi %iota3A_2, %and3A_2675 : vector<4x4096xi32>
    %eq3A_2677 = arith.constant 0 : i32
    %eq3A_2678 = vector.broadcast %eq3A_2677 : i32 to vector<4x4096xi32>
    %eq3A_2679 = arith.cmpi eq, %and3A_2676, %eq3A_2678 : vector<4x4096xi32>
    %not3A_2680 = arith.constant dense<true> : vector<4x4096xi1>
    %not3A_2681 = arith.xori %ne3A_2666, %not3A_2680 : vector<4x4096xi1>
    %eq3A_2682 = arith.xori %not3A_2681, %eq3A_2679 : vector<4x4096xi1>
    %eq3A_2683 = arith.constant dense<true> : vector<4x4096xi1>
    %eq3A_2684 = arith.xori %eq3A_2682, %eq3A_2683 : vector<4x4096xi1>
    %xor3A_2685 = arith.xori %or3A_2673, %eq3A_2684 : vector<4x4096xi1>
    %select_n3A_2686 = arith.select %xor3A_2685, %select_n3A_2667, %select_n3A_2651 : vector<4x4096xi1>, vector<4x4096xf32>
    %select_n3A_2687 = arith.select %xor3A_2685, %select_n3A_2668, %select_n3A_2652 : vector<4x4096xi1>, vector<4x4096xi32>
    %roll3A_2688 = arith.constant 1 : i32
    %roll3A_2689 = tpu.dynamic_rotate %select_n3A_2686 by %roll3A_2688 dim 1 : vector<4x4096xf32>, i32 -> vector<4x4096xf32>
    %roll3A_2690 = arith.constant 4095 : i32
    %roll3A_2691 = tpu.dynamic_rotate %select_n3A_2686 by %roll3A_2690 dim 1 : vector<4x4096xf32>, i32 -> vector<4x4096xf32>
    %roll3A_2692 = arith.constant 1 : i32
    %roll3A_2693 = tpu.dynamic_rotate %select_n3A_2687 by %roll3A_2692 dim 1 : vector<4x4096xi32>, i32 -> vector<4x4096xi32>
    %roll3A_2694 = arith.constant 4095 : i32
    %roll3A_2695 = tpu.dynamic_rotate %select_n3A_2687 by %roll3A_2694 dim 1 : vector<4x4096xi32>, i32 -> vector<4x4096xi32>
    %and3A_2696 = arith.constant 1 : i32
    %and3A_2697 = vector.broadcast %and3A_2696 : i32 to vector<4x4096xi32>
    %and3A_2698 = arith.andi %iota3A_2, %and3A_2697 : vector<4x4096xi32>
    %ne3A_2699 = arith.constant 0 : i32
    %ne3A_2700 = vector.broadcast %ne3A_2699 : i32 to vector<4x4096xi32>
    %ne3A_2701 = arith.cmpi ne, %and3A_2698, %ne3A_2700 : vector<4x4096xi32>
    %select_n3A_2702 = arith.select %ne3A_2701, %roll3A_2689, %roll3A_2691 : vector<4x4096xi1>, vector<4x4096xf32>
    %select_n3A_2703 = arith.select %ne3A_2701, %roll3A_2693, %roll3A_2695 : vector<4x4096xi1>, vector<4x4096xi32>
    %gt3A_2704 = arith.cmpf ogt, %select_n3A_2686, %select_n3A_2702 : vector<4x4096xf32>
    %eq3A_2705 = arith.cmpf oeq, %select_n3A_2686, %select_n3A_2702 : vector<4x4096xf32>
    %lt3A_2706 = arith.cmpi slt, %select_n3A_2687, %select_n3A_2703 : vector<4x4096xi32>
    %and3A_2707 = arith.andi %eq3A_2705, %lt3A_2706 : vector<4x4096xi1>
    %or3A_2708 = arith.ori %gt3A_2704, %and3A_2707 : vector<4x4096xi1>
    %and3A_2709 = arith.constant 4096 : i32
    %and3A_2710 = vector.broadcast %and3A_2709 : i32 to vector<4x4096xi32>
    %and3A_2711 = arith.andi %iota3A_2, %and3A_2710 : vector<4x4096xi32>
    %eq3A_2712 = arith.constant 0 : i32
    %eq3A_2713 = vector.broadcast %eq3A_2712 : i32 to vector<4x4096xi32>
    %eq3A_2714 = arith.cmpi eq, %and3A_2711, %eq3A_2713 : vector<4x4096xi32>
    %not3A_2715 = arith.constant dense<true> : vector<4x4096xi1>
    %not3A_2716 = arith.xori %ne3A_2701, %not3A_2715 : vector<4x4096xi1>
    %eq3A_2717 = arith.xori %not3A_2716, %eq3A_2714 : vector<4x4096xi1>
    %eq3A_2718 = arith.constant dense<true> : vector<4x4096xi1>
    %eq3A_2719 = arith.xori %eq3A_2717, %eq3A_2718 : vector<4x4096xi1>
    %xor3A_2720 = arith.xori %or3A_2708, %eq3A_2719 : vector<4x4096xi1>
    %select_n3A_2721 = arith.select %xor3A_2720, %select_n3A_2703, %select_n3A_2687 : vector<4x4096xi1>, vector<4x4096xi32>
    %slice3A = vector.extract_strided_slice %select_n3A_2721 {offsets = [0, 0], sizes = [4, 2048], strides = [1, 1]} : vector<4x4096xi32> to vector<4x2048xi32>
    %swap3A = arith.constant 0 : index
    %swap3A_2722 = arith.constant 0 : index
    %swap3A_2723 = vector.load %arg1[%swap3A, %swap3A_2722] : memref<4x2048xi32, #tpu.memory_space<vmem>>, vector<4x2048xi32>
    tpu.vector_store %arg1[%swap3A, %swap3A_2722], %slice3A {strides = array<i32>} : memref<4x2048xi32, #tpu.memory_space<vmem>>, vector<4x2048xi32>,
    %iota3A_2724 = tpu.iota {dimensions = array<i32: 0>} : vector<4x2048xi32>
    %mul3A = arith.constant 4096 : i32
    %mul3A_2725 = vector.broadcast %mul3A : i32 to vector<4x2048xi32>
    %mul3A_2726 = arith.muli %iota3A_2724, %mul3A_2725 : vector<4x2048xi32>
    %add3A = arith.addi %slice3A, %mul3A_2726 : vector<4x2048xi32>
    %swap3A_2727 = arith.constant 0 : index
    %swap3A_2728 = arith.constant 0 : index
    %swap3A_2729 = vector.load %arg2[%swap3A_2727, %swap3A_2728] : memref<4x2048xi32, #tpu.memory_space<vmem>>, vector<4x2048xi32>
    tpu.vector_store %arg2[%swap3A_2727, %swap3A_2728], %add3A {strides = array<i32>} : memref<4x2048xi32, #tpu.memory_space<vmem>>, vector<4x2048xi32>,
    return
  }
}

</mosaic_0001>

<sc_bundles>
// kernel: kernel.4.cloned.1.call-start
scs
__scs_entry_jumppad:
0x0: {  	(pc) =	sbr.rel $0x88, $3  }
0x1: {  	(tag) =	ssettag $0x0;
	lr =	simm.s32 $0x1  }
0x2: {  	[smem:$0x3F9C] =	sst lr;
	_ =	strace $0xD0000000  }
0x3: {  	_ = 	snop  }
0x4: {  	_ = 	snop  }
0x5: {  	_ = 	snop  }
0x6: {  	_ = 	snop  }
0x7: {  	_ = 	snop  }
__scs_overlays_trampoline_lowered:
0x8: {  	[smem:$0x3FAB] =	sst s0  }
0x9: {  	[smem:$0x3FAC] =	sst s1  }
0xa: {  	[smem:$0x3FAD] =	sst s2  }
0xb: {  	[smem:$0x3FAE] =	sst s3  }
0xc: {  	[smem:$0x3FAF] =	sst s4  }
0xd: {  	[smem:$0x3FB0] =	sst s5  }
0xe: {  	[smem:$0x3FB1] =	sst s6  }
0xf: {  	[smem:$0x3FB2] =	sst s7  }
0x10: {  	[smem:$0x3FB3] =	sst s8  }
0x11: {  	[smem:$0x3FB4] =	sst s9;
	s0 =	simm.s32 @!p0 $0x0  }
0x12: {  	s1 =	sld [smem:$0x3F9A];
	s0 =	simm.s32 @p0 $0x1  }
0x13: {  	[smem:$0x3FB5] =	sst s0;
	s0 =	simm.s32 @!p1 $0x0  }
0x14: {  	s2 =	sld [smem:$0x3F99];
	s0 =	simm.s32 @p1 $0x1  }
0x15: {  	[smem:$0x3FB6] =	sst s0;
	s0 =	simm.s32 @!p2 $0x0  }
0x16: {  	s3 =	sld [smem:$0x3FDB];
	s0 =	simm.s32 @p2 $0x1  }
0x17: {  	s4 =	simm.s32 $0x1BF5;
	[smem:$0x3FB8] =	sst s0  }
0x18: {  	s0 =	sld [smem:$0x3F9B];
	_ =	swait.ge [sflag:s4], $0x0  }
0x19: {  	s7 =	sld [smem:$0x3F9C]  }
0x1a: {  	s8 =	sadd.s32 $0xFFFFE003, lr  }
0x1b: {  	s9 =	sadd.s32 $0xFFFFFEF7, lr;
	s5 =	simm.s32 $0xFFFFFFFF;
	p2 =	slt.u32 s8, $0xFFFFF086  }
0x1c: {  	p1 =	slt.u32 s9, $0xF7A;
	s5 =	simm.s32 @!p2 $0x0  }
0x1d: {  	s5 =	simm.s32 @p1 $0x1;
	p0 =	seq.s32 s7, s2  }
0x1e: {  	s7 =	smul.u32 @!p0 $0xF7A, s2;
	p2 =	seq.s32 @!p0 s5, $0x0  }
0x1f: {  	s9 =	smul.u32 $0xF7A, s1;
	s8 =	simm.s32 @!p0 $0x1BF5;
	p2 =	por !p2, p0  }
0x20: {  	[sflag:s8] =	ssyncset.s32 @!p0 $0xFFFFF086;
	s6 =	sadd.s32 @!p0 s3, s7;
	s7 =	simm.s32 @!p0 $0x108  }
0x21: {  	s3 =	sadd.s32 s3, s9;
	s6 =	sadd.s32 @!p0 $0x88, s6;
	s7 =	simm.s32 @p2 $0x1082  }
0x22: {  	[simem:s7], [sflag:s8] =	dma.local @!p0 [hbm:s6], $0xF7A  }
0x23: {  	s9 =	sor.u32 $0xD0000000, s2;
	s6 =	simm.s32 $0x108;
	_ =	swait.ge @!p0 [sflag:s8], $0x0  }
0x24: {  	s3 =	sadd.s32 $0x88, s3;
	s6 =	simm.s32 @!p1 $0x1082;
	[sflag:s4] =	ssyncset.s32 $0xFFFFF086  }
0x25: {  	[simem:s6], [sflag:s4] =	dma.local [hbm:s3], $0xF7A  }
0x26: {  	[smem:$0x3F9C] =	sst s1;
	(tag) =	ssettag s2;
	_ =	strace s9  }
0x27: {  	s1 =	sld [smem:$0x3FAC]  }
0x28: {  	s2 =	sld [smem:$0x3FAD]  }
0x29: {  	s4 =	sld [smem:$0x3FAF]  }
0x2a: {  	p0 =	seq.s32 s5, $0x0;
	s5 =	sld [smem:$0x3FB0]  }
0x2b: {  	s6 =	sld [smem:$0x3FB1]  }
0x2c: {  	s7 =	sld [smem:$0x3FB2]  }
0x2d: {  	s3 =	simm.s32 $0x108;
	s8 =	sld [smem:$0x3FB3]  }
0x2e: {  	s3 =	simm.s32 @!p0 $0x1082;
	s9 =	sld [smem:$0x3FB4]  }
0x2f: {  	lr =	sadd.s32 s0, s3;
	s0 =	sld [smem:$0x3FAB]  }
0x30: {  	s3 =	sld [smem:$0x3FAE]  }
0x31: {  	[smem:$0x3FB7] =	sst s10  }
0x32: {  	s10 =	sld [smem:$0x3FB5];
	_ =	sdelay $0x3  }
0x33: {  	p0 =	seq.s32 s10, $0x1;
	s10 =	sld [smem:$0x3FB7];
	_ =	sdelay $0x3  }
0x34: {  	[smem:$0x3FB7] =	sst s10  }
0x35: {  	s10 =	sld [smem:$0x3FB6];
	_ =	sdelay $0x3  }
0x36: {  	p1 =	seq.s32 s10, $0x1;
	s10 =	sld [smem:$0x3FB7];
	_ =	sdelay $0x3  }
0x37: {  	[smem:$0x3FB7] =	sst s10  }
0x38: {  	s10 =	sld [smem:$0x3FB8]  }
0x39: {  	_ = 	snop;
	(pc) =	sbr.ind lr, $3  }
0x3a: {  	_ = 	snop  }
0x3b: {  	_ = 	snop  }
0x3c: {  	p2 =	seq.s32 s10, $0x1;
	s10 =	sld [smem:$0x3FB7]  }
0x3d: {  	_ =	shalt  }
0x3e: {  	_ =	shalt  }
0x3f: {  	_ =	shalt  }
0x40: {  	_ =	shalt  }
0x41: {  	_ =	shalt  }
0x42: {  	_ =	shalt  }
0x43: {  	_ =	shalt  }
0x44: {  	_ =	shalt  }
0x45: {  	_ =	shalt  }
0x46: {  	_ =	shalt  }
0x47: {  	_ =	shalt  }
0x48: {  	_ =	shalt  }
0x49: {  	_ =	shalt  }
0x4a: {  	_ =	shalt  }
0x4b: {  	_ =	shalt  }
0x4c: {  	_ =	shalt  }
0x4d: {  	_ =	shalt  }
0x4e: {  	_ =	shalt  }
0x4f: {  	_ =	shalt  }
0x50: {  	_ =	shalt  }
0x51: {  	_ =	shalt  }
0x52: {  	_ =	shalt  }
0x53: {  	_ =	shalt  }
0x54: {  	_ =	shalt  }
0x55: {  	_ =	shalt  }
0x56: {  	_ =	shalt  }
0x57: {  	_ =	shalt  }
0x58: {  	_ =	shalt  }
0x59: {  	_ =	shalt  }
0x5a: {  	_ =	shalt  }
0x5b: {  	_ =	shalt  }
0x5c: {  	_ =	shalt  }
0x5d: {  	_ =	shalt  }
0x5e: {  	_ =	shalt  }
0x5f: {  	_ =	shalt  }
0x60: {  	_ =	shalt  }
0x61: {  	_ =	shalt  }
0x62: {  	_ =	shalt  }
0x63: {  	_ =	shalt  }
0x64: {  	_ =	shalt  }
0x65: {  	_ =	shalt  }
0x66: {  	_ =	shalt  }
0x67: {  	_ =	shalt  }
0x68: {  	_ =	shalt  }
0x69: {  	_ =	shalt  }
0x6a: {  	_ =	shalt  }
0x6b: {  	_ =	shalt  }
0x6c: {  	_ =	shalt  }
0x6d: {  	_ =	shalt  }
0x6e: {  	_ =	shalt  }
0x6f: {  	_ =	shalt  }
0x70: {  	_ =	shalt  }
0x71: {  	_ =	shalt  }
0x72: {  	_ =	shalt  }
0x73: {  	_ =	shalt  }
0x74: {  	_ =	shalt  }
0x75: {  	_ =	shalt  }
0x76: {  	_ =	shalt  }
0x77: {  	_ =	shalt  }
0x78: {  	_ =	shalt  }
0x79: {  	_ =	shalt  }
0x7a: {  	_ =	shalt  }
0x7b: {  	_ =	shalt  }
0x7c: {  	_ =	shalt  }
0x7d: {  	_ =	shalt  }
0x7e: {  	_ =	shalt  }
0x7f: {  	_ =	shalt  }
0x80: {  	_ =	shalt  }
0x81: {  	_ =	shalt  }
0x82: {  	_ =	shalt  }
0x83: {  	_ =	shalt  }
0x84: {  	_ =	shalt  }
0x85: {  	_ =	shalt  }
0x86: {  	_ =	shalt  }
0x87: {  	_ =	shalt  }
.Lfunc_end0:
.L_simem_size_0:
called_computation_lowered:
.L_overlay_start_0:
0x88: {  	s2 =	sld [smem:$0x3FD9]  }
0x89: {  	s3 =	sld [smem:$0x3FFE];
	_ =	sdelay $0x1  }
0x8a: {  	s1 =	srdreg.scid  }
0x8b: {  	s0 =	sand.u32 $0x1, s1  }
0x8c: {  	s14 =	sshll.u32 s0, $0xA;
	s2 =	sadd.s32 s3, s2  }
0x8d: {  	s2 =	sadd.s32 s2, s14  }
0x8e: {  	[smem:$0x3FC3] =	sst s2  }
0x8f: {  	_ = 	snop  }
0x90: {  	s2 =	sld [smem:$0x3FD0];
	_ =	sdelay $0x2  }
0x91: {  	s4 =	simm.s32 $0xA;
	s5 =	simm.s32 $0x10;
	s15 =	sld [smem:$0x3FC9]  }
0x92: {  	[smem:s5], [sflag:s4] =	dma.local [hbm:s2], $0x1  }
0x93: {  	_ =	swait.eq [sflag:s4], $0x1  }
0x94: {  	[sflag:s4] =	ssyncset.done $0x0  }
0x95: {  	[sflag:s4] =	ssyncadd.s32 $0xFFFFFFFF  }
0x96: {  	s16 =	sld [smem:$0x10];
	(tm) =	ssettm $0x1  }
0x97: {  	s17 =	sld [smem:$0x3FFB];
	_ =	sdelay $0x3  }
0x98: {  	_ =	strace s17  }
0x99: {  	s4 =	sld [smem:$0x3FFC];
	_ =	sdelay $0x3  }
0x9a: {  	_ =	strace s4  }
0x9b: {  	s4 =	sld [smem:$0x3FFD];
	_ =	sdelay $0x3  }
0x9c: {  	_ =	strace s4  }
0x9d: {  	_ =	strace $0x8FFFFFFF  }
0x9e: {  	s18 =	sld [smem:$0x3FDB];
	_ =	sdelay $0x1  }
0x9f: {  	s19 =	simm.s32 $_scs_section_size  }
0xa0: {  	s6 =	simm.s32 $_size__tile_overlayer_lowered;
	s7 =	simm.s32 $_tile_overlayer_lowered  }
0xa1: {  	s22 =	simm.s32 $0x1BFF;
	s21 =	sshll.u32 s7, $0x1;
	s4 =	sadd.s32 s19, s18  }
0xa2: {  	s8 =	simm.s32 $0x0;
	s20 =	sshll.u32 s6, $0x1;
	s6 =	sadd.s32 s21, s4  }
0xa3: {  	[timem:s8], [sflag:s22] =	dma.local [hbm:s6], s20  }
0xa4: {  	_ =	swait.ge [sflag:s22], s20  }
0xa5: {  	s5 =	ssub.s32 $0x0, s20;
	[sflag:s22] =	ssyncset.done $0x0  }
0xa6: {  	[sflag:s22] =	ssyncadd.s32 s5;
	_ =	sdelay $0x1  }
0xa7: {  	s23 =	simm.s32 $0x1B8B  }
0xa8: {  	_ =	swait.ge [sflag:s23], $0x1  }
0xa9: {  	[sflag:s23] =	ssyncset.done $0x0  }
0xaa: {  	s25 =	simm.s32 $0x1B8E;
	s24 =	sld [smem:$0x3FFE];
	[sflag:s23] =	ssyncadd.s32 $0xFFFFFFFF  }
0xab: {  	s26 =	simm.s32 $execute0_lowered;
	[smem:$0x3FD2] =	sst s25  }
0xac: {  	s6 =	sshll.u32 s26, $0x1;
	_ =	strace $0x80000046;
	[dreg:$0x1] =	wrdreg $0xFFFFFFFF  }
0xad: {  	s28 =	simm.s32 $_size_execute0_lowered;
	s4 =	sadd.s32 s4, s6;
	[dreg:$0x0] =	wrdreg $0x0  }
0xae: {  	s6 =	sshll.u32 s28, $0x1;
	[dreg:$0x2] =	wrdreg s4  }
0xaf: {  	[dreg:$0x3] =	wrdreg s6  }
0xb0: {  	[dreg:$0x4] =	wrdreg $0xC0  }
0xb1: {  	_ =	task [dreg:s8], $0x5FFFF  }
0xb2: {  	[dreg:$0x1] =	wrdreg $0xFFFFFFFF  }
0xb3: {  	[dreg:$0x0] =	wrdreg $0x60  }
0xb4: {  	[dreg:$0x2] =	wrdreg s15  }
0xb5: {  	[dreg:$0x3] =	wrdreg s24  }
0xb6: {  	[dreg:$0x4] =	wrdreg s16  }
0xb7: {  	[dreg:$0x5] =	wrdreg $0x9  }
0xb8: {  	_ =	task.clear_ibuf [dreg:s8], $0x6FFFF;
	_ =	strace $0x90000046  }
0xb9: {  	s29 =	simm.s32 $0x9;
	_ =	strace $0x80000048  }
0xba: {  	_ =	swait.ge [sflag:s29], $0x1  }
0xbb: {  	[sflag:s29] =	ssyncadd.s32 $0xFFFFFFFF  }
0xbc: {  	_ =	strace $0x90000048  }
0xbd: {  	_ =	sfence  }
0xbe: {  	s30 =	sld [smem:$0x0];
	_ =	sdelay $0x2  }
0xbf: {  	s31 =	sshll.u32 s1, $0xD;
	s1 =	sshrl.u32 s1, $0x2  }
0xc0: {  	s3 =	sand.u32 $0x4000, s31;
	s1 =	sadd.s32 s1, s30  }
0xc1: {  	s0 =	sor.u32 s3, s0;
	s1 =	sshll.u32 s1, $0x11  }
0xc2: {  	s0 =	sor.u32 s1, s0  }
0xc3: {  	s0 =	sadd.s32 $0x8F2B, s0  }
0xc4: {  	[sflag:s0] =	ssyncadd.remote.s32 $0x1  }
0xc5: {  	_ =	sfence.sel $0xFFFF  }
0xc6: {  	[dreg:$0x0] =	wrdreg $0xFFFFFFFF;
	(pc) =	sbr.abs _section_cstart, $3  }
0xc7: {  	[dreg:$0x1] =	wrdreg $0xFFFFFFFF  }
0xc8: {  	_ =	task.clear_ibuf [dreg:s8], $0x2FFFF;
	_ =	strace $0x9FFFFFFF  }
0xc9: {  	(tm) =	ssettm $0x7FFFFFFF  }
tec
execute0_lowered:
.L_overlay_start_1:
0x0: {  	(tag) =	ssettag $0x1  }
0x1: {  	s1 =	rddreg [dreg:$0x0]  }
0x2: {  	s0 =	srdreg.scid;
	s2 =	rddreg [dreg:$0x1]  }
0x3: {  	s3 =	stileid.u32;
	s5 =	rddreg [dreg:$0x2]  }
0x4: {  	s9 =	simm.s32 $0x3;
	s10 =	simm.s32 $0x100;
	s28 =	simm.s32 $0x2900  }
0x5: {  	s29 =	simm.s32 $0x3100;
	s30 =	simm.s32 $0x3900;
	s31 =	simm.s32 $0x4100  }
0x6: {  	s17 =	simm.s32 $0x4900;
	s16 =	simm.s32 $0x5100;
	s0 =	sand.u32 $0x1, s0  }
0x7: {  	s11 =	simm.s32 $0x6100;
	s3 =	sshll.u32 s3, $0x9;
	s4 =	sshll.u32 s0, $0x8  }
0x8: {  	s12 =	simm.s32 $0x6900;
	s13 =	simm.s32 $0x7100;
	s4 =	sor.u32 s4, s3  }
0x9: {  	s3 =	simm.s32 $0x0;
	s6 =	sshrl.u32 s4, $0x3;
	s4 =	sshll.u32 s4, $0x7  }
0xa: {  	[smem:$0x7FF] =	sst s3;
	s2 =	sadd.s32 s6, s2;
	s18 =	sadd.s32 s5, s4  }
0xb: {  	_ =	strace $0x80000047;
	s2 =	sadd.s32 $0x600, s2;
	[dreg:$0xc] =	wrdreg s18  }
0xc: {  	s14 =	simm.s32 $0x7900;
	s19 =	sadd.s32 $0x1000, s18;
	[dreg:$0x4] =	wrdreg s2  }
0xd: {  	s7 =	sadd.s32 $0x300, s1;
	s20 =	sadd.s32 $0x2000, s18;
	[dreg:$0x5] =	wrdreg s19  }
0xe: {  	s0 =	ssub.s32 $0x2, s0;
	s21 =	sadd.s32 $0x3000, s18;
	[dreg:$0x6] =	wrdreg s20  }
0xf: {  	s23 =	sshrl.u32 s0, $0x1;
	s22 =	sadd.s32 $0x4000, s18;
	[dreg:$0x7] =	wrdreg s21  }
0x10: {  	s0 =	ssub.s32 s0, s23;
	s24 =	sadd.s32 $0x5000, s18;
	[dreg:$0x8] =	wrdreg s22  }
0x11: {  	s23 =	simm.s32 $0x1100;
	s25 =	sadd.s32 $0x6000, s18;
	[dreg:$0x9] =	wrdreg s24  }
0x12: {  	s5 =	sadd.s32 $0x100, s1;
	s26 =	sadd.s32 $0x7000, s18;
	[dreg:$0xa] =	wrdreg s25  }
0x13: {  	v2 =	vlaneseq.u32;
	s6 =	sadd.s32 $0x200, s1;
	s8 =	smax.u32 s0, $0x1;
	[dreg:$0xb] =	wrdreg s26  }
0x14: {  	vm0 =	vmmov $0xffff;
	v1 =	vshrl.u32 v2, $0x3;
	s26 =	simm.s32 $0x8100;
	s19 =	simm.s32 $0x1;
	s20 =	simm.s32 $0x2  }
0x15: {  	v0 =	vand.u32 $0x7, v2;
	v2 =	vor.u32 $0x8, v2;
	v1 =	vmul.u32 $0x8, v1;
	s22 =	simm.s32 $0x900;
	s24 =	simm.s32 $0x1900;
	s25 =	simm.s32 $0x2100  }
.LBB2_1:
0x16: {  	s21 =	rddreg [dreg:$0x4]  }
0x17: {  	[tilespmem:s3], [sflag:$0x3] =	stream.linear.gather [hbm4b:s21+s3], $0x100, $0x38;
	[tilespmem:$0x10100] =	vst v63  }
0x18: {  	_ =	swait.ge [sflag:s9], $0x100  }
0x19: {  	[sflag:s9] =	ssyncset.done $0x0  }
0x1a: {  	[sflag:s9] =	ssyncadd.s32 $0xFFFFFF00  }
0x1b: {  	v3 =	vld [tilespmem:$0x0];
	_ =	sdelay $0x4  }
0x1c: {  	v4 =	vshll.u32 v3, $0x3  }
0x1d: {  	v3 =	vand.u32 $0x7, v3;
	v4 =	vand.u32 $0xFFFFFFC0, v4  }
0x1e: {  	v3 =	vor.u32 v3, v4  }
0x1f: {  	v4 =	vperm.xlane v3, v0;
	_ =	sdelay $0x1  }
0x20: {  	v4 =	vadd.s32 v1, v4;
	_ =	sdelay $0x4  }
0x21: {  	[tilespmem:s10], [sflag:$0x1] =	stream.indirect_vreg.gather [hbm4b:s1+s3], $0x80, v4, vm0, $0xb8;
	[tilespmem:$0x10100] =	vst v63  }
0x22: {  	v3 =	vperm.xlane v3, v2  }
0x23: {  	[tilespmem:s22], [sflag:$0x1] =	stream.indirect_vreg.gather [hbm4b:s5+s3], $0x80, v4, vm0, $0xb8;
	[tilespmem:$0x10100] =	vst v63  }
0x24: {  	v3 =	vadd.s32 v1, v3  }
0x25: {  	[tilespmem:s23], [sflag:$0x1] =	stream.indirect_vreg.gather [hbm4b:s6+s3], $0x80, v4, vm0, $0xb8;
	[tilespmem:$0x10100] =	vst v63  }
0x26: {  	_ = 	snop  }
0x27: {  	[tilespmem:s24], [sflag:$0x1] =	stream.indirect_vreg.gather [hbm4b:s7+s3], $0x80, v4, vm0, $0xb8;
	[tilespmem:$0x10100] =	vst v63  }
0x28: {  	_ = 	snop  }
0x29: {  	[tilespmem:s25], [sflag:$0x1] =	stream.indirect_vreg.gather [hbm4b:s1+s3], $0x80, v3, vm0, $0xb8;
	[tilespmem:$0x10100] =	vst v63  }
0x2a: {  	_ = 	snop  }
0x2b: {  	[tilespmem:s28], [sflag:$0x1] =	stream.indirect_vreg.gather [hbm4b:s5+s3], $0x80, v3, vm0, $0xb8;
	[tilespmem:$0x10100] =	vst v63  }
0x2c: {  	_ = 	snop  }
0x2d: {  	[tilespmem:s29], [sflag:$0x1] =	stream.indirect_vreg.gather [hbm4b:s6+s3], $0x80, v3, vm0, $0xb8;
	[tilespmem:$0x10100] =	vst v63  }
0x2e: {  	_ = 	snop  }
0x2f: {  	[tilespmem:s30], [sflag:$0x1] =	stream.indirect_vreg.gather [hbm4b:s7+s3], $0x80, v3, vm0, $0xb8;
	[tilespmem:$0x10100] =	vst v63  }
0x30: {  	v3 =	vld [tilespmem:$0x10];
	_ =	sdelay $0x4  }
0x31: {  	v49 =	vshll.u32 v3, $0x3  }
0x32: {  	v3 =	vand.u32 $0x7, v3;
	v4 =	vand.u32 $0xFFFFFFC0, v49  }
0x33: {  	v3 =	vor.u32 v3, v4  }
0x34: {  	v4 =	vperm.xlane v3, v0;
	_ =	sdelay $0x1  }
0x35: {  	v4 =	vadd.s32 v1, v4;
	_ =	sdelay $0x4  }
0x36: {  	[tilespmem:s31], [sflag:$0x1] =	stream.indirect_vreg.gather [hbm4b:s1+s3], $0x80, v4, vm0, $0xb8;
	[tilespmem:$0x10100] =	vst v63  }
0x37: {  	v3 =	vperm.xlane v3, v2  }
0x38: {  	[tilespmem:s17], [sflag:$0x1] =	stream.indirect_vreg.gather [hbm4b:s5+s3], $0x80, v4, vm0, $0xb8;
	[tilespmem:$0x10100] =	vst v63  }
0x39: {  	v3 =	vadd.s32 v1, v3  }
0x3a: {  	[tilespmem:s16], [sflag:$0x1] =	stream.indirect_vreg.gather [hbm4b:s6+s3], $0x80, v4, vm0, $0xb8;
	[tilespmem:$0x10100] =	vst v63  }
0x3b: {  	s4 =	simm.s32 $0x5900  }
0x3c: {  	[tilespmem:s4], [sflag:$0x1] =	stream.indirect_vreg.gather [hbm4b:s7+s3], $0x80, v4, vm0, $0xb8;
	[tilespmem:$0x10100] =	vst v63  }
0x3d: {  	_ = 	snop  }
0x3e: {  	[tilespmem:s11], [sflag:$0x1] =	stream.indirect_vreg.gather [hbm4b:s1+s3], $0x80, v3, vm0, $0xb8;
	[tilespmem:$0x10100] =	vst v63  }
0x3f: {  	_ = 	snop  }
0x40: {  	[tilespmem:s12], [sflag:$0x1] =	stream.indirect_vreg.gather [hbm4b:s5+s3], $0x80, v3, vm0, $0xb8;
	[tilespmem:$0x10100] =	vst v63  }
0x41: {  	_ = 	snop  }
0x42: {  	[tilespmem:s13], [sflag:$0x1] =	stream.indirect_vreg.gather [hbm4b:s6+s3], $0x80, v3, vm0, $0xb8;
	[tilespmem:$0x10100] =	vst v63  }
0x43: {  	_ = 	snop  }
0x44: {  	[tilespmem:s14], [sflag:$0x1] =	stream.indirect_vreg.gather [hbm4b:s7+s3], $0x80, v3, vm0, $0xb8;
	[tilespmem:$0x10100] =	vst v63  }
0x45: {  	v3 =	vld [tilespmem:$0x20];
	_ =	sdelay $0x4  }
0x46: {  	v50 =	vshll.u32 v3, $0x3  }
0x47: {  	v3 =	vand.u32 $0x7, v3;
	v4 =	vand.u32 $0xFFFFFFC0, v50  }
0x48: {  	v3 =	vor.u32 v3, v4  }
0x49: {  	v4 =	vperm.xlane v3, v0;
	_ =	sdelay $0x1  }
0x4a: {  	v4 =	vadd.s32 v1, v4;
	_ =	sdelay $0x4  }
0x4b: {  	[tilespmem:s26], [sflag:$0x2] =	stream.indirect_vreg.gather [hbm4b:s1+s3], $0x80, v4, vm0, $0xb8;
	[tilespmem:$0x10100] =	vst v63  }
0x4c: {  	s15 =	simm.s32 $0x8900;
	v3 =	vperm.xlane v3, v2  }
0x4d: {  	[tilespmem:s15], [sflag:$0x2] =	stream.indirect_vreg.gather [hbm4b:s5+s3], $0x80, v4, vm0, $0xb8;
	[tilespmem:$0x10100] =	vst v63  }
0x4e: {  	s18 =	simm.s32 $0x9100;
	v3 =	vadd.s32 v1, v3  }
0x4f: {  	[tilespmem:s18], [sflag:$0x2] =	stream.indirect_vreg.gather [hbm4b:s6+s3], $0x80, v4, vm0, $0xb8;
	[tilespmem:$0x10100] =	vst v63  }
0x50: {  	s21 =	simm.s32 $0x9900  }
0x51: {  	[tilespmem:s21], [sflag:$0x2] =	stream.indirect_vreg.gather [hbm4b:s7+s3], $0x80, v4, vm0, $0xb8;
	[tilespmem:$0x10100] =	vst v63  }
0x52: {  	s2 =	simm.s32 $0xA100  }
0x53: {  	[tilespmem:s2], [sflag:$0x2] =	stream.indirect_vreg.gather [hbm4b:s1+s3], $0x80, v3, vm0, $0xb8;
	[tilespmem:$0x10100] =	vst v63  }
0x54: {  	s18 =	simm.s32 $0xA900  }
0x55: {  	[tilespmem:s18], [sflag:$0x2] =	stream.indirect_vreg.gather [hbm4b:s5+s3], $0x80, v3, vm0, $0xb8;
	[tilespmem:$0x10100] =	vst v63  }
0x56: {  	s2 =	simm.s32 $0xB100  }
0x57: {  	[tilespmem:s2], [sflag:$0x2] =	stream.indirect_vreg.gather [hbm4b:s6+s3], $0x80, v3, vm0, $0xb8;
	[tilespmem:$0x10100] =	vst v63  }
0x58: {  	s15 =	simm.s32 $0xB900  }
0x59: {  	[tilespmem:s15], [sflag:$0x2] =	stream.indirect_vreg.gather [hbm4b:s7+s3], $0x80, v3, vm0, $0xb8;
	[tilespmem:$0x10100] =	vst v63  }
0x5a: {  	v3 =	vld [tilespmem:$0x30];
	_ =	sdelay $0x4  }
0x5b: {  	v51 =	vshll.u32 v3, $0x3  }
0x5c: {  	v3 =	vand.u32 $0x7, v3;
	v4 =	vand.u32 $0xFFFFFFC0, v51  }
0x5d: {  	v3 =	vor.u32 v3, v4  }
0x5e: {  	v4 =	vperm.xlane v3, v0;
	_ =	sdelay $0x1  }
0x5f: {  	v4 =	vadd.s32 v1, v4;
	_ =	sdelay $0x3  }
0x60: {  	s18 =	simm.s32 $0xC100  }
0x61: {  	[tilespmem:s18], [sflag:$0x2] =	stream.indirect_vreg.gather [hbm4b:s1+s3], $0x80, v4, vm0, $0xb8;
	[tilespmem:$0x10100] =	vst v63  }
0x62: {  	s2 =	simm.s32 $0xC900;
	v3 =	vperm.xlane v3, v2  }
0x63: {  	[tilespmem:s2], [sflag:$0x2] =	stream.indirect_vreg.gather [hbm4b:s5+s3], $0x80, v4, vm0, $0xb8;
	[tilespmem:$0x10100] =	vst v63  }
0x64: {  	v3 =	vadd.s32 v1, v3;
	s2 =	simm.s32 $0xD100  }
0x65: {  	[tilespmem:s2], [sflag:$0x2] =	stream.indirect_vreg.gather [hbm4b:s6+s3], $0x80, v4, vm0, $0xb8;
	[tilespmem:$0x10100] =	vst v63  }
0x66: {  	s2 =	simm.s32 $0xD900  }
0x67: {  	[tilespmem:s2], [sflag:$0x2] =	stream.indirect_vreg.gather [hbm4b:s7+s3], $0x80, v4, vm0, $0xb8;
	[tilespmem:$0x10100] =	vst v63  }
0x68: {  	s2 =	simm.s32 $0xE100  }
0x69: {  	[tilespmem:s2], [sflag:$0x2] =	stream.indirect_vreg.gather [hbm4b:s1+s3], $0x80, v3, vm0, $0xb8;
	[tilespmem:$0x10100] =	vst v63  }
0x6a: {  	s2 =	simm.s32 $0xE900  }
0x6b: {  	[tilespmem:s2], [sflag:$0x2] =	stream.indirect_vreg.gather [hbm4b:s5+s3], $0x80, v3, vm0, $0xb8;
	[tilespmem:$0x10100] =	vst v63  }
0x6c: {  	s2 =	simm.s32 $0xF100  }
0x6d: {  	[tilespmem:s2], [sflag:$0x2] =	stream.indirect_vreg.gather [hbm4b:s6+s3], $0x80, v3, vm0, $0xb8;
	[tilespmem:$0x10100] =	vst v63  }
0x6e: {  	s2 =	simm.s32 $0xF900  }
0x6f: {  	[tilespmem:s2], [sflag:$0x2] =	stream.indirect_vreg.gather [hbm4b:s7+s3], $0x80, v3, vm0, $0xb8;
	[tilespmem:$0x10100] =	vst v63  }
0x70: {  	_ =	swait.ge [sflag:s19], $0x8000  }
0x71: {  	[sflag:s19] =	ssyncset.done $0x0  }
0x72: {  	s2 =	rddreg [dreg:$0xc];
	[sflag:s19] =	ssyncadd.s32 $0xFFFF8000  }
0x73: {  	[hbm4b:s2+s3] =	stream.linear.scatter [tilespmem:s10], [sflag:$0x3], $0x8000, $0x38;
	[tilespmem:$0x10100] =	vst v63  }
0x74: {  	_ =	swait.ge [sflag:s9], $0x8000  }
0x75: {  	[sflag:s9] =	ssyncset.done $0x0  }
0x76: {  	[sflag:s9] =	ssyncadd.s32 $0xFFFF8000  }
0x77: {  	v3 =	vld [tilespmem:$0x40];
	_ =	sdelay $0x4  }
0x78: {  	v52 =	vshll.u32 v3, $0x3  }
0x79: {  	v3 =	vand.u32 $0x7, v3;
	v4 =	vand.u32 $0xFFFFFFC0, v52  }
0x7a: {  	v3 =	vor.u32 v3, v4  }
0x7b: {  	v4 =	vperm.xlane v3, v0;
	_ =	sdelay $0x1  }
0x7c: {  	v4 =	vadd.s32 v1, v4;
	_ =	sdelay $0x4  }
0x7d: {  	[tilespmem:s10], [sflag:$0x1] =	stream.indirect_vreg.gather [hbm4b:s1+s3], $0x80, v4, vm0, $0xb8;
	[tilespmem:$0x10100] =	vst v63  }
0x7e: {  	v3 =	vperm.xlane v3, v2  }
0x7f: {  	[tilespmem:s22], [sflag:$0x1] =	stream.indirect_vreg.gather [hbm4b:s5+s3], $0x80, v4, vm0, $0xb8;
	[tilespmem:$0x10100] =	vst v63  }
0x80: {  	v3 =	vadd.s32 v1, v3  }
0x81: {  	[tilespmem:s23], [sflag:$0x1] =	stream.indirect_vreg.gather [hbm4b:s6+s3], $0x80, v4, vm0, $0xb8;
	[tilespmem:$0x10100] =	vst v63  }
0x82: {  	_ = 	snop  }
0x83: {  	[tilespmem:s24], [sflag:$0x1] =	stream.indirect_vreg.gather [hbm4b:s7+s3], $0x80, v4, vm0, $0xb8;
	[tilespmem:$0x10100] =	vst v63  }
0x84: {  	_ = 	snop  }
0x85: {  	[tilespmem:s25], [sflag:$0x1] =	stream.indirect_vreg.gather [hbm4b:s1+s3], $0x80, v3, vm0, $0xb8;
	[tilespmem:$0x10100] =	vst v63  }
0x86: {  	_ = 	snop  }
0x87: {  	[tilespmem:s28], [sflag:$0x1] =	stream.indirect_vreg.gather [hbm4b:s5+s3], $0x80, v3, vm0, $0xb8;
	[tilespmem:$0x10100] =	vst v63  }
0x88: {  	_ = 	snop  }
0x89: {  	[tilespmem:s29], [sflag:$0x1] =	stream.indirect_vreg.gather [hbm4b:s6+s3], $0x80, v3, vm0, $0xb8;
	[tilespmem:$0x10100] =	vst v63  }
0x8a: {  	_ = 	snop  }
0x8b: {  	[tilespmem:s30], [sflag:$0x1] =	stream.indirect_vreg.gather [hbm4b:s7+s3], $0x80, v3, vm0, $0xb8;
	[tilespmem:$0x10100] =	vst v63  }
0x8c: {  	v3 =	vld [tilespmem:$0x50];
	_ =	sdelay $0x4  }
0x8d: {  	v53 =	vshll.u32 v3, $0x3  }
0x8e: {  	v3 =	vand.u32 $0x7, v3;
	v4 =	vand.u32 $0xFFFFFFC0, v53  }
0x8f: {  	v3 =	vor.u32 v3, v4  }
0x90: {  	v4 =	vperm.xlane v3, v0;
	_ =	sdelay $0x1  }
0x91: {  	v4 =	vadd.s32 v1, v4;
	_ =	sdelay $0x4  }
0x92: {  	[tilespmem:s31], [sflag:$0x1] =	stream.indirect_vreg.gather [hbm4b:s1+s3], $0x80, v4, vm0, $0xb8;
	[tilespmem:$0x10100] =	vst v63  }
0x93: {  	v3 =	vperm.xlane v3, v2  }
0x94: {  	[tilespmem:s17], [sflag:$0x1] =	stream.indirect_vreg.gather [hbm4b:s5+s3], $0x80, v4, vm0, $0xb8;
	[tilespmem:$0x10100] =	vst v63  }
0x95: {  	v3 =	vadd.s32 v1, v3  }
0x96: {  	[tilespmem:s16], [sflag:$0x1] =	stream.indirect_vreg.gather [hbm4b:s6+s3], $0x80, v4, vm0, $0xb8;
	[tilespmem:$0x10100] =	vst v63  }
0x97: {  	_ = 	snop  }
0x98: {  	[tilespmem:s4], [sflag:$0x1] =	stream.indirect_vreg.gather [hbm4b:s7+s3], $0x80, v4, vm0, $0xb8;
	[tilespmem:$0x10100] =	vst v63  }
0x99: {  	_ = 	snop  }
0x9a: {  	[tilespmem:s11], [sflag:$0x1] =	stream.indirect_vreg.gather [hbm4b:s1+s3], $0x80, v3, vm0, $0xb8;
	[tilespmem:$0x10100] =	vst v63  }
0x9b: {  	_ = 	snop  }
0x9c: {  	[tilespmem:s12], [sflag:$0x1] =	stream.indirect_vreg.gather [hbm4b:s5+s3], $0x80, v3, vm0, $0xb8;
	[tilespmem:$0x10100] =	vst v63  }
0x9d: {  	_ = 	snop  }
0x9e: {  	[tilespmem:s13], [sflag:$0x1] =	stream.indirect_vreg.gather [hbm4b:s6+s3], $0x80, v3, vm0, $0xb8;
	[tilespmem:$0x10100] =	vst v63  }
0x9f: {  	_ = 	snop  }
0xa0: {  	[tilespmem:s14], [sflag:$0x1] =	stream.indirect_vreg.gather [hbm4b:s7+s3], $0x80, v3, vm0, $0xb8;
	[tilespmem:$0x10100] =	vst v63  }
0xa1: {  	_ =	swait.ge [sflag:s20], $0x8000  }
0xa2: {  	[sflag:s20] =	ssyncset.done $0x0  }
0xa3: {  	s2 =	rddreg [dreg:$0x5];
	[sflag:s20] =	ssyncadd.s32 $0xFFFF8000  }
0xa4: {  	[hbm4b:s2+s3] =	stream.linear.scatter [tilespmem:s26], [sflag:$0x3], $0x8000, $0x38;
	[tilespmem:$0x10100] =	vst v63  }
0xa5: {  	_ =	swait.ge [sflag:s9], $0x8000  }
0xa6: {  	[sflag:s9] =	ssyncset.done $0x0  }
0xa7: {  	[sflag:s9] =	ssyncadd.s32 $0xFFFF8000  }
0xa8: {  	v3 =	vld [tilespmem:$0x60];
	_ =	sdelay $0x4  }
0xa9: {  	v54 =	vshll.u32 v3, $0x3  }
0xaa: {  	v3 =	vand.u32 $0x7, v3;
	v4 =	vand.u32 $0xFFFFFFC0, v54  }
0xab: {  	v3 =	vor.u32 v3, v4  }
0xac: {  	v4 =	vperm.xlane v3, v0;
	_ =	sdelay $0x1  }
0xad: {  	v4 =	vadd.s32 v1, v4;
	_ =	sdelay $0x4  }
0xae: {  	[tilespmem:s26], [sflag:$0x2] =	stream.indirect_vreg.gather [hbm4b:s1+s3], $0x80, v4, vm0, $0xb8;
	[tilespmem:$0x10100] =	vst v63  }
0xaf: {  	s0 =	simm.s32 $0x8900;
	v3 =	vperm.xlane v3, v2  }
0xb0: {  	[tilespmem:s0], [sflag:$0x2] =	stream.indirect_vreg.gather [hbm4b:s5+s3], $0x80, v4, vm0, $0xb8;
	[tilespmem:$0x10100] =	vst v63  }
0xb1: {  	v3 =	vadd.s32 v1, v3;
	s0 =	simm.s32 $0x9100  }
0xb2: {  	[tilespmem:s0], [sflag:$0x2] =	stream.indirect_vreg.gather [hbm4b:s6+s3], $0x80, v4, vm0, $0xb8;
	[tilespmem:$0x10100] =	vst v63  }
0xb3: {  	s2 =	simm.s32 $0x9900  }
0xb4: {  	[tilespmem:s2], [sflag:$0x2] =	stream.indirect_vreg.gather [hbm4b:s7+s3], $0x80, v4, vm0, $0xb8;
	[tilespmem:$0x10100] =	vst v63  }
0xb5: {  	s21 =	simm.s32 $0xA100  }
0xb6: {  	[tilespmem:s21], [sflag:$0x2] =	stream.indirect_vreg.gather [hbm4b:s1+s3], $0x80, v3, vm0, $0xb8;
	[tilespmem:$0x10100] =	vst v63  }
0xb7: {  	s21 =	simm.s32 $0xA900  }
0xb8: {  	[tilespmem:s21], [sflag:$0x2] =	stream.indirect_vreg.gather [hbm4b:s5+s3], $0x80, v3, vm0, $0xb8;
	[tilespmem:$0x10100] =	vst v63  }
0xb9: {  	s21 =	simm.s32 $0xB100  }
0xba: {  	[tilespmem:s21], [sflag:$0x2] =	stream.indirect_vreg.gather [hbm4b:s6+s3], $0x80, v3, vm0, $0xb8;
	[tilespmem:$0x10100] =	vst v63  }
0xbb: {  	s15 =	simm.s32 $0xB900  }
0xbc: {  	[tilespmem:s15], [sflag:$0x2] =	stream.indirect_vreg.gather [hbm4b:s7+s3], $0x80, v3, vm0, $0xb8;
	[tilespmem:$0x10100] =	vst v63  }
0xbd: {  	v3 =	vld [tilespmem:$0x70];
	_ =	sdelay $0x4  }
0xbe: {  	v55 =	vshll.u32 v3, $0x3  }
0xbf: {  	v3 =	vand.u32 $0x7, v3;
	v4 =	vand.u32 $0xFFFFFFC0, v55  }
0xc0: {  	v3 =	vor.u32 v3, v4  }
0xc1: {  	v4 =	vperm.xlane v3, v0;
	_ =	sdelay $0x1  }
0xc2: {  	v4 =	vadd.s32 v1, v4;
	_ =	sdelay $0x3  }
0xc3: {  	s18 =	simm.s32 $0xC100  }
0xc4: {  	[tilespmem:s18], [sflag:$0x2] =	stream.indirect_vreg.gather [hbm4b:s1+s3], $0x80, v4, vm0, $0xb8;
	[tilespmem:$0x10100] =	vst v63  }
0xc5: {  	s21 =	simm.s32 $0xC900;
	v3 =	vperm.xlane v3, v2  }
0xc6: {  	[tilespmem:s21], [sflag:$0x2] =	stream.indirect_vreg.gather [hbm4b:s5+s3], $0x80, v4, vm0, $0xb8;
	[tilespmem:$0x10100] =	vst v63  }
0xc7: {  	v3 =	vadd.s32 v1, v3;
	s18 =	simm.s32 $0xD100  }
0xc8: {  	[tilespmem:s18], [sflag:$0x2] =	stream.indirect_vreg.gather [hbm4b:s6+s3], $0x80, v4, vm0, $0xb8;
	[tilespmem:$0x10100] =	vst v63  }
0xc9: {  	s21 =	simm.s32 $0xD900  }
0xca: {  	[tilespmem:s21], [sflag:$0x2] =	stream.indirect_vreg.gather [hbm4b:s7+s3], $0x80, v4, vm0, $0xb8;
	[tilespmem:$0x10100] =	vst v63  }
0xcb: {  	s18 =	simm.s32 $0xE100  }
0xcc: {  	[tilespmem:s18], [sflag:$0x2] =	stream.indirect_vreg.gather [hbm4b:s1+s3], $0x80, v3, vm0, $0xb8;
	[tilespmem:$0x10100] =	vst v63  }
0xcd: {  	s21 =	simm.s32 $0xE900  }
0xce: {  	[tilespmem:s21], [sflag:$0x2] =	stream.indirect_vreg.gather [hbm4b:s5+s3], $0x80, v3, vm0, $0xb8;
	[tilespmem:$0x10100] =	vst v63  }
0xcf: {  	s18 =	simm.s32 $0xF100  }
0xd0: {  	[tilespmem:s18], [sflag:$0x2] =	stream.indirect_vreg.gather [hbm4b:s6+s3], $0x80, v3, vm0, $0xb8;
	[tilespmem:$0x10100] =	vst v63  }
0xd1: {  	s21 =	simm.s32 $0xF900  }
0xd2: {  	[tilespmem:s21], [sflag:$0x2] =	stream.indirect_vreg.gather [hbm4b:s7+s3], $0x80, v3, vm0, $0xb8;
	[tilespmem:$0x10100] =	vst v63  }
0xd3: {  	_ =	swait.ge [sflag:s19], $0x8000  }
0xd4: {  	[sflag:s19] =	ssyncset.done $0x0  }
0xd5: {  	s18 =	rddreg [dreg:$0x6];
	[sflag:s19] =	ssyncadd.s32 $0xFFFF8000  }
0xd6: {  	[hbm4b:s18+s3] =	stream.linear.scatter [tilespmem:s10], [sflag:$0x3], $0x8000, $0x38;
	[tilespmem:$0x10100] =	vst v63  }
0xd7: {  	_ =	swait.ge [sflag:s9], $0x8000  }
0xd8: {  	[sflag:s9] =	ssyncset.done $0x0  }
0xd9: {  	[sflag:s9] =	ssyncadd.s32 $0xFFFF8000  }
0xda: {  	v3 =	vld [tilespmem:$0x80];
	_ =	sdelay $0x4  }
0xdb: {  	v56 =	vshll.u32 v3, $0x3  }
0xdc: {  	v3 =	vand.u32 $0x7, v3;
	v4 =	vand.u32 $0xFFFFFFC0, v56  }
0xdd: {  	v3 =	vor.u32 v3, v4  }
0xde: {  	v4 =	vperm.xlane v3, v0;
	_ =	sdelay $0x1  }
0xdf: {  	v4 =	vadd.s32 v1, v4;
	_ =	sdelay $0x4  }
0xe0: {  	[tilespmem:s10], [sflag:$0x1] =	stream.indirect_vreg.gather [hbm4b:s1+s3], $0x80, v4, vm0, $0xb8;
	[tilespmem:$0x10100] =	vst v63  }
0xe1: {  	v3 =	vperm.xlane v3, v2  }
0xe2: {  	[tilespmem:s22], [sflag:$0x1] =	stream.indirect_vreg.gather [hbm4b:s5+s3], $0x80, v4, vm0, $0xb8;
	[tilespmem:$0x10100] =	vst v63  }
0xe3: {  	v3 =	vadd.s32 v1, v3  }
0xe4: {  	[tilespmem:s23], [sflag:$0x1] =	stream.indirect_vreg.gather [hbm4b:s6+s3], $0x80, v4, vm0, $0xb8;
	[tilespmem:$0x10100] =	vst v63  }
0xe5: {  	_ = 	snop  }
0xe6: {  	[tilespmem:s24], [sflag:$0x1] =	stream.indirect_vreg.gather [hbm4b:s7+s3], $0x80, v4, vm0, $0xb8;
	[tilespmem:$0x10100] =	vst v63  }
0xe7: {  	_ = 	snop  }
0xe8: {  	[tilespmem:s25], [sflag:$0x1] =	stream.indirect_vreg.gather [hbm4b:s1+s3], $0x80, v3, vm0, $0xb8;
	[tilespmem:$0x10100] =	vst v63  }
0xe9: {  	_ = 	snop  }
0xea: {  	[tilespmem:s28], [sflag:$0x1] =	stream.indirect_vreg.gather [hbm4b:s5+s3], $0x80, v3, vm0, $0xb8;
	[tilespmem:$0x10100] =	vst v63  }
0xeb: {  	_ = 	snop  }
0xec: {  	[tilespmem:s29], [sflag:$0x1] =	stream.indirect_vreg.gather [hbm4b:s6+s3], $0x80, v3, vm0, $0xb8;
	[tilespmem:$0x10100] =	vst v63  }
0xed: {  	_ = 	snop  }
0xee: {  	[tilespmem:s30], [sflag:$0x1] =	stream.indirect_vreg.gather [hbm4b:s7+s3], $0x80, v3, vm0, $0xb8;
	[tilespmem:$0x10100] =	vst v63  }
0xef: {  	v3 =	vld [tilespmem:$0x90];
	_ =	sdelay $0x4  }
0xf0: {  	v57 =	vshll.u32 v3, $0x3  }
0xf1: {  	v3 =	vand.u32 $0x7, v3;
	v4 =	vand.u32 $0xFFFFFFC0, v57  }
0xf2: {  	v3 =	vor.u32 v3, v4  }
0xf3: {  	v4 =	vperm.xlane v3, v0;
	_ =	sdelay $0x1  }
0xf4: {  	v4 =	vadd.s32 v1, v4;
	_ =	sdelay $0x4  }
0xf5: {  	[tilespmem:s31], [sflag:$0x1] =	stream.indirect_vreg.gather [hbm4b:s1+s3], $0x80, v4, vm0, $0xb8;
	[tilespmem:$0x10100] =	vst v63  }
0xf6: {  	v3 =	vperm.xlane v3, v2  }
0xf7: {  	[tilespmem:s17], [sflag:$0x1] =	stream.indirect_vreg.gather [hbm4b:s5+s3], $0x80, v4, vm0, $0xb8;
	[tilespmem:$0x10100] =	vst v63  }
0xf8: {  	v3 =	vadd.s32 v1, v3  }
0xf9: {  	[tilespmem:s16], [sflag:$0x1] =	stream.indirect_vreg.gather [hbm4b:s6+s3], $0x80, v4, vm0, $0xb8;
	[tilespmem:$0x10100] =	vst v63  }
0xfa: {  	_ = 	snop  }
0xfb: {  	[tilespmem:s4], [sflag:$0x1] =	stream.indirect_vreg.gather [hbm4b:s7+s3], $0x80, v4, vm0, $0xb8;
	[tilespmem:$0x10100] =	vst v63  }
0xfc: {  	_ = 	snop  }
0xfd: {  	[tilespmem:s11], [sflag:$0x1] =	stream.indirect_vreg.gather [hbm4b:s1+s3], $0x80, v3, vm0, $0xb8;
	[tilespmem:$0x10100] =	vst v63  }
0xfe: {  	_ = 	snop  }
0xff: {  	[tilespmem:s12], [sflag:$0x1] =	stream.indirect_vreg.gather [hbm4b:s5+s3], $0x80, v3, vm0, $0xb8;
	[tilespmem:$0x10100] =	vst v63  }
0x100: {  	_ = 	snop  }
0x101: {  	[tilespmem:s13], [sflag:$0x1] =	stream.indirect_vreg.gather [hbm4b:s6+s3], $0x80, v3, vm0, $0xb8;
	[tilespmem:$0x10100] =	vst v63  }
0x102: {  	_ = 	snop  }
0x103: {  	[tilespmem:s14], [sflag:$0x1] =	stream.indirect_vreg.gather [hbm4b:s7+s3], $0x80, v3, vm0, $0xb8;
	[tilespmem:$0x10100] =	vst v63  }
0x104: {  	_ =	swait.ge [sflag:s20], $0x8000  }
0x105: {  	[sflag:s20] =	ssyncset.done $0x0  }
0x106: {  	s15 =	rddreg [dreg:$0x7];
	[sflag:s20] =	ssyncadd.s32 $0xFFFF8000  }
0x107: {  	[hbm4b:s15+s3] =	stream.linear.scatter [tilespmem:s26], [sflag:$0x3], $0x8000, $0x38;
	[tilespmem:$0x10100] =	vst v63  }
0x108: {  	_ =	swait.ge [sflag:s9], $0x8000  }
0x109: {  	[sflag:s9] =	ssyncset.done $0x0  }
0x10a: {  	[sflag:s9] =	ssyncadd.s32 $0xFFFF8000  }
0x10b: {  	v3 =	vld [tilespmem:$0xA0];
	_ =	sdelay $0x4  }
0x10c: {  	v58 =	vshll.u32 v3, $0x3  }
0x10d: {  	v3 =	vand.u32 $0x7, v3;
	v4 =	vand.u32 $0xFFFFFFC0, v58  }
0x10e: {  	v3 =	vor.u32 v3, v4  }
0x10f: {  	v4 =	vperm.xlane v3, v0;
	_ =	sdelay $0x1  }
0x110: {  	v4 =	vadd.s32 v1, v4;
	_ =	sdelay $0x4  }
0x111: {  	[tilespmem:s26], [sflag:$0x2] =	stream.indirect_vreg.gather [hbm4b:s1+s3], $0x80, v4, vm0, $0xb8;
	[tilespmem:$0x10100] =	vst v63  }
0x112: {  	s18 =	simm.s32 $0x8900;
	v3 =	vperm.xlane v3, v2  }
0x113: {  	[tilespmem:s18], [sflag:$0x2] =	stream.indirect_vreg.gather [hbm4b:s5+s3], $0x80, v4, vm0, $0xb8;
	[tilespmem:$0x10100] =	vst v63  }
0x114: {  	v3 =	vadd.s32 v1, v3  }
0x115: {  	[tilespmem:s0], [sflag:$0x2] =	stream.indirect_vreg.gather [hbm4b:s6+s3], $0x80, v4, vm0, $0xb8;
	[tilespmem:$0x10100] =	vst v63  }
0x116: {  	_ = 	snop  }
0x117: {  	[tilespmem:s2], [sflag:$0x2] =	stream.indirect_vreg.gather [hbm4b:s7+s3], $0x80, v4, vm0, $0xb8;
	[tilespmem:$0x10100] =	vst v63  }
0x118: {  	s21 =	simm.s32 $0xA100  }
0x119: {  	[tilespmem:s21], [sflag:$0x2] =	stream.indirect_vreg.gather [hbm4b:s1+s3], $0x80, v3, vm0, $0xb8;
	[tilespmem:$0x10100] =	vst v63  }
0x11a: {  	s18 =	simm.s32 $0xA900  }
0x11b: {  	[tilespmem:s18], [sflag:$0x2] =	stream.indirect_vreg.gather [hbm4b:s5+s3], $0x80, v3, vm0, $0xb8;
	[tilespmem:$0x10100] =	vst v63  }
0x11c: {  	s21 =	simm.s32 $0xB100  }
0x11d: {  	[tilespmem:s21], [sflag:$0x2] =	stream.indirect_vreg.gather [hbm4b:s6+s3], $0x80, v3, vm0, $0xb8;
	[tilespmem:$0x10100] =	vst v63  }
0x11e: {  	s21 =	simm.s32 $0xB900  }
0x11f: {  	[tilespmem:s21], [sflag:$0x2] =	stream.indirect_vreg.gather [hbm4b:s7+s3], $0x80, v3, vm0, $0xb8;
	[tilespmem:$0x10100] =	vst v63  }
0x120: {  	v3 =	vld [tilespmem:$0xB0];
	_ =	sdelay $0x4  }
0x121: {  	v59 =	vshll.u32 v3, $0x3  }
0x122: {  	v3 =	vand.u32 $0x7, v3;
	v4 =	vand.u32 $0xFFFFFFC0, v59  }
0x123: {  	v3 =	vor.u32 v3, v4  }
0x124: {  	v4 =	vperm.xlane v3, v0;
	_ =	sdelay $0x1  }
0x125: {  	v4 =	vadd.s32 v1, v4;
	_ =	sdelay $0x3  }
0x126: {  	s21 =	simm.s32 $0xC100  }
0x127: {  	[tilespmem:s21], [sflag:$0x2] =	stream.indirect_vreg.gather [hbm4b:s1+s3], $0x80, v4, vm0, $0xb8;
	[tilespmem:$0x10100] =	vst v63  }
0x128: {  	v3 =	vperm.xlane v3, v2;
	s21 =	simm.s32 $0xC900  }
0x129: {  	[tilespmem:s21], [sflag:$0x2] =	stream.indirect_vreg.gather [hbm4b:s5+s3], $0x80, v4, vm0, $0xb8;
	[tilespmem:$0x10100] =	vst v63  }
0x12a: {  	v3 =	vadd.s32 v1, v3;
	s21 =	simm.s32 $0xD100  }
0x12b: {  	[tilespmem:s21], [sflag:$0x2] =	stream.indirect_vreg.gather [hbm4b:s6+s3], $0x80, v4, vm0, $0xb8;
	[tilespmem:$0x10100] =	vst v63  }
0x12c: {  	s21 =	simm.s32 $0xD900  }
0x12d: {  	[tilespmem:s21], [sflag:$0x2] =	stream.indirect_vreg.gather [hbm4b:s7+s3], $0x80, v4, vm0, $0xb8;
	[tilespmem:$0x10100] =	vst v63  }
0x12e: {  	s21 =	simm.s32 $0xE100  }
0x12f: {  	[tilespmem:s21], [sflag:$0x2] =	stream.indirect_vreg.gather [hbm4b:s1+s3], $0x80, v3, vm0, $0xb8;
	[tilespmem:$0x10100] =	vst v63  }
0x130: {  	s21 =	simm.s32 $0xE900  }
0x131: {  	[tilespmem:s21], [sflag:$0x2] =	stream.indirect_vreg.gather [hbm4b:s5+s3], $0x80, v3, vm0, $0xb8;
	[tilespmem:$0x10100] =	vst v63  }
0x132: {  	s21 =	simm.s32 $0xF100  }
0x133: {  	[tilespmem:s21], [sflag:$0x2] =	stream.indirect_vreg.gather [hbm4b:s6+s3], $0x80, v3, vm0, $0xb8;
	[tilespmem:$0x10100] =	vst v63  }
0x134: {  	s21 =	simm.s32 $0xF900  }
0x135: {  	[tilespmem:s21], [sflag:$0x2] =	stream.indirect_vreg.gather [hbm4b:s7+s3], $0x80, v3, vm0, $0xb8;
	[tilespmem:$0x10100] =	vst v63  }
0x136: {  	_ =	swait.ge [sflag:s19], $0x8000  }
0x137: {  	[sflag:s19] =	ssyncset.done $0x0  }
0x138: {  	s21 =	rddreg [dreg:$0x8];
	[sflag:s19] =	ssyncadd.s32 $0xFFFF8000  }
0x139: {  	[hbm4b:s21+s3] =	stream.linear.scatter [tilespmem:s10], [sflag:$0x3], $0x8000, $0x38;
	[tilespmem:$0x10100] =	vst v63  }
0x13a: {  	_ =	swait.ge [sflag:s9], $0x8000  }
0x13b: {  	[sflag:s9] =	ssyncset.done $0x0  }
0x13c: {  	[sflag:s9] =	ssyncadd.s32 $0xFFFF8000  }
0x13d: {  	v3 =	vld [tilespmem:$0xC0];
	_ =	sdelay $0x4  }
0x13e: {  	v60 =	vshll.u32 v3, $0x3  }
0x13f: {  	v3 =	vand.u32 $0x7, v3;
	v4 =	vand.u32 $0xFFFFFFC0, v60  }
0x140: {  	v3 =	vor.u32 v3, v4  }
0x141: {  	v4 =	vperm.xlane v3, v0;
	_ =	sdelay $0x1  }
0x142: {  	v4 =	vadd.s32 v1, v4;
	_ =	sdelay $0x4  }
0x143: {  	[tilespmem:s10], [sflag:$0x1] =	stream.indirect_vreg.gather [hbm4b:s1+s3], $0x80, v4, vm0, $0xb8;
	[tilespmem:$0x10100] =	vst v63  }
0x144: {  	v3 =	vperm.xlane v3, v2  }
0x145: {  	[tilespmem:s22], [sflag:$0x1] =	stream.indirect_vreg.gather [hbm4b:s5+s3], $0x80, v4, vm0, $0xb8;
	[tilespmem:$0x10100] =	vst v63  }
0x146: {  	v3 =	vadd.s32 v1, v3  }
0x147: {  	[tilespmem:s23], [sflag:$0x1] =	stream.indirect_vreg.gather [hbm4b:s6+s3], $0x80, v4, vm0, $0xb8;
	[tilespmem:$0x10100] =	vst v63  }
0x148: {  	_ = 	snop  }
0x149: {  	[tilespmem:s24], [sflag:$0x1] =	stream.indirect_vreg.gather [hbm4b:s7+s3], $0x80, v4, vm0, $0xb8;
	[tilespmem:$0x10100] =	vst v63  }
0x14a: {  	_ = 	snop  }
0x14b: {  	[tilespmem:s25], [sflag:$0x1] =	stream.indirect_vreg.gather [hbm4b:s1+s3], $0x80, v3, vm0, $0xb8;
	[tilespmem:$0x10100] =	vst v63  }
0x14c: {  	_ = 	snop  }
0x14d: {  	[tilespmem:s28], [sflag:$0x1] =	stream.indirect_vreg.gather [hbm4b:s5+s3], $0x80, v3, vm0, $0xb8;
	[tilespmem:$0x10100] =	vst v63  }
0x14e: {  	_ = 	snop  }
0x14f: {  	[tilespmem:s29], [sflag:$0x1] =	stream.indirect_vreg.gather [hbm4b:s6+s3], $0x80, v3, vm0, $0xb8;
	[tilespmem:$0x10100] =	vst v63  }
0x150: {  	_ = 	snop  }
0x151: {  	[tilespmem:s30], [sflag:$0x1] =	stream.indirect_vreg.gather [hbm4b:s7+s3], $0x80, v3, vm0, $0xb8;
	[tilespmem:$0x10100] =	vst v63  }
0x152: {  	v3 =	vld [tilespmem:$0xD0];
	_ =	sdelay $0x4  }
0x153: {  	v61 =	vshll.u32 v3, $0x3  }
0x154: {  	v3 =	vand.u32 $0x7, v3;
	v4 =	vand.u32 $0xFFFFFFC0, v61  }
0x155: {  	v3 =	vor.u32 v3, v4  }
0x156: {  	v4 =	vperm.xlane v3, v0;
	_ =	sdelay $0x1  }
0x157: {  	v4 =	vadd.s32 v1, v4;
	_ =	sdelay $0x4  }
0x158: {  	[tilespmem:s31], [sflag:$0x1] =	stream.indirect_vreg.gather [hbm4b:s1+s3], $0x80, v4, vm0, $0xb8;
	[tilespmem:$0x10100] =	vst v63  }
0x159: {  	v3 =	vperm.xlane v3, v2  }
0x15a: {  	[tilespmem:s17], [sflag:$0x1] =	stream.indirect_vreg.gather [hbm4b:s5+s3], $0x80, v4, vm0, $0xb8;
	[tilespmem:$0x10100] =	vst v63  }
0x15b: {  	v3 =	vadd.s32 v1, v3  }
0x15c: {  	[tilespmem:s16], [sflag:$0x1] =	stream.indirect_vreg.gather [hbm4b:s6+s3], $0x80, v4, vm0, $0xb8;
	[tilespmem:$0x10100] =	vst v63  }
0x15d: {  	_ = 	snop  }
0x15e: {  	[tilespmem:s4], [sflag:$0x1] =	stream.indirect_vreg.gather [hbm4b:s7+s3], $0x80, v4, vm0, $0xb8;
	[tilespmem:$0x10100] =	vst v63  }
0x15f: {  	_ = 	snop  }
0x160: {  	[tilespmem:s11], [sflag:$0x1] =	stream.indirect_vreg.gather [hbm4b:s1+s3], $0x80, v3, vm0, $0xb8;
	[tilespmem:$0x10100] =	vst v63  }
0x161: {  	_ = 	snop  }
0x162: {  	[tilespmem:s12], [sflag:$0x1] =	stream.indirect_vreg.gather [hbm4b:s5+s3], $0x80, v3, vm0, $0xb8;
	[tilespmem:$0x10100] =	vst v63  }
0x163: {  	_ = 	snop  }
0x164: {  	[tilespmem:s13], [sflag:$0x1] =	stream.indirect_vreg.gather [hbm4b:s6+s3], $0x80, v3, vm0, $0xb8;
	[tilespmem:$0x10100] =	vst v63  }
0x165: {  	_ = 	snop  }
0x166: {  	[tilespmem:s14], [sflag:$0x1] =	stream.indirect_vreg.gather [hbm4b:s7+s3], $0x80, v3, vm0, $0xb8;
	[tilespmem:$0x10100] =	vst v63  }
0x167: {  	_ =	swait.ge [sflag:s20], $0x8000  }
0x168: {  	[sflag:s20] =	ssyncset.done $0x0  }
0x169: {  	s4 =	rddreg [dreg:$0x9];
	[sflag:s20] =	ssyncadd.s32 $0xFFFF8000  }
0x16a: {  	[hbm4b:s4+s3] =	stream.linear.scatter [tilespmem:s26], [sflag:$0x3], $0x8000, $0x38;
	[tilespmem:$0x10100] =	vst v63  }
0x16b: {  	_ =	swait.ge [sflag:s9], $0x8000  }
0x16c: {  	[sflag:s9] =	ssyncset.done $0x0  }
0x16d: {  	[sflag:s9] =	ssyncadd.s32 $0xFFFF8000  }
0x16e: {  	v3 =	vld [tilespmem:$0xE0];
	_ =	sdelay $0x4  }
0x16f: {  	v62 =	vshll.u32 v3, $0x3  }
0x170: {  	v3 =	vand.u32 $0x7, v3;
	v4 =	vand.u32 $0xFFFFFFC0, v62  }
0x171: {  	v3 =	vor.u32 v3, v4  }
0x172: {  	v4 =	vperm.xlane v3, v0;
	_ =	sdelay $0x1  }
0x173: {  	v4 =	vadd.s32 v1, v4;
	_ =	sdelay $0x4  }
0x174: {  	[tilespmem:s26], [sflag:$0x2] =	stream.indirect_vreg.gather [hbm4b:s1+s3], $0x80, v4, vm0, $0xb8;
	[tilespmem:$0x10100] =	vst v63  }
0x175: {  	s21 =	simm.s32 $0x8900;
	v3 =	vperm.xlane v3, v2  }
0x176: {  	[tilespmem:s21], [sflag:$0x2] =	stream.indirect_vreg.gather [hbm4b:s5+s3], $0x80, v4, vm0, $0xb8;
	[tilespmem:$0x10100] =	vst v63  }
0x177: {  	s0 =	simm.s32 $0x9100;
	v3 =	vadd.s32 v1, v3  }
0x178: {  	[tilespmem:s0], [sflag:$0x2] =	stream.indirect_vreg.gather [hbm4b:s6+s3], $0x80, v4, vm0, $0xb8;
	[tilespmem:$0x10100] =	vst v63  }
0x179: {  	s2 =	simm.s32 $0x9900  }
0x17a: {  	[tilespmem:s2], [sflag:$0x2] =	stream.indirect_vreg.gather [hbm4b:s7+s3], $0x80, v4, vm0, $0xb8;
	[tilespmem:$0x10100] =	vst v63  }
0x17b: {  	s4 =	simm.s32 $0xA100  }
0x17c: {  	[tilespmem:s4], [sflag:$0x2] =	stream.indirect_vreg.gather [hbm4b:s1+s3], $0x80, v3, vm0, $0xb8;
	[tilespmem:$0x10100] =	vst v63  }
0x17d: {  	s15 =	simm.s32 $0xA900  }
0x17e: {  	[tilespmem:s15], [sflag:$0x2] =	stream.indirect_vreg.gather [hbm4b:s5+s3], $0x80, v3, vm0, $0xb8;
	[tilespmem:$0x10100] =	vst v63  }
0x17f: {  	s18 =	simm.s32 $0xB100  }
0x180: {  	[tilespmem:s18], [sflag:$0x2] =	stream.indirect_vreg.gather [hbm4b:s6+s3], $0x80, v3, vm0, $0xb8;
	[tilespmem:$0x10100] =	vst v63  }
0x181: {  	s18 =	simm.s32 $0xB900  }
0x182: {  	[tilespmem:s18], [sflag:$0x2] =	stream.indirect_vreg.gather [hbm4b:s7+s3], $0x80, v3, vm0, $0xb8;
	[tilespmem:$0x10100] =	vst v63  }
0x183: {  	v3 =	vld [tilespmem:$0xF0];
	_ =	sdelay $0x4  }
0x184: {  	v63 =	vshll.u32 v3, $0x3  }
0x185: {  	v3 =	vand.u32 $0x7, v3;
	v4 =	vand.u32 $0xFFFFFFC0, v63  }
0x186: {  	v3 =	vor.u32 v3, v4  }
0x187: {  	v4 =	vperm.xlane v3, v0;
	_ =	sdelay $0x1  }
0x188: {  	v4 =	vadd.s32 v1, v4;
	_ =	sdelay $0x3  }
0x189: {  	s21 =	simm.s32 $0xC100  }
0x18a: {  	[tilespmem:s21], [sflag:$0x2] =	stream.indirect_vreg.gather [hbm4b:s1+s3], $0x80, v4, vm0, $0xb8;
	[tilespmem:$0x10100] =	vst v63  }
0x18b: {  	s2 =	simm.s32 $0xC900;
	v3 =	vperm.xlane v3, v2  }
0x18c: {  	[tilespmem:s2], [sflag:$0x2] =	stream.indirect_vreg.gather [hbm4b:s5+s3], $0x80, v4, vm0, $0xb8;
	[tilespmem:$0x10100] =	vst v63  }
0x18d: {  	s4 =	simm.s32 $0xD100;
	v3 =	vadd.s32 v1, v3  }
0x18e: {  	[tilespmem:s4], [sflag:$0x2] =	stream.indirect_vreg.gather [hbm4b:s6+s3], $0x80, v4, vm0, $0xb8;
	[tilespmem:$0x10100] =	vst v63  }
0x18f: {  	s15 =	simm.s32 $0xD900  }
0x190: {  	[tilespmem:s15], [sflag:$0x2] =	stream.indirect_vreg.gather [hbm4b:s7+s3], $0x80, v4, vm0, $0xb8;
	[tilespmem:$0x10100] =	vst v63  }
0x191: {  	s18 =	simm.s32 $0xE100  }
0x192: {  	[tilespmem:s18], [sflag:$0x2] =	stream.indirect_vreg.gather [hbm4b:s1+s3], $0x80, v3, vm0, $0xb8;
	[tilespmem:$0x10100] =	vst v63  }
0x193: {  	s21 =	simm.s32 $0xE900  }
0x194: {  	[tilespmem:s21], [sflag:$0x2] =	stream.indirect_vreg.gather [hbm4b:s5+s3], $0x80, v3, vm0, $0xb8;
	[tilespmem:$0x10100] =	vst v63  }
0x195: {  	s2 =	simm.s32 $0xF100  }
0x196: {  	[tilespmem:s2], [sflag:$0x2] =	stream.indirect_vreg.gather [hbm4b:s6+s3], $0x80, v3, vm0, $0xb8;
	[tilespmem:$0x10100] =	vst v63  }
0x197: {  	s4 =	simm.s32 $0xF900  }
0x198: {  	[tilespmem:s4], [sflag:$0x2] =	stream.indirect_vreg.gather [hbm4b:s7+s3], $0x80, v3, vm0, $0xb8;
	[tilespmem:$0x10100] =	vst v63  }
0x199: {  	_ =	swait.ge [sflag:s19], $0x8000  }
0x19a: {  	[sflag:s19] =	ssyncset.done $0x0  }
0x19b: {  	s15 =	rddreg [dreg:$0xa];
	[sflag:s19] =	ssyncadd.s32 $0xFFFF8000  }
0x19c: {  	[hbm4b:s15+s3] =	stream.linear.scatter [tilespmem:s10], [sflag:$0x3], $0x8000, $0x38;
	[tilespmem:$0x10100] =	vst v63  }
0x19d: {  	_ =	swait.ge [sflag:s9], $0x8000  }
0x19e: {  	[sflag:s9] =	ssyncset.done $0x0  }
0x19f: {  	[sflag:s9] =	ssyncadd.s32 $0xFFFF8000  }
0x1a0: {  	_ =	swait.ge [sflag:s20], $0x8000  }
0x1a1: {  	p0 =	sne.s32 s8, $0x1;
	[sflag:s20] =	ssyncset.done $0x0  }
.Ltmp0:
0x1a2: {  	s18 =	rddreg [dreg:$0xb];
	[sflag:s20] =	ssyncadd.s32 $0xFFFF8000;
	(pc) =	sbr.rel @p0 .LBB2_1-.Ltmp0, $4  }
0x1a3: {  	[hbm4b:s18+s3] =	stream.linear.scatter [tilespmem:s26], [sflag:$0x3], $0x8000, $0x38;
	[tilespmem:$0x10100] =	vst v63  }
0x1a4: {  	_ =	swait.ge [sflag:s9], $0x8000  }
0x1a5: {  	[sflag:s9] =	ssyncset.done $0x0  }
0x1a6: {  	s8 =	sadd.s32 $0xFFFFFFFF, s8;
	[sflag:s9] =	ssyncadd.s32 $0xFFFF8000  }
0x1a7: {  	_ =	sfence.sel $0x180000  }
0x1a8: {  	[bflag:$0x0] =	sbarrier.arrive $0xFFFF  }
0x1a9: {  	_ =	strace $0x90000047  }
0x1aa: {  	s0 =	stileid.u32;
	[bflag:$0x2] =	sbarrier.arrive $0xFFFF  }
0x1ab: {  	p0 =	sne.s32 s0, $0x0;
	s0 =	rddreg [dreg:$0x3]  }
0x1ac: {  	s0 =	sadd.s32 @!p0 $0x100000, s0  }
0x1ad: {  	[sflag:s0] =	ssyncadd.tile.s32 @!p0 $0x1;
	_ =	shalt  }
.Lfunc_end2:
_tile_overlayer_lowered:
.L_overlay_start_2:
0x1ae: {  	(tag) =	ssettag $0x2  }
0x1af: {  	s0 =	rddreg [dreg:$0x0];
	s2 =	stileid.u32  }
0x1b0: {  	s1 =	rddreg [dreg:$0x1];
	p0 =	sne.s32 s2, $0x0  }
0x1b1: {  	s3 =	rddreg [dreg:$0x2];
	[bflag:$0x3] =	sbarrier.arrive $0xFFFF;
	s2 =	simm.s32 @!p0 $0x1C03  }
0x1b2: {  	[timem:s3], [sflag:s2] =	dma.local @!p0 [hbm:s0], s1  }
0x1b3: {  	s0 =	simm.s32 @!p0 $0x3  }
0x1b4: {  	_ =	swait.ge @!p0 [sflag:s0], s1  }
0x1b5: {  	s1 =	ssub.s32 @!p0 $0x0, s1;
	[sflag:s0] =	ssyncset.done @!p0 $0x0  }
0x1b6: {  	[sflag:s0] =	ssyncadd.s32 @!p0 s1  }
0x1b7: {  	[bflag:$0x3] =	sbarrier.arrive $0xFFFF  }
0x1b8: {  	_ =	shalt  }

</sc_bundles>
